<compile_context>
chip_gen: v7x
topology: tpu7x:2x2x1
jax: 0.10.2.dev20260603
libtpu: 0.0.44.dev20260713+nightly
codegen_flags: <defaults>
</compile_context>

<pallas_src>
import functools

import jax
import jax.numpy as jnp
from jax import lax
from jax.experimental import pallas as pl
from jax.experimental.pallas import tpu as pltpu
from jax.experimental.pallas import tpu_sc as plsc

N = 10000
E = 320000
G = 128
NP = 10112
RPT = NP // 16
NPA = 10240
RPTA = NPA // 16
K = 128
EP = 323584
EPT = EP // 16
NCH = EPT // K
EPT_A = EP // 32
NCH_A = EPT_A // K
PAD_E = EP - E
PAD_ROWS = NP - N

_mesh = plsc.VectorSubcoreMesh(core_axis_name="c", subcore_axis_name="s")


@functools.partial(
    pl.kernel,
    mesh=_mesh,
    out_type=jax.ShapeDtypeStruct((2 * NPA,), jnp.float32),
    scratch_types=[
        pltpu.VMEM((NCH_A, K), jnp.int32),
        pltpu.VMEM((K,), jnp.float32),
        pltpu.VMEM((RPTA,), jnp.float32),
        pltpu.VMEM_SHARED((NPA,), jnp.float32),
    ],
)
def _degree_kernel(col_hbm, deg_hbm, idx_v, ones_v, zeros_v, deg_sh):
    cid = lax.axis_index("c")
    tid = lax.axis_index("s")
    for j in range(RPTA // 16):
        zeros_v[pl.ds(j * 16, 16)] = jnp.zeros((16,), jnp.float32)
    for j in range(K // 16):
        ones_v[pl.ds(j * 16, 16)] = jnp.full((16,), 1.0, jnp.float32)
    rbase = tid * RPTA
    pltpu.sync_copy(zeros_v, deg_sh.at[pl.ds(rbase, RPTA)])
    pltpu.sync_copy(col_hbm.at[cid, tid], idx_v)
    plsc.subcore_barrier()

    def step(j, carry):
        pltpu.sync_copy(ones_v, deg_sh.at[idx_v.at[j]], add=True)
        return carry

    lax.fori_loop(0, NCH_A, step, 0)
    plsc.subcore_barrier()
    pltpu.sync_copy(deg_sh.at[pl.ds(rbase, RPTA)],
                    deg_hbm.at[pl.ds(cid * NPA + rbase, RPTA)])


@functools.partial(
    pl.kernel,
    mesh=_mesh,
    out_type=jax.ShapeDtypeStruct((2 * NP, 128), jnp.float32),
    scratch_types=[
        pltpu.VMEM((3, 2, K), jnp.int32),
        pltpu.VMEM((3, K, 128), jnp.float32),
        pltpu.VMEM_SHARED((NP, 128), jnp.float32),
        pltpu.SemaphoreType.DMA,
        pltpu.SemaphoreType.DMA,
        pltpu.SemaphoreType.DMA,
    ],
)
def _propagate_kernel(g_hbm, rc_hbm, acc_hbm, idx, rows, acc_sh,
                      semg, sems, semi):
    cid = lax.axis_index("c")
    tid = lax.axis_index("s")
    rbase = tid * RPT
    pltpu.sync_copy(g_hbm.at[pl.ds(cid * NP + rbase, RPT)],
                    acc_sh.at[pl.ds(rbase, RPT)])
    pltpu.sync_copy(rc_hbm.at[cid, tid, 0], idx.at[0])
    plsc.subcore_barrier()
    pltpu.async_copy(rc_hbm.at[cid, tid, 1], idx.at[1], semi)
    pltpu.async_copy(g_hbm.at[idx.at[0, 0]], rows.at[0], semg)

    def wait_gather():
        pltpu.make_async_copy(g_hbm.at[pl.ds(0, K)], rows.at[0], semg).wait()

    def wait_scatter():
        pltpu.make_async_copy(rows.at[0], acc_sh.at[pl.ds(0, K)], sems).wait()

    def wait_idx():
        pltpu.make_async_copy(rc_hbm.at[cid, tid, 0], idx.at[0], semi).wait()

    def step(j, carry):
        b = j % 3
        bn = (j + 1) % 3
        bp = (j + 2) % 3
        wait_gather()
        pltpu.async_copy(rows.at[b], acc_sh.at[idx.at[b, 1]], sems, add=True)

        @pl.when(j > 0)
        def _():
            wait_scatter()
        pltpu.async_copy(rc_hbm.at[cid, tid, jnp.minimum(j + 2, NCH - 1)],
                         idx.at[bp], semi)
        wait_idx()
        pltpu.async_copy(g_hbm.at[idx.at[bn, 0]], rows.at[bn], semg)
        return carry

    lax.fori_loop(0, NCH, step, 0)
    wait_gather()
    wait_scatter()
    wait_idx()
    plsc.subcore_barrier()
    pltpu.sync_copy(acc_sh.at[pl.ds(rbase, RPT)],
                    acc_hbm.at[pl.ds(cid * NP + rbase, RPT)])


BLK = 128
NSTEP = NP // BLK


def _dinv_of(deg_ref):
    deg = deg_ref[0] + deg_ref[1] + 1.0
    return lax.rsqrt(jnp.maximum(deg, 1e-12))


def _b1_body(x_ref, deg_ref, w_ref, g_ref):
    dinv = _dinv_of(deg_ref)
    h = jnp.dot(x_ref[...], w_ref[...], preferred_element_type=jnp.float32)
    g = h * dinv[:, None]
    g_ref[0] = g[:, :128]
    g_ref[1] = g[:, 128:]


def _layer_body(acc_ref, deg_ref, w_ref, b_ref, g_ref):
    dinv = _dinv_of(deg_ref)
    acc = jnp.concatenate([acc_ref[0], acc_ref[1]], axis=1)
    t = jnp.maximum(acc * dinv[:, None] + b_ref[...], 0.0)
    g = jnp.dot(t, w_ref[...], preferred_element_type=jnp.float32)
    g = g * dinv[:, None]
    g_ref[0] = g[:, :128]
    g_ref[1] = g[:, 128:]


def _pool_body(acc_ref, deg_ref, batch_ref, b3_ref, wm1_ref, bm1_ref,
               wm2_ref, bm2_ref, out_ref, pooled_acc, cnt_acc):
    i = pl.program_id(0)

    @pl.when(i == 0)
    def _():
        pooled_acc[...] = jnp.zeros_like(pooled_acc)
        cnt_acc[...] = jnp.zeros_like(cnt_acc)

    dinv = _dinv_of(deg_ref)
    h3 = jnp.concatenate([acc_ref[0], acc_ref[1]], axis=1) * dinv[:, None]
    gids = lax.broadcasted_iota(jnp.int32, (G, BLK), 0)
    onehot = (batch_ref[0][None, :] == gids).astype(jnp.float32)
    pooled_acc[...] += jnp.dot(onehot, h3, preferred_element_type=jnp.float32)
    cnt_acc[...] += jnp.dot(onehot, jnp.ones((BLK, 128), jnp.float32),
                            preferred_element_type=jnp.float32)

    @pl.when(i == NSTEP - 1)
    def _():
        cnt = jnp.maximum(cnt_acc[...], 1.0)
        pm = pooled_acc[...] / jnp.concatenate([cnt, cnt], axis=1) + b3_ref[...]
        h = jnp.maximum(
            jnp.dot(pm, wm1_ref[...], preferred_element_type=jnp.float32)
            + bm1_ref[...], 0.0)
        out_ref[...] = (
            jnp.dot(h, wm2_ref[...], preferred_element_type=jnp.float32)
            + bm2_ref[...])


def _b1(x_p, deg2, W1):
    return pl.pallas_call(
        _b1_body,
        grid=(NSTEP,),
        in_specs=[
            pl.BlockSpec((BLK, 128), lambda i: (i, 0)),
            pl.BlockSpec((2, BLK), lambda i: (0, i)),
            pl.BlockSpec((128, 256), lambda i: (0, 0)),
        ],
        out_specs=pl.BlockSpec((2, BLK, 128), lambda i: (0, i, 0)),
        out_shape=jax.ShapeDtypeStruct((2, NP, 128), jnp.float32),
    )(x_p, deg2, W1)


def _layer(acc, deg2, W, b):
    return pl.pallas_call(
        _layer_body,
        grid=(NSTEP,),
        in_specs=[
            pl.BlockSpec((2, BLK, 128), lambda i: (0, i, 0)),
            pl.BlockSpec((2, BLK), lambda i: (0, i)),
            pl.BlockSpec((256, 256), lambda i: (0, 0)),
            pl.BlockSpec((1, 256), lambda i: (0, 0)),
        ],
        out_specs=pl.BlockSpec((2, BLK, 128), lambda i: (0, i, 0)),
        out_shape=jax.ShapeDtypeStruct((2, NP, 128), jnp.float32),
    )(acc, deg2, W, b)


def _pool_mlp(acc, deg2, batch_p, b3, Wm1, bm1, Wm2, bm2):
    return pl.pallas_call(
        _pool_body,
        grid=(NSTEP,),
        in_specs=[
            pl.BlockSpec((2, BLK, 128), lambda i: (0, i, 0)),
            pl.BlockSpec((2, BLK), lambda i: (0, i)),
            pl.BlockSpec((1, BLK), lambda i: (0, i)),
            pl.BlockSpec((1, 256), lambda i: (0, 0)),
            pl.BlockSpec((256, 256), lambda i: (0, 0)),
            pl.BlockSpec((1, 256), lambda i: (0, 0)),
            pl.BlockSpec((256, 128), lambda i: (0, 0)),
            pl.BlockSpec((1, 128), lambda i: (0, 0)),
        ],
        out_specs=pl.BlockSpec((G, 128), lambda i: (0, 0)),
        out_shape=jax.ShapeDtypeStruct((G, 128), jnp.float32),
        scratch_shapes=[
            pltpu.VMEM((G, 256), jnp.float32),
            pltpu.VMEM((G, 128), jnp.float32),
        ],
    )(acc, deg2, batch_p, b3, Wm1, bm1, Wm2, bm2)


def kernel(x, edge_index, batch, W1, b1, W2, b2, W3, b3, Wm1, bm1, Wm2, bm2):
    row = edge_index[0].astype(jnp.int32)
    col = edge_index[1].astype(jnp.int32)
    pad_ids = N + (jnp.arange(PAD_E, dtype=jnp.int32) % PAD_ROWS)
    row_p = jnp.concatenate([row, pad_ids])
    col_p = jnp.concatenate([col, pad_ids])
    row2 = jnp.concatenate([row_p, row_p + NP])
    x_p = jnp.pad(x, ((0, PAD_ROWS), (0, 0)))
    batch_p = jnp.concatenate(
        [batch.astype(jnp.int32), jnp.full((PAD_ROWS,), G, jnp.int32)]
    )[None, :]
    b1r, b2r, b3r = b1[None, :], b2[None, :], b3[None, :]
    bm1r, bm2r = bm1[None, :], bm2[None, :]

    col_a = col_p.reshape(2, 16, NCH_A, K)
    row_c = row2.reshape(2, 16, NCH, 1, K)
    col_c = jnp.broadcast_to(col_p.reshape(1, 16, NCH, 1, K),
                             (2, 16, NCH, 1, K))
    rc = jnp.concatenate([row_c, col_c], axis=3)

    deg = _degree_kernel(col_a)
    deg2 = deg.reshape(2, NPA)[:, :NP]

    g1 = _b1(x_p, deg2, W1).reshape(2 * NP, 128)
    acc1 = _propagate_kernel(g1, rc).reshape(2, NP, 128)
    g2 = _layer(acc1, deg2, W2, b1r).reshape(2 * NP, 128)
    acc2 = _propagate_kernel(g2, rc).reshape(2, NP, 128)
    g3 = _layer(acc2, deg2, W3, b2r).reshape(2 * NP, 128)
    acc3 = _propagate_kernel(g3, rc).reshape(2, NP, 128)

    return _pool_mlp(acc3, deg2, batch_p, b3r, Wm1, bm1r, Wm2, bm2r)

# --- scband reference (transcript-rebuilt; emitter-appended) ---
"""Pipeline reference for scband-graph-encoder-42004780154958 (READ-ONLY COPY).

The authoritative reference and input builder live on the scoring server;
editing this copy changes nothing except your own understanding.
"""

import jax, jax.numpy as jnp
import numpy as np

N = 10000
E = 320000
NUM_GRAPHS = 128
D_IN = 128
D_HID = 256
NHID = 256
NOUT = 128


def gcn_conv(x, edge_index, W, b):
    n = x.shape[0]
    loops = jnp.arange(n, dtype=edge_index.dtype)
    row = jnp.concatenate([edge_index[0], loops])
    col = jnp.concatenate([edge_index[1], loops])
    deg = jax.ops.segment_sum(jnp.ones_like(col, dtype=x.dtype), col, num_segments=n)
    dinv = jax.lax.rsqrt(jnp.maximum(deg, 1e-12))
    norm = dinv[row] * dinv[col]
    h = x @ W
    msg = h[row] * norm[:, None]
    out = jax.ops.segment_sum(msg, col, num_segments=n)
    return out + b


def setup_inputs(seed: int = 0) -> dict:
    key = jax.random.key(seed)
    ks = jax.random.split(key, 16)
    x = jax.random.normal(ks[0], (N, D_IN), dtype=jnp.float32)
    edge_index = jax.random.randint(ks[1], (2, E), 0, N)
    batch = jnp.sort(jax.random.randint(ks[2], (N,), 0, NUM_GRAPHS))

    def lin(k, fan_in, fan_out):
        return jax.random.normal(k, (fan_in, fan_out), dtype=jnp.float32) * (1.0 / np.sqrt(fan_in))

    return {
        "x": x,
        "edge_index": edge_index,
        "batch": batch,
        "W1": lin(ks[3], D_IN, D_HID), "b1": jnp.zeros((D_HID,), jnp.float32),
        "W2": lin(ks[4], D_HID, D_HID), "b2": jnp.zeros((D_HID,), jnp.float32),
        "W3": lin(ks[5], D_HID, D_HID), "b3": jnp.zeros((D_HID,), jnp.float32),
        "Wm1": lin(ks[6], D_HID, NHID), "bm1": jnp.zeros((NHID,), jnp.float32),
        "Wm2": lin(ks[7], NHID, NOUT), "bm2": jnp.zeros((NOUT,), jnp.float32),
    }


def reference(x, edge_index, batch, W1, b1, W2, b2, W3, b3, Wm1, bm1, Wm2, bm2):
    h = jax.nn.relu(gcn_conv(x, edge_index, W1, b1))
    h = jax.nn.relu(gcn_conv(h, edge_index, W2, b2))
    h = gcn_conv(h, edge_index, W3, b3)
    sums = jax.ops.segment_sum(h, batch, num_segments=NUM_GRAPHS)
    cnt = jax.ops.segment_sum(jnp.ones((h.shape[0],), h.dtype), batch, num_segments=NUM_GRAPHS)
    pooled = sums / jnp.maximum(cnt, 1.0)[:, None]
    h = jax.nn.relu(pooled @ Wm1 + bm1)
    out = h @ Wm2 + bm2
    return out

if __name__ == "__main__":
    import jax
    _d = setup_inputs()
    print(jax.jit(kernel)(*tuple(_d.values())))

</pallas_src>

<mosaic_0001>
#map = affine_map<(d0, d1) -> (0, 0, 0, 0)>
#map1 = affine_map<(d0, d1) -> (0)>
module attributes {stable_mosaic.version = 14 : i64} {
  func.func @_degree_kernel(%arg0: i32, %arg1: i32, %arg2: memref<2x16x79x128xi32, #tpu.memory_space<hbm>>, %arg3: memref<20480xf32, #tpu.memory_space<hbm>>, %arg4: memref<79x128xi32, #tpu.memory_space<vmem>>, %arg5: memref<128xf32, #tpu.memory_space<vmem>>, %arg6: memref<640xf32, #tpu.memory_space<vmem>>, %arg7: memref<10240xf32, #tpu.memory_space<vmem_shared>>) attributes {dimension_semantics = [#tpu.dimension_semantics<core_parallel>, #tpu.dimension_semantics<subcore_parallel>], iteration_bounds = array<i64: 2, 16>, scalar_prefetch = 0 : i64, scratch_operands = 4 : i64, tpu.core_type = #tpu.core_type<sc_vector_subcore>, window_params = [{transform_indices = #map}, {transform_indices = #map1}]} {
    %broadcast_in_dim3A = arith.constant 0.000000e+00 : f32
    %broadcast_in_dim3A_0 = vector.broadcast %broadcast_in_dim3A : f32 to vector<16xf32>
    %swap3A = arith.constant 0 : index
    %swap3A_1 = tpu.vector_load %arg6[%swap3A] {strides = array<i32>} : memref<640xf32, #tpu.memory_space<vmem>>, vector<16xf32>,
    %swap3A_2 = vector.shape_cast %swap3A_1 : vector<16xf32> to vector<16xf32>
    %swap3A_3 = vector.shape_cast %broadcast_in_dim3A_0 : vector<16xf32> to vector<16xf32>
    tpu.vector_store %arg6[%swap3A], %swap3A_3 {strides = array<i32>} : memref<640xf32, #tpu.memory_space<vmem>>, vector<16xf32>,
    %broadcast_in_dim3A_4 = arith.constant 0.000000e+00 : f32
    %broadcast_in_dim3A_5 = vector.broadcast %broadcast_in_dim3A_4 : f32 to vector<16xf32>
    %swap3A_6 = arith.constant 16 : index
    %swap3A_7 = tpu.vector_load %arg6[%swap3A_6] {strides = array<i32>} : memref<640xf32, #tpu.memory_space<vmem>>, vector<16xf32>,
    %swap3A_8 = vector.shape_cast %swap3A_7 : vector<16xf32> to vector<16xf32>
    %swap3A_9 = vector.shape_cast %broadcast_in_dim3A_5 : vector<16xf32> to vector<16xf32>
    tpu.vector_store %arg6[%swap3A_6], %swap3A_9 {strides = array<i32>} : memref<640xf32, #tpu.memory_space<vmem>>, vector<16xf32>,
    %broadcast_in_dim3A_10 = arith.constant 0.000000e+00 : f32
    %broadcast_in_dim3A_11 = vector.broadcast %broadcast_in_dim3A_10 : f32 to vector<16xf32>
    %swap3A_12 = arith.constant 32 : index
    %swap3A_13 = tpu.vector_load %arg6[%swap3A_12] {strides = array<i32>} : memref<640xf32, #tpu.memory_space<vmem>>, vector<16xf32>,
    %swap3A_14 = vector.shape_cast %swap3A_13 : vector<16xf32> to vector<16xf32>
    %swap3A_15 = vector.shape_cast %broadcast_in_dim3A_11 : vector<16xf32> to vector<16xf32>
    tpu.vector_store %arg6[%swap3A_12], %swap3A_15 {strides = array<i32>} : memref<640xf32, #tpu.memory_space<vmem>>, vector<16xf32>,
    %broadcast_in_dim3A_16 = arith.constant 0.000000e+00 : f32
    %broadcast_in_dim3A_17 = vector.broadcast %broadcast_in_dim3A_16 : f32 to vector<16xf32>
    %swap3A_18 = arith.constant 48 : index
    %swap3A_19 = tpu.vector_load %arg6[%swap3A_18] {strides = array<i32>} : memref<640xf32, #tpu.memory_space<vmem>>, vector<16xf32>,
    %swap3A_20 = vector.shape_cast %swap3A_19 : vector<16xf32> to vector<16xf32>
    %swap3A_21 = vector.shape_cast %broadcast_in_dim3A_17 : vector<16xf32> to vector<16xf32>
    tpu.vector_store %arg6[%swap3A_18], %swap3A_21 {strides = array<i32>} : memref<640xf32, #tpu.memory_space<vmem>>, vector<16xf32>,
    %broadcast_in_dim3A_22 = arith.constant 0.000000e+00 : f32
    %broadcast_in_dim3A_23 = vector.broadcast %broadcast_in_dim3A_22 : f32 to vector<16xf32>
    %swap3A_24 = arith.constant 64 : index
    %swap3A_25 = tpu.vector_load %arg6[%swap3A_24] {strides = array<i32>} : memref<640xf32, #tpu.memory_space<vmem>>, vector<16xf32>,
    %swap3A_26 = vector.shape_cast %swap3A_25 : vector<16xf32> to vector<16xf32>
    %swap3A_27 = vector.shape_cast %broadcast_in_dim3A_23 : vector<16xf32> to vector<16xf32>
    tpu.vector_store %arg6[%swap3A_24], %swap3A_27 {strides = array<i32>} : memref<640xf32, #tpu.memory_space<vmem>>, vector<16xf32>,
    %broadcast_in_dim3A_28 = arith.constant 0.000000e+00 : f32
    %broadcast_in_dim3A_29 = vector.broadcast %broadcast_in_dim3A_28 : f32 to vector<16xf32>
    %swap3A_30 = arith.constant 80 : index
    %swap3A_31 = tpu.vector_load %arg6[%swap3A_30] {strides = array<i32>} : memref<640xf32, #tpu.memory_space<vmem>>, vector<16xf32>,
    %swap3A_32 = vector.shape_cast %swap3A_31 : vector<16xf32> to vector<16xf32>
    %swap3A_33 = vector.shape_cast %broadcast_in_dim3A_29 : vector<16xf32> to vector<16xf32>
    tpu.vector_store %arg6[%swap3A_30], %swap3A_33 {strides = array<i32>} : memref<640xf32, #tpu.memory_space<vmem>>, vector<16xf32>,
    %broadcast_in_dim3A_34 = arith.constant 0.000000e+00 : f32
    %broadcast_in_dim3A_35 = vector.broadcast %broadcast_in_dim3A_34 : f32 to vector<16xf32>
    %swap3A_36 = arith.constant 96 : index
    %swap3A_37 = tpu.vector_load %arg6[%swap3A_36] {strides = array<i32>} : memref<640xf32, #tpu.memory_space<vmem>>, vector<16xf32>,
    %swap3A_38 = vector.shape_cast %swap3A_37 : vector<16xf32> to vector<16xf32>
    %swap3A_39 = vector.shape_cast %broadcast_in_dim3A_35 : vector<16xf32> to vector<16xf32>
    tpu.vector_store %arg6[%swap3A_36], %swap3A_39 {strides = array<i32>} : memref<640xf32, #tpu.memory_space<vmem>>, vector<16xf32>,
    %broadcast_in_dim3A_40 = arith.constant 0.000000e+00 : f32
    %broadcast_in_dim3A_41 = vector.broadcast %broadcast_in_dim3A_40 : f32 to vector<16xf32>
    %swap3A_42 = arith.constant 112 : index
    %swap3A_43 = tpu.vector_load %arg6[%swap3A_42] {strides = array<i32>} : memref<640xf32, #tpu.memory_space<vmem>>, vector<16xf32>,
    %swap3A_44 = vector.shape_cast %swap3A_43 : vector<16xf32> to vector<16xf32>
    %swap3A_45 = vector.shape_cast %broadcast_in_dim3A_41 : vector<16xf32> to vector<16xf32>
    tpu.vector_store %arg6[%swap3A_42], %swap3A_45 {strides = array<i32>} : memref<640xf32, #tpu.memory_space<vmem>>, vector<16xf32>,
    %broadcast_in_dim3A_46 = arith.constant 0.000000e+00 : f32
    %broadcast_in_dim3A_47 = vector.broadcast %broadcast_in_dim3A_46 : f32 to vector<16xf32>
    %swap3A_48 = arith.constant 128 : index
    %swap3A_49 = tpu.vector_load %arg6[%swap3A_48] {strides = array<i32>} : memref<640xf32, #tpu.memory_space<vmem>>, vector<16xf32>,
    %swap3A_50 = vector.shape_cast %swap3A_49 : vector<16xf32> to vector<16xf32>
    %swap3A_51 = vector.shape_cast %broadcast_in_dim3A_47 : vector<16xf32> to vector<16xf32>
    tpu.vector_store %arg6[%swap3A_48], %swap3A_51 {strides = array<i32>} : memref<640xf32, #tpu.memory_space<vmem>>, vector<16xf32>,
    %broadcast_in_dim3A_52 = arith.constant 0.000000e+00 : f32
    %broadcast_in_dim3A_53 = vector.broadcast %broadcast_in_dim3A_52 : f32 to vector<16xf32>
    %swap3A_54 = arith.constant 144 : index
    %swap3A_55 = tpu.vector_load %arg6[%swap3A_54] {strides = array<i32>} : memref<640xf32, #tpu.memory_space<vmem>>, vector<16xf32>,
    %swap3A_56 = vector.shape_cast %swap3A_55 : vector<16xf32> to vector<16xf32>
    %swap3A_57 = vector.shape_cast %broadcast_in_dim3A_53 : vector<16xf32> to vector<16xf32>
    tpu.vector_store %arg6[%swap3A_54], %swap3A_57 {strides = array<i32>} : memref<640xf32, #tpu.memory_space<vmem>>, vector<16xf32>,
    %broadcast_in_dim3A_58 = arith.constant 0.000000e+00 : f32
    %broadcast_in_dim3A_59 = vector.broadcast %broadcast_in_dim3A_58 : f32 to vector<16xf32>
    %swap3A_60 = arith.constant 160 : index
    %swap3A_61 = tpu.vector_load %arg6[%swap3A_60] {strides = array<i32>} : memref<640xf32, #tpu.memory_space<vmem>>, vector<16xf32>,
    %swap3A_62 = vector.shape_cast %swap3A_61 : vector<16xf32> to vector<16xf32>
    %swap3A_63 = vector.shape_cast %broadcast_in_dim3A_59 : vector<16xf32> to vector<16xf32>
    tpu.vector_store %arg6[%swap3A_60], %swap3A_63 {strides = array<i32>} : memref<640xf32, #tpu.memory_space<vmem>>, vector<16xf32>,
    %broadcast_in_dim3A_64 = arith.constant 0.000000e+00 : f32
    %broadcast_in_dim3A_65 = vector.broadcast %broadcast_in_dim3A_64 : f32 to vector<16xf32>
    %swap3A_66 = arith.constant 176 : index
    %swap3A_67 = tpu.vector_load %arg6[%swap3A_66] {strides = array<i32>} : memref<640xf32, #tpu.memory_space<vmem>>, vector<16xf32>,
    %swap3A_68 = vector.shape_cast %swap3A_67 : vector<16xf32> to vector<16xf32>
    %swap3A_69 = vector.shape_cast %broadcast_in_dim3A_65 : vector<16xf32> to vector<16xf32>
    tpu.vector_store %arg6[%swap3A_66], %swap3A_69 {strides = array<i32>} : memref<640xf32, #tpu.memory_space<vmem>>, vector<16xf32>,
    %broadcast_in_dim3A_70 = arith.constant 0.000000e+00 : f32
    %broadcast_in_dim3A_71 = vector.broadcast %broadcast_in_dim3A_70 : f32 to vector<16xf32>
    %swap3A_72 = arith.constant 192 : index
    %swap3A_73 = tpu.vector_load %arg6[%swap3A_72] {strides = array<i32>} : memref<640xf32, #tpu.memory_space<vmem>>, vector<16xf32>,
    %swap3A_74 = vector.shape_cast %swap3A_73 : vector<16xf32> to vector<16xf32>
    %swap3A_75 = vector.shape_cast %broadcast_in_dim3A_71 : vector<16xf32> to vector<16xf32>
    tpu.vector_store %arg6[%swap3A_72], %swap3A_75 {strides = array<i32>} : memref<640xf32, #tpu.memory_space<vmem>>, vector<16xf32>,
    %broadcast_in_dim3A_76 = arith.constant 0.000000e+00 : f32
    %broadcast_in_dim3A_77 = vector.broadcast %broadcast_in_dim3A_76 : f32 to vector<16xf32>
    %swap3A_78 = arith.constant 208 : index
    %swap3A_79 = tpu.vector_load %arg6[%swap3A_78] {strides = array<i32>} : memref<640xf32, #tpu.memory_space<vmem>>, vector<16xf32>,
    %swap3A_80 = vector.shape_cast %swap3A_79 : vector<16xf32> to vector<16xf32>
    %swap3A_81 = vector.shape_cast %broadcast_in_dim3A_77 : vector<16xf32> to vector<16xf32>
    tpu.vector_store %arg6[%swap3A_78], %swap3A_81 {strides = array<i32>} : memref<640xf32, #tpu.memory_space<vmem>>, vector<16xf32>,
    %broadcast_in_dim3A_82 = arith.constant 0.000000e+00 : f32
    %broadcast_in_dim3A_83 = vector.broadcast %broadcast_in_dim3A_82 : f32 to vector<16xf32>
    %swap3A_84 = arith.constant 224 : index
    %swap3A_85 = tpu.vector_load %arg6[%swap3A_84] {strides = array<i32>} : memref<640xf32, #tpu.memory_space<vmem>>, vector<16xf32>,
    %swap3A_86 = vector.shape_cast %swap3A_85 : vector<16xf32> to vector<16xf32>
    %swap3A_87 = vector.shape_cast %broadcast_in_dim3A_83 : vector<16xf32> to vector<16xf32>
    tpu.vector_store %arg6[%swap3A_84], %swap3A_87 {strides = array<i32>} : memref<640xf32, #tpu.memory_space<vmem>>, vector<16xf32>,
    %broadcast_in_dim3A_88 = arith.constant 0.000000e+00 : f32
    %broadcast_in_dim3A_89 = vector.broadcast %broadcast_in_dim3A_88 : f32 to vector<16xf32>
    %swap3A_90 = arith.constant 240 : index
    %swap3A_91 = tpu.vector_load %arg6[%swap3A_90] {strides = array<i32>} : memref<640xf32, #tpu.memory_space<vmem>>, vector<16xf32>,
    %swap3A_92 = vector.shape_cast %swap3A_91 : vector<16xf32> to vector<16xf32>
    %swap3A_93 = vector.shape_cast %broadcast_in_dim3A_89 : vector<16xf32> to vector<16xf32>
    tpu.vector_store %arg6[%swap3A_90], %swap3A_93 {strides = array<i32>} : memref<640xf32, #tpu.memory_space<vmem>>, vector<16xf32>,
    %broadcast_in_dim3A_94 = arith.constant 0.000000e+00 : f32
    %broadcast_in_dim3A_95 = vector.broadcast %broadcast_in_dim3A_94 : f32 to vector<16xf32>
    %swap3A_96 = arith.constant 256 : index
    %swap3A_97 = tpu.vector_load %arg6[%swap3A_96] {strides = array<i32>} : memref<640xf32, #tpu.memory_space<vmem>>, vector<16xf32>,
    %swap3A_98 = vector.shape_cast %swap3A_97 : vector<16xf32> to vector<16xf32>
    %swap3A_99 = vector.shape_cast %broadcast_in_dim3A_95 : vector<16xf32> to vector<16xf32>
    tpu.vector_store %arg6[%swap3A_96], %swap3A_99 {strides = array<i32>} : memref<640xf32, #tpu.memory_space<vmem>>, vector<16xf32>,
    %broadcast_in_dim3A_100 = arith.constant 0.000000e+00 : f32
    %broadcast_in_dim3A_101 = vector.broadcast %broadcast_in_dim3A_100 : f32 to vector<16xf32>
    %swap3A_102 = arith.constant 272 : index
    %swap3A_103 = tpu.vector_load %arg6[%swap3A_102] {strides = array<i32>} : memref<640xf32, #tpu.memory_space<vmem>>, vector<16xf32>,
    %swap3A_104 = vector.shape_cast %swap3A_103 : vector<16xf32> to vector<16xf32>
    %swap3A_105 = vector.shape_cast %broadcast_in_dim3A_101 : vector<16xf32> to vector<16xf32>
    tpu.vector_store %arg6[%swap3A_102], %swap3A_105 {strides = array<i32>} : memref<640xf32, #tpu.memory_space<vmem>>, vector<16xf32>,
    %broadcast_in_dim3A_106 = arith.constant 0.000000e+00 : f32
    %broadcast_in_dim3A_107 = vector.broadcast %broadcast_in_dim3A_106 : f32 to vector<16xf32>
    %swap3A_108 = arith.constant 288 : index
    %swap3A_109 = tpu.vector_load %arg6[%swap3A_108] {strides = array<i32>} : memref<640xf32, #tpu.memory_space<vmem>>, vector<16xf32>,
    %swap3A_110 = vector.shape_cast %swap3A_109 : vector<16xf32> to vector<16xf32>
    %swap3A_111 = vector.shape_cast %broadcast_in_dim3A_107 : vector<16xf32> to vector<16xf32>
    tpu.vector_store %arg6[%swap3A_108], %swap3A_111 {strides = array<i32>} : memref<640xf32, #tpu.memory_space<vmem>>, vector<16xf32>,
    %broadcast_in_dim3A_112 = arith.constant 0.000000e+00 : f32
    %broadcast_in_dim3A_113 = vector.broadcast %broadcast_in_dim3A_112 : f32 to vector<16xf32>
    %swap3A_114 = arith.constant 304 : index
    %swap3A_115 = tpu.vector_load %arg6[%swap3A_114] {strides = array<i32>} : memref<640xf32, #tpu.memory_space<vmem>>, vector<16xf32>,
    %swap3A_116 = vector.shape_cast %swap3A_115 : vector<16xf32> to vector<16xf32>
    %swap3A_117 = vector.shape_cast %broadcast_in_dim3A_113 : vector<16xf32> to vector<16xf32>
    tpu.vector_store %arg6[%swap3A_114], %swap3A_117 {strides = array<i32>} : memref<640xf32, #tpu.memory_space<vmem>>, vector<16xf32>,
    %broadcast_in_dim3A_118 = arith.constant 0.000000e+00 : f32
    %broadcast_in_dim3A_119 = vector.broadcast %broadcast_in_dim3A_118 : f32 to vector<16xf32>
    %swap3A_120 = arith.constant 320 : index
    %swap3A_121 = tpu.vector_load %arg6[%swap3A_120] {strides = array<i32>} : memref<640xf32, #tpu.memory_space<vmem>>, vector<16xf32>,
    %swap3A_122 = vector.shape_cast %swap3A_121 : vector<16xf32> to vector<16xf32>
    %swap3A_123 = vector.shape_cast %broadcast_in_dim3A_119 : vector<16xf32> to vector<16xf32>
    tpu.vector_store %arg6[%swap3A_120], %swap3A_123 {strides = array<i32>} : memref<640xf32, #tpu.memory_space<vmem>>, vector<16xf32>,
    %broadcast_in_dim3A_124 = arith.constant 0.000000e+00 : f32
    %broadcast_in_dim3A_125 = vector.broadcast %broadcast_in_dim3A_124 : f32 to vector<16xf32>
    %swap3A_126 = arith.constant 336 : index
    %swap3A_127 = tpu.vector_load %arg6[%swap3A_126] {strides = array<i32>} : memref<640xf32, #tpu.memory_space<vmem>>, vector<16xf32>,
    %swap3A_128 = vector.shape_cast %swap3A_127 : vector<16xf32> to vector<16xf32>
    %swap3A_129 = vector.shape_cast %broadcast_in_dim3A_125 : vector<16xf32> to vector<16xf32>
    tpu.vector_store %arg6[%swap3A_126], %swap3A_129 {strides = array<i32>} : memref<640xf32, #tpu.memory_space<vmem>>, vector<16xf32>,
    %broadcast_in_dim3A_130 = arith.constant 0.000000e+00 : f32
    %broadcast_in_dim3A_131 = vector.broadcast %broadcast_in_dim3A_130 : f32 to vector<16xf32>
    %swap3A_132 = arith.constant 352 : index
    %swap3A_133 = tpu.vector_load %arg6[%swap3A_132] {strides = array<i32>} : memref<640xf32, #tpu.memory_space<vmem>>, vector<16xf32>,
    %swap3A_134 = vector.shape_cast %swap3A_133 : vector<16xf32> to vector<16xf32>
    %swap3A_135 = vector.shape_cast %broadcast_in_dim3A_131 : vector<16xf32> to vector<16xf32>
    tpu.vector_store %arg6[%swap3A_132], %swap3A_135 {strides = array<i32>} : memref<640xf32, #tpu.memory_space<vmem>>, vector<16xf32>,
    %broadcast_in_dim3A_136 = arith.constant 0.000000e+00 : f32
    %broadcast_in_dim3A_137 = vector.broadcast %broadcast_in_dim3A_136 : f32 to vector<16xf32>
    %swap3A_138 = arith.constant 368 : index
    %swap3A_139 = tpu.vector_load %arg6[%swap3A_138] {strides = array<i32>} : memref<640xf32, #tpu.memory_space<vmem>>, vector<16xf32>,
    %swap3A_140 = vector.shape_cast %swap3A_139 : vector<16xf32> to vector<16xf32>
    %swap3A_141 = vector.shape_cast %broadcast_in_dim3A_137 : vector<16xf32> to vector<16xf32>
    tpu.vector_store %arg6[%swap3A_138], %swap3A_141 {strides = array<i32>} : memref<640xf32, #tpu.memory_space<vmem>>, vector<16xf32>,
    %broadcast_in_dim3A_142 = arith.constant 0.000000e+00 : f32
    %broadcast_in_dim3A_143 = vector.broadcast %broadcast_in_dim3A_142 : f32 to vector<16xf32>
    %swap3A_144 = arith.constant 384 : index
    %swap3A_145 = tpu.vector_load %arg6[%swap3A_144] {strides = array<i32>} : memref<640xf32, #tpu.memory_space<vmem>>, vector<16xf32>,
    %swap3A_146 = vector.shape_cast %swap3A_145 : vector<16xf32> to vector<16xf32>
    %swap3A_147 = vector.shape_cast %broadcast_in_dim3A_143 : vector<16xf32> to vector<16xf32>
    tpu.vector_store %arg6[%swap3A_144], %swap3A_147 {strides = array<i32>} : memref<640xf32, #tpu.memory_space<vmem>>, vector<16xf32>,
    %broadcast_in_dim3A_148 = arith.constant 0.000000e+00 : f32
    %broadcast_in_dim3A_149 = vector.broadcast %broadcast_in_dim3A_148 : f32 to vector<16xf32>
    %swap3A_150 = arith.constant 400 : index
    %swap3A_151 = tpu.vector_load %arg6[%swap3A_150] {strides = array<i32>} : memref<640xf32, #tpu.memory_space<vmem>>, vector<16xf32>,
    %swap3A_152 = vector.shape_cast %swap3A_151 : vector<16xf32> to vector<16xf32>
    %swap3A_153 = vector.shape_cast %broadcast_in_dim3A_149 : vector<16xf32> to vector<16xf32>
    tpu.vector_store %arg6[%swap3A_150], %swap3A_153 {strides = array<i32>} : memref<640xf32, #tpu.memory_space<vmem>>, vector<16xf32>,
    %broadcast_in_dim3A_154 = arith.constant 0.000000e+00 : f32
    %broadcast_in_dim3A_155 = vector.broadcast %broadcast_in_dim3A_154 : f32 to vector<16xf32>
    %swap3A_156 = arith.constant 416 : index
    %swap3A_157 = tpu.vector_load %arg6[%swap3A_156] {strides = array<i32>} : memref<640xf32, #tpu.memory_space<vmem>>, vector<16xf32>,
    %swap3A_158 = vector.shape_cast %swap3A_157 : vector<16xf32> to vector<16xf32>
    %swap3A_159 = vector.shape_cast %broadcast_in_dim3A_155 : vector<16xf32> to vector<16xf32>
    tpu.vector_store %arg6[%swap3A_156], %swap3A_159 {strides = array<i32>} : memref<640xf32, #tpu.memory_space<vmem>>, vector<16xf32>,
    %broadcast_in_dim3A_160 = arith.constant 0.000000e+00 : f32
    %broadcast_in_dim3A_161 = vector.broadcast %broadcast_in_dim3A_160 : f32 to vector<16xf32>
    %swap3A_162 = arith.constant 432 : index
    %swap3A_163 = tpu.vector_load %arg6[%swap3A_162] {strides = array<i32>} : memref<640xf32, #tpu.memory_space<vmem>>, vector<16xf32>,
    %swap3A_164 = vector.shape_cast %swap3A_163 : vector<16xf32> to vector<16xf32>
    %swap3A_165 = vector.shape_cast %broadcast_in_dim3A_161 : vector<16xf32> to vector<16xf32>
    tpu.vector_store %arg6[%swap3A_162], %swap3A_165 {strides = array<i32>} : memref<640xf32, #tpu.memory_space<vmem>>, vector<16xf32>,
    %broadcast_in_dim3A_166 = arith.constant 0.000000e+00 : f32
    %broadcast_in_dim3A_167 = vector.broadcast %broadcast_in_dim3A_166 : f32 to vector<16xf32>
    %swap3A_168 = arith.constant 448 : index
    %swap3A_169 = tpu.vector_load %arg6[%swap3A_168] {strides = array<i32>} : memref<640xf32, #tpu.memory_space<vmem>>, vector<16xf32>,
    %swap3A_170 = vector.shape_cast %swap3A_169 : vector<16xf32> to vector<16xf32>
    %swap3A_171 = vector.shape_cast %broadcast_in_dim3A_167 : vector<16xf32> to vector<16xf32>
    tpu.vector_store %arg6[%swap3A_168], %swap3A_171 {strides = array<i32>} : memref<640xf32, #tpu.memory_space<vmem>>, vector<16xf32>,
    %broadcast_in_dim3A_172 = arith.constant 0.000000e+00 : f32
    %broadcast_in_dim3A_173 = vector.broadcast %broadcast_in_dim3A_172 : f32 to vector<16xf32>
    %swap3A_174 = arith.constant 464 : index
    %swap3A_175 = tpu.vector_load %arg6[%swap3A_174] {strides = array<i32>} : memref<640xf32, #tpu.memory_space<vmem>>, vector<16xf32>,
    %swap3A_176 = vector.shape_cast %swap3A_175 : vector<16xf32> to vector<16xf32>
    %swap3A_177 = vector.shape_cast %broadcast_in_dim3A_173 : vector<16xf32> to vector<16xf32>
    tpu.vector_store %arg6[%swap3A_174], %swap3A_177 {strides = array<i32>} : memref<640xf32, #tpu.memory_space<vmem>>, vector<16xf32>,
    %broadcast_in_dim3A_178 = arith.constant 0.000000e+00 : f32
    %broadcast_in_dim3A_179 = vector.broadcast %broadcast_in_dim3A_178 : f32 to vector<16xf32>
    %swap3A_180 = arith.constant 480 : index
    %swap3A_181 = tpu.vector_load %arg6[%swap3A_180] {strides = array<i32>} : memref<640xf32, #tpu.memory_space<vmem>>, vector<16xf32>,
    %swap3A_182 = vector.shape_cast %swap3A_181 : vector<16xf32> to vector<16xf32>
    %swap3A_183 = vector.shape_cast %broadcast_in_dim3A_179 : vector<16xf32> to vector<16xf32>
    tpu.vector_store %arg6[%swap3A_180], %swap3A_183 {strides = array<i32>} : memref<640xf32, #tpu.memory_space<vmem>>, vector<16xf32>,
    %broadcast_in_dim3A_184 = arith.constant 0.000000e+00 : f32
    %broadcast_in_dim3A_185 = vector.broadcast %broadcast_in_dim3A_184 : f32 to vector<16xf32>
    %swap3A_186 = arith.constant 496 : index
    %swap3A_187 = tpu.vector_load %arg6[%swap3A_186] {strides = array<i32>} : memref<640xf32, #tpu.memory_space<vmem>>, vector<16xf32>,
    %swap3A_188 = vector.shape_cast %swap3A_187 : vector<16xf32> to vector<16xf32>
    %swap3A_189 = vector.shape_cast %broadcast_in_dim3A_185 : vector<16xf32> to vector<16xf32>
    tpu.vector_store %arg6[%swap3A_186], %swap3A_189 {strides = array<i32>} : memref<640xf32, #tpu.memory_space<vmem>>, vector<16xf32>,
    %broadcast_in_dim3A_190 = arith.constant 0.000000e+00 : f32
    %broadcast_in_dim3A_191 = vector.broadcast %broadcast_in_dim3A_190 : f32 to vector<16xf32>
    %swap3A_192 = arith.constant 512 : index
    %swap3A_193 = tpu.vector_load %arg6[%swap3A_192] {strides = array<i32>} : memref<640xf32, #tpu.memory_space<vmem>>, vector<16xf32>,
    %swap3A_194 = vector.shape_cast %swap3A_193 : vector<16xf32> to vector<16xf32>
    %swap3A_195 = vector.shape_cast %broadcast_in_dim3A_191 : vector<16xf32> to vector<16xf32>
    tpu.vector_store %arg6[%swap3A_192], %swap3A_195 {strides = array<i32>} : memref<640xf32, #tpu.memory_space<vmem>>, vector<16xf32>,
    %broadcast_in_dim3A_196 = arith.constant 0.000000e+00 : f32
    %broadcast_in_dim3A_197 = vector.broadcast %broadcast_in_dim3A_196 : f32 to vector<16xf32>
    %swap3A_198 = arith.constant 528 : index
    %swap3A_199 = tpu.vector_load %arg6[%swap3A_198] {strides = array<i32>} : memref<640xf32, #tpu.memory_space<vmem>>, vector<16xf32>,
    %swap3A_200 = vector.shape_cast %swap3A_199 : vector<16xf32> to vector<16xf32>
    %swap3A_201 = vector.shape_cast %broadcast_in_dim3A_197 : vector<16xf32> to vector<16xf32>
    tpu.vector_store %arg6[%swap3A_198], %swap3A_201 {strides = array<i32>} : memref<640xf32, #tpu.memory_space<vmem>>, vector<16xf32>,
    %broadcast_in_dim3A_202 = arith.constant 0.000000e+00 : f32
    %broadcast_in_dim3A_203 = vector.broadcast %broadcast_in_dim3A_202 : f32 to vector<16xf32>
    %swap3A_204 = arith.constant 544 : index
    %swap3A_205 = tpu.vector_load %arg6[%swap3A_204] {strides = array<i32>} : memref<640xf32, #tpu.memory_space<vmem>>, vector<16xf32>,
    %swap3A_206 = vector.shape_cast %swap3A_205 : vector<16xf32> to vector<16xf32>
    %swap3A_207 = vector.shape_cast %broadcast_in_dim3A_203 : vector<16xf32> to vector<16xf32>
    tpu.vector_store %arg6[%swap3A_204], %swap3A_207 {strides = array<i32>} : memref<640xf32, #tpu.memory_space<vmem>>, vector<16xf32>,
    %broadcast_in_dim3A_208 = arith.constant 0.000000e+00 : f32
    %broadcast_in_dim3A_209 = vector.broadcast %broadcast_in_dim3A_208 : f32 to vector<16xf32>
    %swap3A_210 = arith.constant 560 : index
    %swap3A_211 = tpu.vector_load %arg6[%swap3A_210] {strides = array<i32>} : memref<640xf32, #tpu.memory_space<vmem>>, vector<16xf32>,
    %swap3A_212 = vector.shape_cast %swap3A_211 : vector<16xf32> to vector<16xf32>
    %swap3A_213 = vector.shape_cast %broadcast_in_dim3A_209 : vector<16xf32> to vector<16xf32>
    tpu.vector_store %arg6[%swap3A_210], %swap3A_213 {strides = array<i32>} : memref<640xf32, #tpu.memory_space<vmem>>, vector<16xf32>,
    %broadcast_in_dim3A_214 = arith.constant 0.000000e+00 : f32
    %broadcast_in_dim3A_215 = vector.broadcast %broadcast_in_dim3A_214 : f32 to vector<16xf32>
    %swap3A_216 = arith.constant 576 : index
    %swap3A_217 = tpu.vector_load %arg6[%swap3A_216] {strides = array<i32>} : memref<640xf32, #tpu.memory_space<vmem>>, vector<16xf32>,
    %swap3A_218 = vector.shape_cast %swap3A_217 : vector<16xf32> to vector<16xf32>
    %swap3A_219 = vector.shape_cast %broadcast_in_dim3A_215 : vector<16xf32> to vector<16xf32>
    tpu.vector_store %arg6[%swap3A_216], %swap3A_219 {strides = array<i32>} : memref<640xf32, #tpu.memory_space<vmem>>, vector<16xf32>,
    %broadcast_in_dim3A_220 = arith.constant 0.000000e+00 : f32
    %broadcast_in_dim3A_221 = vector.broadcast %broadcast_in_dim3A_220 : f32 to vector<16xf32>
    %swap3A_222 = arith.constant 592 : index
    %swap3A_223 = tpu.vector_load %arg6[%swap3A_222] {strides = array<i32>} : memref<640xf32, #tpu.memory_space<vmem>>, vector<16xf32>,
    %swap3A_224 = vector.shape_cast %swap3A_223 : vector<16xf32> to vector<16xf32>
    %swap3A_225 = vector.shape_cast %broadcast_in_dim3A_221 : vector<16xf32> to vector<16xf32>
    tpu.vector_store %arg6[%swap3A_222], %swap3A_225 {strides = array<i32>} : memref<640xf32, #tpu.memory_space<vmem>>, vector<16xf32>,
    %broadcast_in_dim3A_226 = arith.constant 0.000000e+00 : f32
    %broadcast_in_dim3A_227 = vector.broadcast %broadcast_in_dim3A_226 : f32 to vector<16xf32>
    %swap3A_228 = arith.constant 608 : index
    %swap3A_229 = tpu.vector_load %arg6[%swap3A_228] {strides = array<i32>} : memref<640xf32, #tpu.memory_space<vmem>>, vector<16xf32>,
    %swap3A_230 = vector.shape_cast %swap3A_229 : vector<16xf32> to vector<16xf32>
    %swap3A_231 = vector.shape_cast %broadcast_in_dim3A_227 : vector<16xf32> to vector<16xf32>
    tpu.vector_store %arg6[%swap3A_228], %swap3A_231 {strides = array<i32>} : memref<640xf32, #tpu.memory_space<vmem>>, vector<16xf32>,
    %broadcast_in_dim3A_232 = arith.constant 0.000000e+00 : f32
    %broadcast_in_dim3A_233 = vector.broadcast %broadcast_in_dim3A_232 : f32 to vector<16xf32>
    %swap3A_234 = arith.constant 624 : index
    %swap3A_235 = tpu.vector_load %arg6[%swap3A_234] {strides = array<i32>} : memref<640xf32, #tpu.memory_space<vmem>>, vector<16xf32>,
    %swap3A_236 = vector.shape_cast %swap3A_235 : vector<16xf32> to vector<16xf32>
    %swap3A_237 = vector.shape_cast %broadcast_in_dim3A_233 : vector<16xf32> to vector<16xf32>
    tpu.vector_store %arg6[%swap3A_234], %swap3A_237 {strides = array<i32>} : memref<640xf32, #tpu.memory_space<vmem>>, vector<16xf32>,
    %broadcast_in_dim3A_238 = arith.constant 1.000000e+00 : f32
    %broadcast_in_dim3A_239 = vector.broadcast %broadcast_in_dim3A_238 : f32 to vector<16xf32>
    %swap3A_240 = arith.constant 0 : index
    %swap3A_241 = tpu.vector_load %arg5[%swap3A_240] {strides = array<i32>} : memref<128xf32, #tpu.memory_space<vmem>>, vector<16xf32>,
    %swap3A_242 = vector.shape_cast %swap3A_241 : vector<16xf32> to vector<16xf32>
    %swap3A_243 = vector.shape_cast %broadcast_in_dim3A_239 : vector<16xf32> to vector<16xf32>
    tpu.vector_store %arg5[%swap3A_240], %swap3A_243 {strides = array<i32>} : memref<128xf32, #tpu.memory_space<vmem>>, vector<16xf32>,
    %broadcast_in_dim3A_244 = arith.constant 1.000000e+00 : f32
    %broadcast_in_dim3A_245 = vector.broadcast %broadcast_in_dim3A_244 : f32 to vector<16xf32>
    %swap3A_246 = arith.constant 16 : index
    %swap3A_247 = tpu.vector_load %arg5[%swap3A_246] {strides = array<i32>} : memref<128xf32, #tpu.memory_space<vmem>>, vector<16xf32>,
    %swap3A_248 = vector.shape_cast %swap3A_247 : vector<16xf32> to vector<16xf32>
    %swap3A_249 = vector.shape_cast %broadcast_in_dim3A_245 : vector<16xf32> to vector<16xf32>
    tpu.vector_store %arg5[%swap3A_246], %swap3A_249 {strides = array<i32>} : memref<128xf32, #tpu.memory_space<vmem>>, vector<16xf32>,
    %broadcast_in_dim3A_250 = arith.constant 1.000000e+00 : f32
    %broadcast_in_dim3A_251 = vector.broadcast %broadcast_in_dim3A_250 : f32 to vector<16xf32>
    %swap3A_252 = arith.constant 32 : index
    %swap3A_253 = tpu.vector_load %arg5[%swap3A_252] {strides = array<i32>} : memref<128xf32, #tpu.memory_space<vmem>>, vector<16xf32>,
    %swap3A_254 = vector.shape_cast %swap3A_253 : vector<16xf32> to vector<16xf32>
    %swap3A_255 = vector.shape_cast %broadcast_in_dim3A_251 : vector<16xf32> to vector<16xf32>
    tpu.vector_store %arg5[%swap3A_252], %swap3A_255 {strides = array<i32>} : memref<128xf32, #tpu.memory_space<vmem>>, vector<16xf32>,
    %broadcast_in_dim3A_256 = arith.constant 1.000000e+00 : f32
    %broadcast_in_dim3A_257 = vector.broadcast %broadcast_in_dim3A_256 : f32 to vector<16xf32>
    %swap3A_258 = arith.constant 48 : index
    %swap3A_259 = tpu.vector_load %arg5[%swap3A_258] {strides = array<i32>} : memref<128xf32, #tpu.memory_space<vmem>>, vector<16xf32>,
    %swap3A_260 = vector.shape_cast %swap3A_259 : vector<16xf32> to vector<16xf32>
    %swap3A_261 = vector.shape_cast %broadcast_in_dim3A_257 : vector<16xf32> to vector<16xf32>
    tpu.vector_store %arg5[%swap3A_258], %swap3A_261 {strides = array<i32>} : memref<128xf32, #tpu.memory_space<vmem>>, vector<16xf32>,
    %broadcast_in_dim3A_262 = arith.constant 1.000000e+00 : f32
    %broadcast_in_dim3A_263 = vector.broadcast %broadcast_in_dim3A_262 : f32 to vector<16xf32>
    %swap3A_264 = arith.constant 64 : index
    %swap3A_265 = tpu.vector_load %arg5[%swap3A_264] {strides = array<i32>} : memref<128xf32, #tpu.memory_space<vmem>>, vector<16xf32>,
    %swap3A_266 = vector.shape_cast %swap3A_265 : vector<16xf32> to vector<16xf32>
    %swap3A_267 = vector.shape_cast %broadcast_in_dim3A_263 : vector<16xf32> to vector<16xf32>
    tpu.vector_store %arg5[%swap3A_264], %swap3A_267 {strides = array<i32>} : memref<128xf32, #tpu.memory_space<vmem>>, vector<16xf32>,
    %broadcast_in_dim3A_268 = arith.constant 1.000000e+00 : f32
    %broadcast_in_dim3A_269 = vector.broadcast %broadcast_in_dim3A_268 : f32 to vector<16xf32>
    %swap3A_270 = arith.constant 80 : index
    %swap3A_271 = tpu.vector_load %arg5[%swap3A_270] {strides = array<i32>} : memref<128xf32, #tpu.memory_space<vmem>>, vector<16xf32>,
    %swap3A_272 = vector.shape_cast %swap3A_271 : vector<16xf32> to vector<16xf32>
    %swap3A_273 = vector.shape_cast %broadcast_in_dim3A_269 : vector<16xf32> to vector<16xf32>
    tpu.vector_store %arg5[%swap3A_270], %swap3A_273 {strides = array<i32>} : memref<128xf32, #tpu.memory_space<vmem>>, vector<16xf32>,
    %broadcast_in_dim3A_274 = arith.constant 1.000000e+00 : f32
    %broadcast_in_dim3A_275 = vector.broadcast %broadcast_in_dim3A_274 : f32 to vector<16xf32>
    %swap3A_276 = arith.constant 96 : index
    %swap3A_277 = tpu.vector_load %arg5[%swap3A_276] {strides = array<i32>} : memref<128xf32, #tpu.memory_space<vmem>>, vector<16xf32>,
    %swap3A_278 = vector.shape_cast %swap3A_277 : vector<16xf32> to vector<16xf32>
    %swap3A_279 = vector.shape_cast %broadcast_in_dim3A_275 : vector<16xf32> to vector<16xf32>
    tpu.vector_store %arg5[%swap3A_276], %swap3A_279 {strides = array<i32>} : memref<128xf32, #tpu.memory_space<vmem>>, vector<16xf32>,
    %broadcast_in_dim3A_280 = arith.constant 1.000000e+00 : f32
    %broadcast_in_dim3A_281 = vector.broadcast %broadcast_in_dim3A_280 : f32 to vector<16xf32>
    %swap3A_282 = arith.constant 112 : index
    %swap3A_283 = tpu.vector_load %arg5[%swap3A_282] {strides = array<i32>} : memref<128xf32, #tpu.memory_space<vmem>>, vector<16xf32>,
    %swap3A_284 = vector.shape_cast %swap3A_283 : vector<16xf32> to vector<16xf32>
    %swap3A_285 = vector.shape_cast %broadcast_in_dim3A_281 : vector<16xf32> to vector<16xf32>
    tpu.vector_store %arg5[%swap3A_282], %swap3A_285 {strides = array<i32>} : memref<128xf32, #tpu.memory_space<vmem>>, vector<16xf32>,
    %mul3A = arith.constant 640 : i32
    %mul3A_286 = arith.muli %arg1, %mul3A : i32
    "tpu.region"() ({
      %run_scoped3A = tpu.sem_alloc : memref<!tpu.dma_semaphore, #tpu.memory_space<semaphore_mem>>
      %dma_start3A = tpu.memref_slice %arg7[%mul3A_286] : memref<10240xf32, #tpu.memory_space<vmem_shared>> -> memref<640xf32, #tpu.memory_space<vmem_shared>>
      %dma_start3A_295 = tpu.memref_slice %arg7[%mul3A_286] : memref<10240xf32, #tpu.memory_space<vmem_shared>> -> memref<640xf32, #tpu.memory_space<vmem_shared>>
      tpu.enqueue_dma source(%arg6 : memref<640xf32, #tpu.memory_space<vmem>>) target(%dma_start3A_295 : memref<640xf32, #tpu.memory_space<vmem_shared>>) target_semaphore(%run_scoped3A : memref<!tpu.dma_semaphore, #tpu.memory_space<semaphore_mem>>)
      %dma_wait3A = tpu.memref_slice %arg7[%mul3A_286] : memref<10240xf32, #tpu.memory_space<vmem_shared>> -> memref<640xf32, #tpu.memory_space<vmem_shared>>
      %dma_wait3A_296 = tpu.memref_slice %arg7[%mul3A_286] : memref<10240xf32, #tpu.memory_space<vmem_shared>> -> memref<640xf32, #tpu.memory_space<vmem_shared>>
      tpu.wait_dma2 semaphore(%run_scoped3A : memref<!tpu.dma_semaphore, #tpu.memory_space<semaphore_mem>>) src(%arg6 : memref<640xf32, #tpu.memory_space<vmem>>) dst(%dma_wait3A_296 : memref<640xf32, #tpu.memory_space<vmem_shared>>)
      tpu.yield
    }) : () -> ()
    "tpu.region"() ({
      %run_scoped3A = tpu.sem_alloc : memref<!tpu.dma_semaphore, #tpu.memory_space<semaphore_mem>>
      %dma_start3A = arith.constant 0 : i32
      %dma_start3A_295 = arith.constant 0 : i32
      %dma_start3A_296 = tpu.memref_slice %arg2[%arg0, %arg1, %dma_start3A, %dma_start3A_295] : memref<2x16x79x128xi32, #tpu.memory_space<hbm>> -> memref<1x1x79x128xi32, #tpu.memory_space<hbm>>
      %dma_start3A_297 = tpu.memref_squeeze %dma_start3A_296 : memref<1x1x79x128xi32, #tpu.memory_space<hbm>> -> memref<79x128xi32, #tpu.memory_space<hbm>>
      %dma_start3A_298 = arith.constant 0 : i32
      %dma_start3A_299 = arith.constant 0 : i32
      %dma_start3A_300 = tpu.memref_slice %arg2[%arg0, %arg1, %dma_start3A_298, %dma_start3A_299] : memref<2x16x79x128xi32, #tpu.memory_space<hbm>> -> memref<1x1x79x128xi32, #tpu.memory_space<hbm>>
      %dma_start3A_301 = tpu.memref_squeeze %dma_start3A_300 : memref<1x1x79x128xi32, #tpu.memory_space<hbm>> -> memref<79x128xi32, #tpu.memory_space<hbm>>
      tpu.enqueue_dma source(%dma_start3A_301 : memref<79x128xi32, #tpu.memory_space<hbm>>) target(%arg4 : memref<79x128xi32, #tpu.memory_space<vmem>>) target_semaphore(%run_scoped3A : memref<!tpu.dma_semaphore, #tpu.memory_space<semaphore_mem>>)
      %dma_wait3A = arith.constant 0 : i32
      %dma_wait3A_302 = arith.constant 0 : i32
      %dma_wait3A_303 = tpu.memref_slice %arg2[%arg0, %arg1, %dma_wait3A, %dma_wait3A_302] : memref<2x16x79x128xi32, #tpu.memory_space<hbm>> -> memref<1x1x79x128xi32, #tpu.memory_space<hbm>>
      %dma_wait3A_304 = tpu.memref_squeeze %dma_wait3A_303 : memref<1x1x79x128xi32, #tpu.memory_space<hbm>> -> memref<79x128xi32, #tpu.memory_space<hbm>>
      %dma_wait3A_305 = arith.constant 0 : i32
      %dma_wait3A_306 = arith.constant 0 : i32
      %dma_wait3A_307 = tpu.memref_slice %arg2[%arg0, %arg1, %dma_wait3A_305, %dma_wait3A_306] : memref<2x16x79x128xi32, #tpu.memory_space<hbm>> -> memref<1x1x79x128xi32, #tpu.memory_space<hbm>>
      %dma_wait3A_308 = tpu.memref_squeeze %dma_wait3A_307 : memref<1x1x79x128xi32, #tpu.memory_space<hbm>> -> memref<79x128xi32, #tpu.memory_space<hbm>>
      tpu.wait_dma2 semaphore(%run_scoped3A : memref<!tpu.dma_semaphore, #tpu.memory_space<semaphore_mem>>) src(%dma_wait3A_308 : memref<79x128xi32, #tpu.memory_space<hbm>>) dst(%arg4 : memref<79x128xi32, #tpu.memory_space<vmem>>)
      tpu.yield
    }) : () -> ()
    %barrier3A = arith.constant 0 : index
    tpu.barrier barrier_id(%barrier3A)
    %scan3A = arith.constant 0 : i32
    %scan3A_287 = arith.constant 0 : i32
    %scan3A_288 = arith.constant 79 : i32
    %scan3A_289 = arith.addi %scan3A_287, %scan3A_288 : i32
    %scan3A_290 = arith.constant 1 : i32
    scf.for %scan3A_295 = %scan3A_287 to %scan3A_289 step %scan3A_290  : i32 {
      "tpu.region"() ({
        %run_scoped3A = tpu.sem_alloc : memref<!tpu.dma_semaphore, #tpu.memory_space<semaphore_mem>>
        %dma_start3A = arith.constant 0 : i32
        %dma_start3A_296 = tpu.memref_slice %arg4[%scan3A_295, %dma_start3A] : memref<79x128xi32, #tpu.memory_space<vmem>> -> memref<1x128xi32, #tpu.memory_space<vmem>>
        %dma_start3A_297 = tpu.memref_squeeze %dma_start3A_296 : memref<1x128xi32, #tpu.memory_space<vmem>> -> memref<128xi32, #tpu.memory_space<vmem>>
        %dma_start3A_298 = arith.constant 0 : i32
        %dma_start3A_299 = tpu.memref_slice %arg7[%dma_start3A_298] : memref<10240xf32, #tpu.memory_space<vmem_shared>> -> memref<10240xf32, #tpu.memory_space<vmem_shared>>
        tpu.enqueue_indirect_dma source(%arg5 : memref<128xf32, #tpu.memory_space<vmem>>) target(%dma_start3A_299 : memref<10240xf32, #tpu.memory_space<vmem_shared>>) offsets(%dma_start3A_297 : memref<128xi32, #tpu.memory_space<vmem>>) semaphore(%run_scoped3A : memref<!tpu.dma_semaphore, #tpu.memory_space<semaphore_mem>>) {add = true}
        %dma_wait3A = arith.constant 0 : i32
        %dma_wait3A_300 = tpu.memref_slice %arg4[%scan3A_295, %dma_wait3A] : memref<79x128xi32, #tpu.memory_space<vmem>> -> memref<1x128xi32, #tpu.memory_space<vmem>>
        %dma_wait3A_301 = tpu.memref_squeeze %dma_wait3A_300 : memref<1x128xi32, #tpu.memory_space<vmem>> -> memref<128xi32, #tpu.memory_space<vmem>>
        %dma_wait3A_302 = arith.constant 0 : i32
        %dma_wait3A_303 = tpu.memref_slice %arg7[%dma_wait3A_302] : memref<10240xf32, #tpu.memory_space<vmem_shared>> -> memref<10240xf32, #tpu.memory_space<vmem_shared>>
        tpu.wait_indirect_dma semaphore(%run_scoped3A : memref<!tpu.dma_semaphore, #tpu.memory_space<semaphore_mem>>) src(%arg5 : memref<128xf32, #tpu.memory_space<vmem>>) dst(%dma_wait3A_303 : memref<10240xf32, #tpu.memory_space<vmem_shared>>)
        tpu.yield
      }) : () -> ()
    }
    %scan3A_291 = arith.constant 79 : i32
    %barrier3A_292 = arith.constant 0 : index
    tpu.barrier barrier_id(%barrier3A_292)
    %mul3A_293 = arith.constant 10240 : i32
    %mul3A_294 = arith.muli %arg0, %mul3A_293 : i32
    %add3A = arith.addi %mul3A_294, %mul3A_286 : i32
    "tpu.region"() ({
      %run_scoped3A = tpu.sem_alloc : memref<!tpu.dma_semaphore, #tpu.memory_space<semaphore_mem>>
      %dma_start3A = tpu.memref_slice %arg3[%add3A] : memref<20480xf32, #tpu.memory_space<hbm>> -> memref<640xf32, #tpu.memory_space<hbm>>
      %dma_start3A_295 = tpu.memref_slice %arg7[%mul3A_286] : memref<10240xf32, #tpu.memory_space<vmem_shared>> -> memref<640xf32, #tpu.memory_space<vmem_shared>>
      tpu.enqueue_dma source(%dma_start3A_295 : memref<640xf32, #tpu.memory_space<vmem_shared>>) target(%dma_start3A : memref<640xf32, #tpu.memory_space<hbm>>) target_semaphore(%run_scoped3A : memref<!tpu.dma_semaphore, #tpu.memory_space<semaphore_mem>>)
      %dma_wait3A = tpu.memref_slice %arg3[%add3A] : memref<20480xf32, #tpu.memory_space<hbm>> -> memref<640xf32, #tpu.memory_space<hbm>>
      %dma_wait3A_296 = tpu.memref_slice %arg7[%mul3A_286] : memref<10240xf32, #tpu.memory_space<vmem_shared>> -> memref<640xf32, #tpu.memory_space<vmem_shared>>
      tpu.wait_dma2 semaphore(%run_scoped3A : memref<!tpu.dma_semaphore, #tpu.memory_space<semaphore_mem>>) src(%dma_wait3A_296 : memref<640xf32, #tpu.memory_space<vmem_shared>>) dst(%dma_wait3A : memref<640xf32, #tpu.memory_space<hbm>>)
      tpu.yield
    }) : () -> ()
    return
  }
}

#map = affine_map<(d0, d1) -> (0, 0)>
#map1 = affine_map<(d0, d1) -> (0, 0, 0, 0, 0)>
module attributes {stable_mosaic.version = 14 : i64} {
  func.func @_propagate_kernel(%arg0: i32, %arg1: i32, %arg2: memref<20224x128xf32, #tpu.memory_space<hbm>>, %arg3: memref<2x16x158x2x128xi32, #tpu.memory_space<hbm>>, %arg4: memref<20224x128xf32, #tpu.memory_space<hbm>>, %arg5: memref<3x2x128xi32, #tpu.memory_space<vmem>>, %arg6: memref<3x128x128xf32, #tpu.memory_space<vmem>>, %arg7: memref<10112x128xf32, #tpu.memory_space<vmem_shared>>, %arg8: memref<!tpu.dma_semaphore, #tpu.memory_space<semaphore_mem>>, %arg9: memref<!tpu.dma_semaphore, #tpu.memory_space<semaphore_mem>>, %arg10: memref<!tpu.dma_semaphore, #tpu.memory_space<semaphore_mem>>) attributes {dimension_semantics = [#tpu.dimension_semantics<core_parallel>, #tpu.dimension_semantics<subcore_parallel>], iteration_bounds = array<i64: 2, 16>, scalar_prefetch = 0 : i64, scratch_operands = 6 : i64, tpu.core_type = #tpu.core_type<sc_vector_subcore>, window_params = [{transform_indices = #map}, {transform_indices = #map1}, {transform_indices = #map}]} {
    %mul3A = arith.constant 632 : i32
    %mul3A_0 = arith.muli %arg1, %mul3A : i32
    %mul3A_1 = arith.constant 10112 : i32
    %mul3A_2 = arith.muli %arg0, %mul3A_1 : i32
    %add3A = arith.addi %mul3A_2, %mul3A_0 : i32
    "tpu.region"() ({
      %run_scoped3A_90 = tpu.sem_alloc : memref<!tpu.dma_semaphore, #tpu.memory_space<semaphore_mem>>
      %dma_start3A_91 = arith.constant 0 : i32
      %dma_start3A_92 = tpu.memref_slice %arg7[%mul3A_0, %dma_start3A_91] : memref<10112x128xf32, #tpu.memory_space<vmem_shared>> -> memref<632x128xf32, #tpu.memory_space<vmem_shared>>
      %dma_start3A_93 = arith.constant 0 : i32
      %dma_start3A_94 = tpu.memref_slice %arg2[%add3A, %dma_start3A_93] : memref<20224x128xf32, #tpu.memory_space<hbm>> -> memref<632x128xf32, #tpu.memory_space<hbm>>
      tpu.enqueue_dma source(%dma_start3A_94 : memref<632x128xf32, #tpu.memory_space<hbm>>) target(%dma_start3A_92 : memref<632x128xf32, #tpu.memory_space<vmem_shared>>) target_semaphore(%run_scoped3A_90 : memref<!tpu.dma_semaphore, #tpu.memory_space<semaphore_mem>>)
      %dma_wait3A_95 = arith.constant 0 : i32
      %dma_wait3A_96 = tpu.memref_slice %arg7[%mul3A_0, %dma_wait3A_95] : memref<10112x128xf32, #tpu.memory_space<vmem_shared>> -> memref<632x128xf32, #tpu.memory_space<vmem_shared>>
      %dma_wait3A_97 = arith.constant 0 : i32
      %dma_wait3A_98 = tpu.memref_slice %arg2[%add3A, %dma_wait3A_97] : memref<20224x128xf32, #tpu.memory_space<hbm>> -> memref<632x128xf32, #tpu.memory_space<hbm>>
      tpu.wait_dma2 semaphore(%run_scoped3A_90 : memref<!tpu.dma_semaphore, #tpu.memory_space<semaphore_mem>>) src(%dma_wait3A_98 : memref<632x128xf32, #tpu.memory_space<hbm>>) dst(%dma_wait3A_96 : memref<632x128xf32, #tpu.memory_space<vmem_shared>>)
      tpu.yield
    }) : () -> ()
    %run_scoped3A = arith.constant 0 : i32
    %run_scoped3A_3 = arith.constant 0 : i32
    "tpu.region"() ({
      %run_scoped3A_90 = tpu.sem_alloc : memref<!tpu.dma_semaphore, #tpu.memory_space<semaphore_mem>>
      %dma_start3A_91 = arith.constant 0 : i32
      %dma_start3A_92 = arith.constant 0 : i32
      %dma_start3A_93 = tpu.memref_slice %arg5[%run_scoped3A_3, %dma_start3A_91, %dma_start3A_92] : memref<3x2x128xi32, #tpu.memory_space<vmem>> -> memref<1x2x128xi32, #tpu.memory_space<vmem>>
      %dma_start3A_94 = tpu.memref_squeeze %dma_start3A_93 : memref<1x2x128xi32, #tpu.memory_space<vmem>> -> memref<2x128xi32, #tpu.memory_space<vmem>>
      %dma_start3A_95 = arith.constant 0 : i32
      %dma_start3A_96 = arith.constant 0 : i32
      %dma_start3A_97 = tpu.memref_slice %arg3[%arg0, %arg1, %run_scoped3A, %dma_start3A_95, %dma_start3A_96] : memref<2x16x158x2x128xi32, #tpu.memory_space<hbm>> -> memref<1x1x1x2x128xi32, #tpu.memory_space<hbm>>
      %dma_start3A_98 = tpu.memref_squeeze %dma_start3A_97 : memref<1x1x1x2x128xi32, #tpu.memory_space<hbm>> -> memref<2x128xi32, #tpu.memory_space<hbm>>
      %dma_start3A_99 = arith.constant 0 : i32
      %dma_start3A_100 = arith.constant 0 : i32
      %dma_start3A_101 = tpu.memref_slice %arg5[%run_scoped3A_3, %dma_start3A_99, %dma_start3A_100] : memref<3x2x128xi32, #tpu.memory_space<vmem>> -> memref<1x2x128xi32, #tpu.memory_space<vmem>>
      %dma_start3A_102 = tpu.memref_squeeze %dma_start3A_101 : memref<1x2x128xi32, #tpu.memory_space<vmem>> -> memref<2x128xi32, #tpu.memory_space<vmem>>
      %dma_start3A_103 = arith.constant 0 : i32
      %dma_start3A_104 = arith.constant 0 : i32
      %dma_start3A_105 = tpu.memref_slice %arg3[%arg0, %arg1, %run_scoped3A, %dma_start3A_103, %dma_start3A_104] : memref<2x16x158x2x128xi32, #tpu.memory_space<hbm>> -> memref<1x1x1x2x128xi32, #tpu.memory_space<hbm>>
      %dma_start3A_106 = tpu.memref_squeeze %dma_start3A_105 : memref<1x1x1x2x128xi32, #tpu.memory_space<hbm>> -> memref<2x128xi32, #tpu.memory_space<hbm>>
      tpu.enqueue_dma source(%dma_start3A_106 : memref<2x128xi32, #tpu.memory_space<hbm>>) target(%dma_start3A_102 : memref<2x128xi32, #tpu.memory_space<vmem>>) target_semaphore(%run_scoped3A_90 : memref<!tpu.dma_semaphore, #tpu.memory_space<semaphore_mem>>)
      %dma_wait3A_107 = arith.constant 0 : i32
      %dma_wait3A_108 = arith.constant 0 : i32
      %dma_wait3A_109 = tpu.memref_slice %arg5[%run_scoped3A_3, %dma_wait3A_107, %dma_wait3A_108] : memref<3x2x128xi32, #tpu.memory_space<vmem>> -> memref<1x2x128xi32, #tpu.memory_space<vmem>>
      %dma_wait3A_110 = tpu.memref_squeeze %dma_wait3A_109 : memref<1x2x128xi32, #tpu.memory_space<vmem>> -> memref<2x128xi32, #tpu.memory_space<vmem>>
      %dma_wait3A_111 = arith.constant 0 : i32
      %dma_wait3A_112 = arith.constant 0 : i32
      %dma_wait3A_113 = tpu.memref_slice %arg3[%arg0, %arg1, %run_scoped3A, %dma_wait3A_111, %dma_wait3A_112] : memref<2x16x158x2x128xi32, #tpu.memory_space<hbm>> -> memref<1x1x1x2x128xi32, #tpu.memory_space<hbm>>
      %dma_wait3A_114 = tpu.memref_squeeze %dma_wait3A_113 : memref<1x1x1x2x128xi32, #tpu.memory_space<hbm>> -> memref<2x128xi32, #tpu.memory_space<hbm>>
      %dma_wait3A_115 = arith.constant 0 : i32
      %dma_wait3A_116 = arith.constant 0 : i32
      %dma_wait3A_117 = tpu.memref_slice %arg5[%run_scoped3A_3, %dma_wait3A_115, %dma_wait3A_116] : memref<3x2x128xi32, #tpu.memory_space<vmem>> -> memref<1x2x128xi32, #tpu.memory_space<vmem>>
      %dma_wait3A_118 = tpu.memref_squeeze %dma_wait3A_117 : memref<1x2x128xi32, #tpu.memory_space<vmem>> -> memref<2x128xi32, #tpu.memory_space<vmem>>
      %dma_wait3A_119 = arith.constant 0 : i32
      %dma_wait3A_120 = arith.constant 0 : i32
      %dma_wait3A_121 = tpu.memref_slice %arg3[%arg0, %arg1, %run_scoped3A, %dma_wait3A_119, %dma_wait3A_120] : memref<2x16x158x2x128xi32, #tpu.memory_space<hbm>> -> memref<1x1x1x2x128xi32, #tpu.memory_space<hbm>>
      %dma_wait3A_122 = tpu.memref_squeeze %dma_wait3A_121 : memref<1x1x1x2x128xi32, #tpu.memory_space<hbm>> -> memref<2x128xi32, #tpu.memory_space<hbm>>
      tpu.wait_dma2 semaphore(%run_scoped3A_90 : memref<!tpu.dma_semaphore, #tpu.memory_space<semaphore_mem>>) src(%dma_wait3A_122 : memref<2x128xi32, #tpu.memory_space<hbm>>) dst(%dma_wait3A_118 : memref<2x128xi32, #tpu.memory_space<vmem>>)
      tpu.yield
    }) : () -> ()
    %barrier3A = arith.constant 0 : index
    tpu.barrier barrier_id(%barrier3A)
    %dma_start3A = arith.constant 1 : i32
    %dma_start3A_4 = arith.constant 1 : i32
    %dma_start3A_5 = arith.constant 0 : i32
    %dma_start3A_6 = arith.constant 0 : i32
    %dma_start3A_7 = tpu.memref_slice %arg5[%dma_start3A_4, %dma_start3A_5, %dma_start3A_6] : memref<3x2x128xi32, #tpu.memory_space<vmem>> -> memref<1x2x128xi32, #tpu.memory_space<vmem>>
    %dma_start3A_8 = tpu.memref_squeeze %dma_start3A_7 : memref<1x2x128xi32, #tpu.memory_space<vmem>> -> memref<2x128xi32, #tpu.memory_space<vmem>>
    %dma_start3A_9 = arith.constant 0 : i32
    %dma_start3A_10 = arith.constant 0 : i32
    %dma_start3A_11 = tpu.memref_slice %arg3[%arg0, %arg1, %dma_start3A, %dma_start3A_9, %dma_start3A_10] : memref<2x16x158x2x128xi32, #tpu.memory_space<hbm>> -> memref<1x1x1x2x128xi32, #tpu.memory_space<hbm>>
    %dma_start3A_12 = tpu.memref_squeeze %dma_start3A_11 : memref<1x1x1x2x128xi32, #tpu.memory_space<hbm>> -> memref<2x128xi32, #tpu.memory_space<hbm>>
    %dma_start3A_13 = arith.constant 0 : i32
    %dma_start3A_14 = arith.constant 0 : i32
    %dma_start3A_15 = tpu.memref_slice %arg5[%dma_start3A_4, %dma_start3A_13, %dma_start3A_14] : memref<3x2x128xi32, #tpu.memory_space<vmem>> -> memref<1x2x128xi32, #tpu.memory_space<vmem>>
    %dma_start3A_16 = tpu.memref_squeeze %dma_start3A_15 : memref<1x2x128xi32, #tpu.memory_space<vmem>> -> memref<2x128xi32, #tpu.memory_space<vmem>>
    %dma_start3A_17 = arith.constant 0 : i32
    %dma_start3A_18 = arith.constant 0 : i32
    %dma_start3A_19 = tpu.memref_slice %arg3[%arg0, %arg1, %dma_start3A, %dma_start3A_17, %dma_start3A_18] : memref<2x16x158x2x128xi32, #tpu.memory_space<hbm>> -> memref<1x1x1x2x128xi32, #tpu.memory_space<hbm>>
    %dma_start3A_20 = tpu.memref_squeeze %dma_start3A_19 : memref<1x1x1x2x128xi32, #tpu.memory_space<hbm>> -> memref<2x128xi32, #tpu.memory_space<hbm>>
    tpu.enqueue_dma source(%dma_start3A_20 : memref<2x128xi32, #tpu.memory_space<hbm>>) target(%dma_start3A_16 : memref<2x128xi32, #tpu.memory_space<vmem>>) target_semaphore(%arg10 : memref<!tpu.dma_semaphore, #tpu.memory_space<semaphore_mem>>)
    %dma_start3A_21 = arith.constant 0 : i32
    %dma_start3A_22 = arith.constant 0 : i32
    %dma_start3A_23 = arith.constant 0 : i32
    %dma_start3A_24 = arith.constant 0 : i32
    %dma_start3A_25 = arith.constant 0 : i32
    %dma_start3A_26 = tpu.memref_slice %arg6[%dma_start3A_23, %dma_start3A_24, %dma_start3A_25] : memref<3x128x128xf32, #tpu.memory_space<vmem>> -> memref<1x128x128xf32, #tpu.memory_space<vmem>>
    %dma_start3A_27 = tpu.memref_squeeze %dma_start3A_26 : memref<1x128x128xf32, #tpu.memory_space<vmem>> -> memref<128x128xf32, #tpu.memory_space<vmem>>
    %dma_start3A_28 = arith.constant 0 : i32
    %dma_start3A_29 = tpu.memref_slice %arg5[%dma_start3A_21, %dma_start3A_22, %dma_start3A_28] : memref<3x2x128xi32, #tpu.memory_space<vmem>> -> memref<1x1x128xi32, #tpu.memory_space<vmem>>
    %dma_start3A_30 = tpu.memref_squeeze %dma_start3A_29 : memref<1x1x128xi32, #tpu.memory_space<vmem>> -> memref<128xi32, #tpu.memory_space<vmem>>
    %dma_start3A_31 = arith.constant 0 : i32
    %dma_start3A_32 = arith.constant 0 : i32
    %dma_start3A_33 = tpu.memref_slice %arg2[%dma_start3A_31, %dma_start3A_32] : memref<20224x128xf32, #tpu.memory_space<hbm>> -> memref<20224x128xf32, #tpu.memory_space<hbm>>
    tpu.enqueue_indirect_dma source(%dma_start3A_33 : memref<20224x128xf32, #tpu.memory_space<hbm>>) target(%dma_start3A_27 : memref<128x128xf32, #tpu.memory_space<vmem>>) offsets(%dma_start3A_30 : memref<128xi32, #tpu.memory_space<vmem>>) semaphore(%arg8 : memref<!tpu.dma_semaphore, #tpu.memory_space<semaphore_mem>>)
    %scan3A = arith.constant 0 : i32
    %scan3A_34 = arith.constant 0 : i32
    %scan3A_35 = arith.constant 158 : i32
    %scan3A_36 = arith.addi %scan3A_34, %scan3A_35 : i32
    %scan3A_37 = arith.constant 1 : i32
    scf.for %scan3A_90 = %scan3A_34 to %scan3A_36 step %scan3A_37  : i32 {
      %jit3A = arith.constant 3 : i32
      %eq3A = arith.constant 0 : i32
      %eq3A_91 = arith.cmpi eq, %jit3A, %eq3A : i32
      %jit3A_92 = arith.constant 1 : i32
      %select_n3A = arith.select %eq3A_91, %jit3A_92, %jit3A : i32
      %rem3A = arith.remsi %scan3A_90, %select_n3A : i32
      %ne3A = arith.constant 0 : i32
      %ne3A_93 = arith.cmpi ne, %rem3A, %ne3A : i32
      %lt3A = arith.constant 0 : i32
      %lt3A_94 = arith.cmpi slt, %rem3A, %lt3A : i32
      %lt3A_95 = arith.constant 0 : i32
      %lt3A_96 = arith.cmpi slt, %select_n3A, %lt3A_95 : i32
      %ne3A_97 = arith.xori %lt3A_94, %lt3A_96 : i1
      %and3A = arith.andi %ne3A_97, %ne3A_93 : i1
      %add3A_98 = arith.addi %rem3A, %select_n3A : i32
      %select_n3A_99 = arith.select %and3A, %add3A_98, %rem3A : i32
      %add3A_100 = arith.constant 1 : i32
      %add3A_101 = arith.addi %scan3A_90, %add3A_100 : i32
      %jit3A_102 = arith.constant 3 : i32
      %eq3A_103 = arith.constant 0 : i32
      %eq3A_104 = arith.cmpi eq, %jit3A_102, %eq3A_103 : i32
      %jit3A_105 = arith.constant 1 : i32
      %select_n3A_106 = arith.select %eq3A_104, %jit3A_105, %jit3A_102 : i32
      %rem3A_107 = arith.remsi %add3A_101, %select_n3A_106 : i32
      %ne3A_108 = arith.constant 0 : i32
      %ne3A_109 = arith.cmpi ne, %rem3A_107, %ne3A_108 : i32
      %lt3A_110 = arith.constant 0 : i32
      %lt3A_111 = arith.cmpi slt, %rem3A_107, %lt3A_110 : i32
      %lt3A_112 = arith.constant 0 : i32
      %lt3A_113 = arith.cmpi slt, %select_n3A_106, %lt3A_112 : i32
      %ne3A_114 = arith.xori %lt3A_111, %lt3A_113 : i1
      %and3A_115 = arith.andi %ne3A_114, %ne3A_109 : i1
      %add3A_116 = arith.addi %rem3A_107, %select_n3A_106 : i32
      %select_n3A_117 = arith.select %and3A_115, %add3A_116, %rem3A_107 : i32
      %add3A_118 = arith.constant 2 : i32
      %add3A_119 = arith.addi %scan3A_90, %add3A_118 : i32
      %jit3A_120 = arith.constant 3 : i32
      %eq3A_121 = arith.constant 0 : i32
      %eq3A_122 = arith.cmpi eq, %jit3A_120, %eq3A_121 : i32
      %jit3A_123 = arith.constant 1 : i32
      %select_n3A_124 = arith.select %eq3A_122, %jit3A_123, %jit3A_120 : i32
      %rem3A_125 = arith.remsi %add3A_119, %select_n3A_124 : i32
      %ne3A_126 = arith.constant 0 : i32
      %ne3A_127 = arith.cmpi ne, %rem3A_125, %ne3A_126 : i32
      %lt3A_128 = arith.constant 0 : i32
      %lt3A_129 = arith.cmpi slt, %rem3A_125, %lt3A_128 : i32
      %lt3A_130 = arith.constant 0 : i32
      %lt3A_131 = arith.cmpi slt, %select_n3A_124, %lt3A_130 : i32
      %ne3A_132 = arith.xori %lt3A_129, %lt3A_131 : i1
      %and3A_133 = arith.andi %ne3A_132, %ne3A_127 : i1
      %add3A_134 = arith.addi %rem3A_125, %select_n3A_124 : i32
      %select_n3A_135 = arith.select %and3A_133, %add3A_134, %rem3A_125 : i32
      %dma_wait3A_136 = arith.constant 0 : i32
      %dma_wait3A_137 = arith.constant 0 : i32
      %dma_wait3A_138 = arith.constant 0 : i32
      %dma_wait3A_139 = tpu.memref_slice %arg6[%dma_wait3A_136, %dma_wait3A_137, %dma_wait3A_138] : memref<3x128x128xf32, #tpu.memory_space<vmem>> -> memref<1x128x128xf32, #tpu.memory_space<vmem>>
      %dma_wait3A_140 = tpu.memref_squeeze %dma_wait3A_139 : memref<1x128x128xf32, #tpu.memory_space<vmem>> -> memref<128x128xf32, #tpu.memory_space<vmem>>
      %dma_wait3A_141 = arith.constant 0 : i32
      %dma_wait3A_142 = arith.constant 0 : i32
      %dma_wait3A_143 = tpu.memref_slice %arg2[%dma_wait3A_141, %dma_wait3A_142] : memref<20224x128xf32, #tpu.memory_space<hbm>> -> memref<128x128xf32, #tpu.memory_space<hbm>>
      %dma_wait3A_144 = arith.constant 0 : i32
      %dma_wait3A_145 = arith.constant 0 : i32
      %dma_wait3A_146 = tpu.memref_slice %arg6[%dma_wait3A_136, %dma_wait3A_144, %dma_wait3A_145] : memref<3x128x128xf32, #tpu.memory_space<vmem>> -> memref<1x128x128xf32, #tpu.memory_space<vmem>>
      %dma_wait3A_147 = tpu.memref_squeeze %dma_wait3A_146 : memref<1x128x128xf32, #tpu.memory_space<vmem>> -> memref<128x128xf32, #tpu.memory_space<vmem>>
      %dma_wait3A_148 = arith.constant 0 : i32
      %dma_wait3A_149 = arith.constant 0 : i32
      %dma_wait3A_150 = tpu.memref_slice %arg2[%dma_wait3A_148, %dma_wait3A_149] : memref<20224x128xf32, #tpu.memory_space<hbm>> -> memref<128x128xf32, #tpu.memory_space<hbm>>
      tpu.wait_dma2 semaphore(%arg8 : memref<!tpu.dma_semaphore, #tpu.memory_space<semaphore_mem>>) src(%dma_wait3A_150 : memref<128x128xf32, #tpu.memory_space<hbm>>) dst(%dma_wait3A_147 : memref<128x128xf32, #tpu.memory_space<vmem>>)
      %dma_start3A_151 = arith.constant 1 : i32
      %dma_start3A_152 = arith.constant 0 : i32
      %dma_start3A_153 = arith.constant 0 : i32
      %dma_start3A_154 = tpu.memref_slice %arg6[%select_n3A_99, %dma_start3A_152, %dma_start3A_153] : memref<3x128x128xf32, #tpu.memory_space<vmem>> -> memref<1x128x128xf32, #tpu.memory_space<vmem>>
      %dma_start3A_155 = tpu.memref_squeeze %dma_start3A_154 : memref<1x128x128xf32, #tpu.memory_space<vmem>> -> memref<128x128xf32, #tpu.memory_space<vmem>>
      %dma_start3A_156 = arith.constant 0 : i32
      %dma_start3A_157 = tpu.memref_slice %arg5[%select_n3A_99, %dma_start3A_151, %dma_start3A_156] : memref<3x2x128xi32, #tpu.memory_space<vmem>> -> memref<1x1x128xi32, #tpu.memory_space<vmem>>
      %dma_start3A_158 = tpu.memref_squeeze %dma_start3A_157 : memref<1x1x128xi32, #tpu.memory_space<vmem>> -> memref<128xi32, #tpu.memory_space<vmem>>
      %dma_start3A_159 = arith.constant 0 : i32
      %dma_start3A_160 = arith.constant 0 : i32
      %dma_start3A_161 = tpu.memref_slice %arg7[%dma_start3A_159, %dma_start3A_160] : memref<10112x128xf32, #tpu.memory_space<vmem_shared>> -> memref<10112x128xf32, #tpu.memory_space<vmem_shared>>
      tpu.enqueue_indirect_dma source(%dma_start3A_155 : memref<128x128xf32, #tpu.memory_space<vmem>>) target(%dma_start3A_161 : memref<10112x128xf32, #tpu.memory_space<vmem_shared>>) offsets(%dma_start3A_158 : memref<128xi32, #tpu.memory_space<vmem>>) semaphore(%arg9 : memref<!tpu.dma_semaphore, #tpu.memory_space<semaphore_mem>>) {add = true}
      %gt3A = arith.constant 0 : i32
      %gt3A_162 = arith.cmpi sgt, %scan3A_90, %gt3A : i32
      %convert_element_type3A = arith.extui %gt3A_162 : i1 to i32
      %cond3A = arith.constant 0 : i32
      %cond3A_163 = arith.cmpi ne, %convert_element_type3A, %cond3A : i32
      scf.if %cond3A_163 {
        %dma_wait3A_212 = arith.constant 0 : i32
        %dma_wait3A_213 = arith.constant 0 : i32
        %dma_wait3A_214 = arith.constant 0 : i32
        %dma_wait3A_215 = tpu.memref_slice %arg6[%dma_wait3A_212, %dma_wait3A_213, %dma_wait3A_214] : memref<3x128x128xf32, #tpu.memory_space<vmem>> -> memref<1x128x128xf32, #tpu.memory_space<vmem>>
        %dma_wait3A_216 = tpu.memref_squeeze %dma_wait3A_215 : memref<1x128x128xf32, #tpu.memory_space<vmem>> -> memref<128x128xf32, #tpu.memory_space<vmem>>
        %dma_wait3A_217 = arith.constant 0 : i32
        %dma_wait3A_218 = arith.constant 0 : i32
        %dma_wait3A_219 = tpu.memref_slice %arg7[%dma_wait3A_217, %dma_wait3A_218] : memref<10112x128xf32, #tpu.memory_space<vmem_shared>> -> memref<128x128xf32, #tpu.memory_space<vmem_shared>>
        %dma_wait3A_220 = arith.constant 0 : i32
        %dma_wait3A_221 = arith.constant 0 : i32
        %dma_wait3A_222 = tpu.memref_slice %arg7[%dma_wait3A_220, %dma_wait3A_221] : memref<10112x128xf32, #tpu.memory_space<vmem_shared>> -> memref<128x128xf32, #tpu.memory_space<vmem_shared>>
        %dma_wait3A_223 = arith.constant 0 : i32
        %dma_wait3A_224 = arith.constant 0 : i32
        %dma_wait3A_225 = tpu.memref_slice %arg6[%dma_wait3A_212, %dma_wait3A_223, %dma_wait3A_224] : memref<3x128x128xf32, #tpu.memory_space<vmem>> -> memref<1x128x128xf32, #tpu.memory_space<vmem>>
        %dma_wait3A_226 = tpu.memref_squeeze %dma_wait3A_225 : memref<1x128x128xf32, #tpu.memory_space<vmem>> -> memref<128x128xf32, #tpu.memory_space<vmem>>
        tpu.wait_dma2 semaphore(%arg9 : memref<!tpu.dma_semaphore, #tpu.memory_space<semaphore_mem>>) src(%dma_wait3A_226 : memref<128x128xf32, #tpu.memory_space<vmem>>) dst(%dma_wait3A_222 : memref<128x128xf32, #tpu.memory_space<vmem_shared>>)
      } else {
      }
      %add3A_164 = arith.constant 2 : i32
      %add3A_165 = arith.addi %scan3A_90, %add3A_164 : i32
      %min3A = arith.constant 157 : i32
      %min3A_166 = arith.minsi %add3A_165, %min3A : i32
      %dma_start3A_167 = arith.constant 0 : i32
      %dma_start3A_168 = arith.constant 0 : i32
      %dma_start3A_169 = tpu.memref_slice %arg5[%select_n3A_135, %dma_start3A_167, %dma_start3A_168] : memref<3x2x128xi32, #tpu.memory_space<vmem>> -> memref<1x2x128xi32, #tpu.memory_space<vmem>>
      %dma_start3A_170 = tpu.memref_squeeze %dma_start3A_169 : memref<1x2x128xi32, #tpu.memory_space<vmem>> -> memref<2x128xi32, #tpu.memory_space<vmem>>
      %dma_start3A_171 = arith.constant 0 : i32
      %dma_start3A_172 = arith.constant 0 : i32
      %dma_start3A_173 = tpu.memref_slice %arg3[%arg0, %arg1, %min3A_166, %dma_start3A_171, %dma_start3A_172] : memref<2x16x158x2x128xi32, #tpu.memory_space<hbm>> -> memref<1x1x1x2x128xi32, #tpu.memory_space<hbm>>
      %dma_start3A_174 = tpu.memref_squeeze %dma_start3A_173 : memref<1x1x1x2x128xi32, #tpu.memory_space<hbm>> -> memref<2x128xi32, #tpu.memory_space<hbm>>
      %dma_start3A_175 = arith.constant 0 : i32
      %dma_start3A_176 = arith.constant 0 : i32
      %dma_start3A_177 = tpu.memref_slice %arg5[%select_n3A_135, %dma_start3A_175, %dma_start3A_176] : memref<3x2x128xi32, #tpu.memory_space<vmem>> -> memref<1x2x128xi32, #tpu.memory_space<vmem>>
      %dma_start3A_178 = tpu.memref_squeeze %dma_start3A_177 : memref<1x2x128xi32, #tpu.memory_space<vmem>> -> memref<2x128xi32, #tpu.memory_space<vmem>>
      %dma_start3A_179 = arith.constant 0 : i32
      %dma_start3A_180 = arith.constant 0 : i32
      %dma_start3A_181 = tpu.memref_slice %arg3[%arg0, %arg1, %min3A_166, %dma_start3A_179, %dma_start3A_180] : memref<2x16x158x2x128xi32, #tpu.memory_space<hbm>> -> memref<1x1x1x2x128xi32, #tpu.memory_space<hbm>>
      %dma_start3A_182 = tpu.memref_squeeze %dma_start3A_181 : memref<1x1x1x2x128xi32, #tpu.memory_space<hbm>> -> memref<2x128xi32, #tpu.memory_space<hbm>>
      tpu.enqueue_dma source(%dma_start3A_182 : memref<2x128xi32, #tpu.memory_space<hbm>>) target(%dma_start3A_178 : memref<2x128xi32, #tpu.memory_space<vmem>>) target_semaphore(%arg10 : memref<!tpu.dma_semaphore, #tpu.memory_space<semaphore_mem>>)
      %dma_wait3A_183 = arith.constant 0 : i32
      %dma_wait3A_184 = arith.constant 0 : i32
      %dma_wait3A_185 = arith.constant 0 : i32
      %dma_wait3A_186 = arith.constant 0 : i32
      %dma_wait3A_187 = tpu.memref_slice %arg5[%dma_wait3A_184, %dma_wait3A_185, %dma_wait3A_186] : memref<3x2x128xi32, #tpu.memory_space<vmem>> -> memref<1x2x128xi32, #tpu.memory_space<vmem>>
      %dma_wait3A_188 = tpu.memref_squeeze %dma_wait3A_187 : memref<1x2x128xi32, #tpu.memory_space<vmem>> -> memref<2x128xi32, #tpu.memory_space<vmem>>
      %dma_wait3A_189 = arith.constant 0 : i32
      %dma_wait3A_190 = arith.constant 0 : i32
      %dma_wait3A_191 = tpu.memref_slice %arg3[%arg0, %arg1, %dma_wait3A_183, %dma_wait3A_189, %dma_wait3A_190] : memref<2x16x158x2x128xi32, #tpu.memory_space<hbm>> -> memref<1x1x1x2x128xi32, #tpu.memory_space<hbm>>
      %dma_wait3A_192 = tpu.memref_squeeze %dma_wait3A_191 : memref<1x1x1x2x128xi32, #tpu.memory_space<hbm>> -> memref<2x128xi32, #tpu.memory_space<hbm>>
      %dma_wait3A_193 = arith.constant 0 : i32
      %dma_wait3A_194 = arith.constant 0 : i32
      %dma_wait3A_195 = tpu.memref_slice %arg5[%dma_wait3A_184, %dma_wait3A_193, %dma_wait3A_194] : memref<3x2x128xi32, #tpu.memory_space<vmem>> -> memref<1x2x128xi32, #tpu.memory_space<vmem>>
      %dma_wait3A_196 = tpu.memref_squeeze %dma_wait3A_195 : memref<1x2x128xi32, #tpu.memory_space<vmem>> -> memref<2x128xi32, #tpu.memory_space<vmem>>
      %dma_wait3A_197 = arith.constant 0 : i32
      %dma_wait3A_198 = arith.constant 0 : i32
      %dma_wait3A_199 = tpu.memref_slice %arg3[%arg0, %arg1, %dma_wait3A_183, %dma_wait3A_197, %dma_wait3A_198] : memref<2x16x158x2x128xi32, #tpu.memory_space<hbm>> -> memref<1x1x1x2x128xi32, #tpu.memory_space<hbm>>
      %dma_wait3A_200 = tpu.memref_squeeze %dma_wait3A_199 : memref<1x1x1x2x128xi32, #tpu.memory_space<hbm>> -> memref<2x128xi32, #tpu.memory_space<hbm>>
      tpu.wait_dma2 semaphore(%arg10 : memref<!tpu.dma_semaphore, #tpu.memory_space<semaphore_mem>>) src(%dma_wait3A_200 : memref<2x128xi32, #tpu.memory_space<hbm>>) dst(%dma_wait3A_196 : memref<2x128xi32, #tpu.memory_space<vmem>>)
      %dma_start3A_201 = arith.constant 0 : i32
      %dma_start3A_202 = arith.constant 0 : i32
      %dma_start3A_203 = arith.constant 0 : i32
      %dma_start3A_204 = tpu.memref_slice %arg6[%select_n3A_117, %dma_start3A_202, %dma_start3A_203] : memref<3x128x128xf32, #tpu.memory_space<vmem>> -> memref<1x128x128xf32, #tpu.memory_space<vmem>>
      %dma_start3A_205 = tpu.memref_squeeze %dma_start3A_204 : memref<1x128x128xf32, #tpu.memory_space<vmem>> -> memref<128x128xf32, #tpu.memory_space<vmem>>
      %dma_start3A_206 = arith.constant 0 : i32
      %dma_start3A_207 = tpu.memref_slice %arg5[%select_n3A_117, %dma_start3A_201, %dma_start3A_206] : memref<3x2x128xi32, #tpu.memory_space<vmem>> -> memref<1x1x128xi32, #tpu.memory_space<vmem>>
      %dma_start3A_208 = tpu.memref_squeeze %dma_start3A_207 : memref<1x1x128xi32, #tpu.memory_space<vmem>> -> memref<128xi32, #tpu.memory_space<vmem>>
      %dma_start3A_209 = arith.constant 0 : i32
      %dma_start3A_210 = arith.constant 0 : i32
      %dma_start3A_211 = tpu.memref_slice %arg2[%dma_start3A_209, %dma_start3A_210] : memref<20224x128xf32, #tpu.memory_space<hbm>> -> memref<20224x128xf32, #tpu.memory_space<hbm>>
      tpu.enqueue_indirect_dma source(%dma_start3A_211 : memref<20224x128xf32, #tpu.memory_space<hbm>>) target(%dma_start3A_205 : memref<128x128xf32, #tpu.memory_space<vmem>>) offsets(%dma_start3A_208 : memref<128xi32, #tpu.memory_space<vmem>>) semaphore(%arg8 : memref<!tpu.dma_semaphore, #tpu.memory_space<semaphore_mem>>)
    }
    %scan3A_38 = arith.constant 158 : i32
    %dma_wait3A = arith.constant 0 : i32
    %dma_wait3A_39 = arith.constant 0 : i32
    %dma_wait3A_40 = arith.constant 0 : i32
    %dma_wait3A_41 = tpu.memref_slice %arg6[%dma_wait3A, %dma_wait3A_39, %dma_wait3A_40] : memref<3x128x128xf32, #tpu.memory_space<vmem>> -> memref<1x128x128xf32, #tpu.memory_space<vmem>>
    %dma_wait3A_42 = tpu.memref_squeeze %dma_wait3A_41 : memref<1x128x128xf32, #tpu.memory_space<vmem>> -> memref<128x128xf32, #tpu.memory_space<vmem>>
    %dma_wait3A_43 = arith.constant 0 : i32
    %dma_wait3A_44 = arith.constant 0 : i32
    %dma_wait3A_45 = tpu.memref_slice %arg2[%dma_wait3A_43, %dma_wait3A_44] : memref<20224x128xf32, #tpu.memory_space<hbm>> -> memref<128x128xf32, #tpu.memory_space<hbm>>
    %dma_wait3A_46 = arith.constant 0 : i32
    %dma_wait3A_47 = arith.constant 0 : i32
    %dma_wait3A_48 = tpu.memref_slice %arg6[%dma_wait3A, %dma_wait3A_46, %dma_wait3A_47] : memref<3x128x128xf32, #tpu.memory_space<vmem>> -> memref<1x128x128xf32, #tpu.memory_space<vmem>>
    %dma_wait3A_49 = tpu.memref_squeeze %dma_wait3A_48 : memref<1x128x128xf32, #tpu.memory_space<vmem>> -> memref<128x128xf32, #tpu.memory_space<vmem>>
    %dma_wait3A_50 = arith.constant 0 : i32
    %dma_wait3A_51 = arith.constant 0 : i32
    %dma_wait3A_52 = tpu.memref_slice %arg2[%dma_wait3A_50, %dma_wait3A_51] : memref<20224x128xf32, #tpu.memory_space<hbm>> -> memref<128x128xf32, #tpu.memory_space<hbm>>
    tpu.wait_dma2 semaphore(%arg8 : memref<!tpu.dma_semaphore, #tpu.memory_space<semaphore_mem>>) src(%dma_wait3A_52 : memref<128x128xf32, #tpu.memory_space<hbm>>) dst(%dma_wait3A_49 : memref<128x128xf32, #tpu.memory_space<vmem>>)
    %dma_wait3A_53 = arith.constant 0 : i32
    %dma_wait3A_54 = arith.constant 0 : i32
    %dma_wait3A_55 = arith.constant 0 : i32
    %dma_wait3A_56 = tpu.memref_slice %arg6[%dma_wait3A_53, %dma_wait3A_54, %dma_wait3A_55] : memref<3x128x128xf32, #tpu.memory_space<vmem>> -> memref<1x128x128xf32, #tpu.memory_space<vmem>>
    %dma_wait3A_57 = tpu.memref_squeeze %dma_wait3A_56 : memref<1x128x128xf32, #tpu.memory_space<vmem>> -> memref<128x128xf32, #tpu.memory_space<vmem>>
    %dma_wait3A_58 = arith.constant 0 : i32
    %dma_wait3A_59 = arith.constant 0 : i32
    %dma_wait3A_60 = tpu.memref_slice %arg7[%dma_wait3A_58, %dma_wait3A_59] : memref<10112x128xf32, #tpu.memory_space<vmem_shared>> -> memref<128x128xf32, #tpu.memory_space<vmem_shared>>
    %dma_wait3A_61 = arith.constant 0 : i32
    %dma_wait3A_62 = arith.constant 0 : i32
    %dma_wait3A_63 = tpu.memref_slice %arg7[%dma_wait3A_61, %dma_wait3A_62] : memref<10112x128xf32, #tpu.memory_space<vmem_shared>> -> memref<128x128xf32, #tpu.memory_space<vmem_shared>>
    %dma_wait3A_64 = arith.constant 0 : i32
    %dma_wait3A_65 = arith.constant 0 : i32
    %dma_wait3A_66 = tpu.memref_slice %arg6[%dma_wait3A_53, %dma_wait3A_64, %dma_wait3A_65] : memref<3x128x128xf32, #tpu.memory_space<vmem>> -> memref<1x128x128xf32, #tpu.memory_space<vmem>>
    %dma_wait3A_67 = tpu.memref_squeeze %dma_wait3A_66 : memref<1x128x128xf32, #tpu.memory_space<vmem>> -> memref<128x128xf32, #tpu.memory_space<vmem>>
    tpu.wait_dma2 semaphore(%arg9 : memref<!tpu.dma_semaphore, #tpu.memory_space<semaphore_mem>>) src(%dma_wait3A_67 : memref<128x128xf32, #tpu.memory_space<vmem>>) dst(%dma_wait3A_63 : memref<128x128xf32, #tpu.memory_space<vmem_shared>>)
    %dma_wait3A_68 = arith.constant 0 : i32
    %dma_wait3A_69 = arith.constant 0 : i32
    %dma_wait3A_70 = arith.constant 0 : i32
    %dma_wait3A_71 = arith.constant 0 : i32
    %dma_wait3A_72 = tpu.memref_slice %arg5[%dma_wait3A_69, %dma_wait3A_70, %dma_wait3A_71] : memref<3x2x128xi32, #tpu.memory_space<vmem>> -> memref<1x2x128xi32, #tpu.memory_space<vmem>>
    %dma_wait3A_73 = tpu.memref_squeeze %dma_wait3A_72 : memref<1x2x128xi32, #tpu.memory_space<vmem>> -> memref<2x128xi32, #tpu.memory_space<vmem>>
    %dma_wait3A_74 = arith.constant 0 : i32
    %dma_wait3A_75 = arith.constant 0 : i32
    %dma_wait3A_76 = tpu.memref_slice %arg3[%arg0, %arg1, %dma_wait3A_68, %dma_wait3A_74, %dma_wait3A_75] : memref<2x16x158x2x128xi32, #tpu.memory_space<hbm>> -> memref<1x1x1x2x128xi32, #tpu.memory_space<hbm>>
    %dma_wait3A_77 = tpu.memref_squeeze %dma_wait3A_76 : memref<1x1x1x2x128xi32, #tpu.memory_space<hbm>> -> memref<2x128xi32, #tpu.memory_space<hbm>>
    %dma_wait3A_78 = arith.constant 0 : i32
    %dma_wait3A_79 = arith.constant 0 : i32
    %dma_wait3A_80 = tpu.memref_slice %arg5[%dma_wait3A_69, %dma_wait3A_78, %dma_wait3A_79] : memref<3x2x128xi32, #tpu.memory_space<vmem>> -> memref<1x2x128xi32, #tpu.memory_space<vmem>>
    %dma_wait3A_81 = tpu.memref_squeeze %dma_wait3A_80 : memref<1x2x128xi32, #tpu.memory_space<vmem>> -> memref<2x128xi32, #tpu.memory_space<vmem>>
    %dma_wait3A_82 = arith.constant 0 : i32
    %dma_wait3A_83 = arith.constant 0 : i32
    %dma_wait3A_84 = tpu.memref_slice %arg3[%arg0, %arg1, %dma_wait3A_68, %dma_wait3A_82, %dma_wait3A_83] : memref<2x16x158x2x128xi32, #tpu.memory_space<hbm>> -> memref<1x1x1x2x128xi32, #tpu.memory_space<hbm>>
    %dma_wait3A_85 = tpu.memref_squeeze %dma_wait3A_84 : memref<1x1x1x2x128xi32, #tpu.memory_space<hbm>> -> memref<2x128xi32, #tpu.memory_space<hbm>>
    tpu.wait_dma2 semaphore(%arg10 : memref<!tpu.dma_semaphore, #tpu.memory_space<semaphore_mem>>) src(%dma_wait3A_85 : memref<2x128xi32, #tpu.memory_space<hbm>>) dst(%dma_wait3A_81 : memref<2x128xi32, #tpu.memory_space<vmem>>)
    %barrier3A_86 = arith.constant 0 : index
    tpu.barrier barrier_id(%barrier3A_86)
    %mul3A_87 = arith.constant 10112 : i32
    %mul3A_88 = arith.muli %arg0, %mul3A_87 : i32
    %add3A_89 = arith.addi %mul3A_88, %mul3A_0 : i32
    "tpu.region"() ({
      %run_scoped3A_90 = tpu.sem_alloc : memref<!tpu.dma_semaphore, #tpu.memory_space<semaphore_mem>>
      %dma_start3A_91 = arith.constant 0 : i32
      %dma_start3A_92 = tpu.memref_slice %arg4[%add3A_89, %dma_start3A_91] : memref<20224x128xf32, #tpu.memory_space<hbm>> -> memref<632x128xf32, #tpu.memory_space<hbm>>
      %dma_start3A_93 = arith.constant 0 : i32
      %dma_start3A_94 = tpu.memref_slice %arg7[%mul3A_0, %dma_start3A_93] : memref<10112x128xf32, #tpu.memory_space<vmem_shared>> -> memref<632x128xf32, #tpu.memory_space<vmem_shared>>
      tpu.enqueue_dma source(%dma_start3A_94 : memref<632x128xf32, #tpu.memory_space<vmem_shared>>) target(%dma_start3A_92 : memref<632x128xf32, #tpu.memory_space<hbm>>) target_semaphore(%run_scoped3A_90 : memref<!tpu.dma_semaphore, #tpu.memory_space<semaphore_mem>>)
      %dma_wait3A_95 = arith.constant 0 : i32
      %dma_wait3A_96 = tpu.memref_slice %arg4[%add3A_89, %dma_wait3A_95] : memref<20224x128xf32, #tpu.memory_space<hbm>> -> memref<632x128xf32, #tpu.memory_space<hbm>>
      %dma_wait3A_97 = arith.constant 0 : i32
      %dma_wait3A_98 = tpu.memref_slice %arg7[%mul3A_0, %dma_wait3A_97] : memref<10112x128xf32, #tpu.memory_space<vmem_shared>> -> memref<632x128xf32, #tpu.memory_space<vmem_shared>>
      tpu.wait_dma2 semaphore(%run_scoped3A_90 : memref<!tpu.dma_semaphore, #tpu.memory_space<semaphore_mem>>) src(%dma_wait3A_98 : memref<632x128xf32, #tpu.memory_space<vmem_shared>>) dst(%dma_wait3A_96 : memref<632x128xf32, #tpu.memory_space<hbm>>)
      tpu.yield
    }) : () -> ()
    return
  }
}

#map = affine_map<(d0, d1) -> (0, 0)>
#map1 = affine_map<(d0, d1) -> (0, 0, 0, 0, 0)>
module attributes {stable_mosaic.version = 14 : i64} {
  func.func @_propagate_kernel(%arg0: i32, %arg1: i32, %arg2: memref<20224x128xf32, #tpu.memory_space<hbm>>, %arg3: memref<2x16x158x2x128xi32, #tpu.memory_space<hbm>>, %arg4: memref<20224x128xf32, #tpu.memory_space<hbm>>, %arg5: memref<3x2x128xi32, #tpu.memory_space<vmem>>, %arg6: memref<3x128x128xf32, #tpu.memory_space<vmem>>, %arg7: memref<10112x128xf32, #tpu.memory_space<vmem_shared>>, %arg8: memref<!tpu.dma_semaphore, #tpu.memory_space<semaphore_mem>>, %arg9: memref<!tpu.dma_semaphore, #tpu.memory_space<semaphore_mem>>, %arg10: memref<!tpu.dma_semaphore, #tpu.memory_space<semaphore_mem>>) attributes {dimension_semantics = [#tpu.dimension_semantics<core_parallel>, #tpu.dimension_semantics<subcore_parallel>], iteration_bounds = array<i64: 2, 16>, scalar_prefetch = 0 : i64, scratch_operands = 6 : i64, tpu.core_type = #tpu.core_type<sc_vector_subcore>, window_params = [{transform_indices = #map}, {transform_indices = #map1}, {transform_indices = #map}]} {
    %mul3A = arith.constant 632 : i32
    %mul3A_0 = arith.muli %arg1, %mul3A : i32
    %mul3A_1 = arith.constant 10112 : i32
    %mul3A_2 = arith.muli %arg0, %mul3A_1 : i32
    %add3A = arith.addi %mul3A_2, %mul3A_0 : i32
    "tpu.region"() ({
      %run_scoped3A_90 = tpu.sem_alloc : memref<!tpu.dma_semaphore, #tpu.memory_space<semaphore_mem>>
      %dma_start3A_91 = arith.constant 0 : i32
      %dma_start3A_92 = tpu.memref_slice %arg7[%mul3A_0, %dma_start3A_91] : memref<10112x128xf32, #tpu.memory_space<vmem_shared>> -> memref<632x128xf32, #tpu.memory_space<vmem_shared>>
      %dma_start3A_93 = arith.constant 0 : i32
      %dma_start3A_94 = tpu.memref_slice %arg2[%add3A, %dma_start3A_93] : memref<20224x128xf32, #tpu.memory_space<hbm>> -> memref<632x128xf32, #tpu.memory_space<hbm>>
      tpu.enqueue_dma source(%dma_start3A_94 : memref<632x128xf32, #tpu.memory_space<hbm>>) target(%dma_start3A_92 : memref<632x128xf32, #tpu.memory_space<vmem_shared>>) target_semaphore(%run_scoped3A_90 : memref<!tpu.dma_semaphore, #tpu.memory_space<semaphore_mem>>)
      %dma_wait3A_95 = arith.constant 0 : i32
      %dma_wait3A_96 = tpu.memref_slice %arg7[%mul3A_0, %dma_wait3A_95] : memref<10112x128xf32, #tpu.memory_space<vmem_shared>> -> memref<632x128xf32, #tpu.memory_space<vmem_shared>>
      %dma_wait3A_97 = arith.constant 0 : i32
      %dma_wait3A_98 = tpu.memref_slice %arg2[%add3A, %dma_wait3A_97] : memref<20224x128xf32, #tpu.memory_space<hbm>> -> memref<632x128xf32, #tpu.memory_space<hbm>>
      tpu.wait_dma2 semaphore(%run_scoped3A_90 : memref<!tpu.dma_semaphore, #tpu.memory_space<semaphore_mem>>) src(%dma_wait3A_98 : memref<632x128xf32, #tpu.memory_space<hbm>>) dst(%dma_wait3A_96 : memref<632x128xf32, #tpu.memory_space<vmem_shared>>)
      tpu.yield
    }) : () -> ()
    %run_scoped3A = arith.constant 0 : i32
    %run_scoped3A_3 = arith.constant 0 : i32
    "tpu.region"() ({
      %run_scoped3A_90 = tpu.sem_alloc : memref<!tpu.dma_semaphore, #tpu.memory_space<semaphore_mem>>
      %dma_start3A_91 = arith.constant 0 : i32
      %dma_start3A_92 = arith.constant 0 : i32
      %dma_start3A_93 = tpu.memref_slice %arg5[%run_scoped3A_3, %dma_start3A_91, %dma_start3A_92] : memref<3x2x128xi32, #tpu.memory_space<vmem>> -> memref<1x2x128xi32, #tpu.memory_space<vmem>>
      %dma_start3A_94 = tpu.memref_squeeze %dma_start3A_93 : memref<1x2x128xi32, #tpu.memory_space<vmem>> -> memref<2x128xi32, #tpu.memory_space<vmem>>
      %dma_start3A_95 = arith.constant 0 : i32
      %dma_start3A_96 = arith.constant 0 : i32
      %dma_start3A_97 = tpu.memref_slice %arg3[%arg0, %arg1, %run_scoped3A, %dma_start3A_95, %dma_start3A_96] : memref<2x16x158x2x128xi32, #tpu.memory_space<hbm>> -> memref<1x1x1x2x128xi32, #tpu.memory_space<hbm>>
      %dma_start3A_98 = tpu.memref_squeeze %dma_start3A_97 : memref<1x1x1x2x128xi32, #tpu.memory_space<hbm>> -> memref<2x128xi32, #tpu.memory_space<hbm>>
      %dma_start3A_99 = arith.constant 0 : i32
      %dma_start3A_100 = arith.constant 0 : i32
      %dma_start3A_101 = tpu.memref_slice %arg5[%run_scoped3A_3, %dma_start3A_99, %dma_start3A_100] : memref<3x2x128xi32, #tpu.memory_space<vmem>> -> memref<1x2x128xi32, #tpu.memory_space<vmem>>
      %dma_start3A_102 = tpu.memref_squeeze %dma_start3A_101 : memref<1x2x128xi32, #tpu.memory_space<vmem>> -> memref<2x128xi32, #tpu.memory_space<vmem>>
      %dma_start3A_103 = arith.constant 0 : i32
      %dma_start3A_104 = arith.constant 0 : i32
      %dma_start3A_105 = tpu.memref_slice %arg3[%arg0, %arg1, %run_scoped3A, %dma_start3A_103, %dma_start3A_104] : memref<2x16x158x2x128xi32, #tpu.memory_space<hbm>> -> memref<1x1x1x2x128xi32, #tpu.memory_space<hbm>>
      %dma_start3A_106 = tpu.memref_squeeze %dma_start3A_105 : memref<1x1x1x2x128xi32, #tpu.memory_space<hbm>> -> memref<2x128xi32, #tpu.memory_space<hbm>>
      tpu.enqueue_dma source(%dma_start3A_106 : memref<2x128xi32, #tpu.memory_space<hbm>>) target(%dma_start3A_102 : memref<2x128xi32, #tpu.memory_space<vmem>>) target_semaphore(%run_scoped3A_90 : memref<!tpu.dma_semaphore, #tpu.memory_space<semaphore_mem>>)
      %dma_wait3A_107 = arith.constant 0 : i32
      %dma_wait3A_108 = arith.constant 0 : i32
      %dma_wait3A_109 = tpu.memref_slice %arg5[%run_scoped3A_3, %dma_wait3A_107, %dma_wait3A_108] : memref<3x2x128xi32, #tpu.memory_space<vmem>> -> memref<1x2x128xi32, #tpu.memory_space<vmem>>
      %dma_wait3A_110 = tpu.memref_squeeze %dma_wait3A_109 : memref<1x2x128xi32, #tpu.memory_space<vmem>> -> memref<2x128xi32, #tpu.memory_space<vmem>>
      %dma_wait3A_111 = arith.constant 0 : i32
      %dma_wait3A_112 = arith.constant 0 : i32
      %dma_wait3A_113 = tpu.memref_slice %arg3[%arg0, %arg1, %run_scoped3A, %dma_wait3A_111, %dma_wait3A_112] : memref<2x16x158x2x128xi32, #tpu.memory_space<hbm>> -> memref<1x1x1x2x128xi32, #tpu.memory_space<hbm>>
      %dma_wait3A_114 = tpu.memref_squeeze %dma_wait3A_113 : memref<1x1x1x2x128xi32, #tpu.memory_space<hbm>> -> memref<2x128xi32, #tpu.memory_space<hbm>>
      %dma_wait3A_115 = arith.constant 0 : i32
      %dma_wait3A_116 = arith.constant 0 : i32
      %dma_wait3A_117 = tpu.memref_slice %arg5[%run_scoped3A_3, %dma_wait3A_115, %dma_wait3A_116] : memref<3x2x128xi32, #tpu.memory_space<vmem>> -> memref<1x2x128xi32, #tpu.memory_space<vmem>>
      %dma_wait3A_118 = tpu.memref_squeeze %dma_wait3A_117 : memref<1x2x128xi32, #tpu.memory_space<vmem>> -> memref<2x128xi32, #tpu.memory_space<vmem>>
      %dma_wait3A_119 = arith.constant 0 : i32
      %dma_wait3A_120 = arith.constant 0 : i32
      %dma_wait3A_121 = tpu.memref_slice %arg3[%arg0, %arg1, %run_scoped3A, %dma_wait3A_119, %dma_wait3A_120] : memref<2x16x158x2x128xi32, #tpu.memory_space<hbm>> -> memref<1x1x1x2x128xi32, #tpu.memory_space<hbm>>
      %dma_wait3A_122 = tpu.memref_squeeze %dma_wait3A_121 : memref<1x1x1x2x128xi32, #tpu.memory_space<hbm>> -> memref<2x128xi32, #tpu.memory_space<hbm>>
      tpu.wait_dma2 semaphore(%run_scoped3A_90 : memref<!tpu.dma_semaphore, #tpu.memory_space<semaphore_mem>>) src(%dma_wait3A_122 : memref<2x128xi32, #tpu.memory_space<hbm>>) dst(%dma_wait3A_118 : memref<2x128xi32, #tpu.memory_space<vmem>>)
      tpu.yield
    }) : () -> ()
    %barrier3A = arith.constant 0 : index
    tpu.barrier barrier_id(%barrier3A)
    %dma_start3A = arith.constant 1 : i32
    %dma_start3A_4 = arith.constant 1 : i32
    %dma_start3A_5 = arith.constant 0 : i32
    %dma_start3A_6 = arith.constant 0 : i32
    %dma_start3A_7 = tpu.memref_slice %arg5[%dma_start3A_4, %dma_start3A_5, %dma_start3A_6] : memref<3x2x128xi32, #tpu.memory_space<vmem>> -> memref<1x2x128xi32, #tpu.memory_space<vmem>>
    %dma_start3A_8 = tpu.memref_squeeze %dma_start3A_7 : memref<1x2x128xi32, #tpu.memory_space<vmem>> -> memref<2x128xi32, #tpu.memory_space<vmem>>
    %dma_start3A_9 = arith.constant 0 : i32
    %dma_start3A_10 = arith.constant 0 : i32
    %dma_start3A_11 = tpu.memref_slice %arg3[%arg0, %arg1, %dma_start3A, %dma_start3A_9, %dma_start3A_10] : memref<2x16x158x2x128xi32, #tpu.memory_space<hbm>> -> memref<1x1x1x2x128xi32, #tpu.memory_space<hbm>>
    %dma_start3A_12 = tpu.memref_squeeze %dma_start3A_11 : memref<1x1x1x2x128xi32, #tpu.memory_space<hbm>> -> memref<2x128xi32, #tpu.memory_space<hbm>>
    %dma_start3A_13 = arith.constant 0 : i32
    %dma_start3A_14 = arith.constant 0 : i32
    %dma_start3A_15 = tpu.memref_slice %arg5[%dma_start3A_4, %dma_start3A_13, %dma_start3A_14] : memref<3x2x128xi32, #tpu.memory_space<vmem>> -> memref<1x2x128xi32, #tpu.memory_space<vmem>>
    %dma_start3A_16 = tpu.memref_squeeze %dma_start3A_15 : memref<1x2x128xi32, #tpu.memory_space<vmem>> -> memref<2x128xi32, #tpu.memory_space<vmem>>
    %dma_start3A_17 = arith.constant 0 : i32
    %dma_start3A_18 = arith.constant 0 : i32
    %dma_start3A_19 = tpu.memref_slice %arg3[%arg0, %arg1, %dma_start3A, %dma_start3A_17, %dma_start3A_18] : memref<2x16x158x2x128xi32, #tpu.memory_space<hbm>> -> memref<1x1x1x2x128xi32, #tpu.memory_space<hbm>>
    %dma_start3A_20 = tpu.memref_squeeze %dma_start3A_19 : memref<1x1x1x2x128xi32, #tpu.memory_space<hbm>> -> memref<2x128xi32, #tpu.memory_space<hbm>>
    tpu.enqueue_dma source(%dma_start3A_20 : memref<2x128xi32, #tpu.memory_space<hbm>>) target(%dma_start3A_16 : memref<2x128xi32, #tpu.memory_space<vmem>>) target_semaphore(%arg10 : memref<!tpu.dma_semaphore, #tpu.memory_space<semaphore_mem>>)
    %dma_start3A_21 = arith.constant 0 : i32
    %dma_start3A_22 = arith.constant 0 : i32
    %dma_start3A_23 = arith.constant 0 : i32
    %dma_start3A_24 = arith.constant 0 : i32
    %dma_start3A_25 = arith.constant 0 : i32
    %dma_start3A_26 = tpu.memref_slice %arg6[%dma_start3A_23, %dma_start3A_24, %dma_start3A_25] : memref<3x128x128xf32, #tpu.memory_space<vmem>> -> memref<1x128x128xf32, #tpu.memory_space<vmem>>
    %dma_start3A_27 = tpu.memref_squeeze %dma_start3A_26 : memref<1x128x128xf32, #tpu.memory_space<vmem>> -> memref<128x128xf32, #tpu.memory_space<vmem>>
    %dma_start3A_28 = arith.constant 0 : i32
    %dma_start3A_29 = tpu.memref_slice %arg5[%dma_start3A_21, %dma_start3A_22, %dma_start3A_28] : memref<3x2x128xi32, #tpu.memory_space<vmem>> -> memref<1x1x128xi32, #tpu.memory_space<vmem>>
    %dma_start3A_30 = tpu.memref_squeeze %dma_start3A_29 : memref<1x1x128xi32, #tpu.memory_space<vmem>> -> memref<128xi32, #tpu.memory_space<vmem>>
    %dma_start3A_31 = arith.constant 0 : i32
    %dma_start3A_32 = arith.constant 0 : i32
    %dma_start3A_33 = tpu.memref_slice %arg2[%dma_start3A_31, %dma_start3A_32] : memref<20224x128xf32, #tpu.memory_space<hbm>> -> memref<20224x128xf32, #tpu.memory_space<hbm>>
    tpu.enqueue_indirect_dma source(%dma_start3A_33 : memref<20224x128xf32, #tpu.memory_space<hbm>>) target(%dma_start3A_27 : memref<128x128xf32, #tpu.memory_space<vmem>>) offsets(%dma_start3A_30 : memref<128xi32, #tpu.memory_space<vmem>>) semaphore(%arg8 : memref<!tpu.dma_semaphore, #tpu.memory_space<semaphore_mem>>)
    %scan3A = arith.constant 0 : i32
    %scan3A_34 = arith.constant 0 : i32
    %scan3A_35 = arith.constant 158 : i32
    %scan3A_36 = arith.addi %scan3A_34, %scan3A_35 : i32
    %scan3A_37 = arith.constant 1 : i32
    scf.for %scan3A_90 = %scan3A_34 to %scan3A_36 step %scan3A_37  : i32 {
      %jit3A = arith.constant 3 : i32
      %eq3A = arith.constant 0 : i32
      %eq3A_91 = arith.cmpi eq, %jit3A, %eq3A : i32
      %jit3A_92 = arith.constant 1 : i32
      %select_n3A = arith.select %eq3A_91, %jit3A_92, %jit3A : i32
      %rem3A = arith.remsi %scan3A_90, %select_n3A : i32
      %ne3A = arith.constant 0 : i32
      %ne3A_93 = arith.cmpi ne, %rem3A, %ne3A : i32
      %lt3A = arith.constant 0 : i32
      %lt3A_94 = arith.cmpi slt, %rem3A, %lt3A : i32
      %lt3A_95 = arith.constant 0 : i32
      %lt3A_96 = arith.cmpi slt, %select_n3A, %lt3A_95 : i32
      %ne3A_97 = arith.xori %lt3A_94, %lt3A_96 : i1
      %and3A = arith.andi %ne3A_97, %ne3A_93 : i1
      %add3A_98 = arith.addi %rem3A, %select_n3A : i32
      %select_n3A_99 = arith.select %and3A, %add3A_98, %rem3A : i32
      %add3A_100 = arith.constant 1 : i32
      %add3A_101 = arith.addi %scan3A_90, %add3A_100 : i32
      %jit3A_102 = arith.constant 3 : i32
      %eq3A_103 = arith.constant 0 : i32
      %eq3A_104 = arith.cmpi eq, %jit3A_102, %eq3A_103 : i32
      %jit3A_105 = arith.constant 1 : i32
      %select_n3A_106 = arith.select %eq3A_104, %jit3A_105, %jit3A_102 : i32
      %rem3A_107 = arith.remsi %add3A_101, %select_n3A_106 : i32
      %ne3A_108 = arith.constant 0 : i32
      %ne3A_109 = arith.cmpi ne, %rem3A_107, %ne3A_108 : i32
      %lt3A_110 = arith.constant 0 : i32
      %lt3A_111 = arith.cmpi slt, %rem3A_107, %lt3A_110 : i32
      %lt3A_112 = arith.constant 0 : i32
      %lt3A_113 = arith.cmpi slt, %select_n3A_106, %lt3A_112 : i32
      %ne3A_114 = arith.xori %lt3A_111, %lt3A_113 : i1
      %and3A_115 = arith.andi %ne3A_114, %ne3A_109 : i1
      %add3A_116 = arith.addi %rem3A_107, %select_n3A_106 : i32
      %select_n3A_117 = arith.select %and3A_115, %add3A_116, %rem3A_107 : i32
      %add3A_118 = arith.constant 2 : i32
      %add3A_119 = arith.addi %scan3A_90, %add3A_118 : i32
      %jit3A_120 = arith.constant 3 : i32
      %eq3A_121 = arith.constant 0 : i32
      %eq3A_122 = arith.cmpi eq, %jit3A_120, %eq3A_121 : i32
      %jit3A_123 = arith.constant 1 : i32
      %select_n3A_124 = arith.select %eq3A_122, %jit3A_123, %jit3A_120 : i32
      %rem3A_125 = arith.remsi %add3A_119, %select_n3A_124 : i32
      %ne3A_126 = arith.constant 0 : i32
      %ne3A_127 = arith.cmpi ne, %rem3A_125, %ne3A_126 : i32
      %lt3A_128 = arith.constant 0 : i32
      %lt3A_129 = arith.cmpi slt, %rem3A_125, %lt3A_128 : i32
      %lt3A_130 = arith.constant 0 : i32
      %lt3A_131 = arith.cmpi slt, %select_n3A_124, %lt3A_130 : i32
      %ne3A_132 = arith.xori %lt3A_129, %lt3A_131 : i1
      %and3A_133 = arith.andi %ne3A_132, %ne3A_127 : i1
      %add3A_134 = arith.addi %rem3A_125, %select_n3A_124 : i32
      %select_n3A_135 = arith.select %and3A_133, %add3A_134, %rem3A_125 : i32
      %dma_wait3A_136 = arith.constant 0 : i32
      %dma_wait3A_137 = arith.constant 0 : i32
      %dma_wait3A_138 = arith.constant 0 : i32
      %dma_wait3A_139 = tpu.memref_slice %arg6[%dma_wait3A_136, %dma_wait3A_137, %dma_wait3A_138] : memref<3x128x128xf32, #tpu.memory_space<vmem>> -> memref<1x128x128xf32, #tpu.memory_space<vmem>>
      %dma_wait3A_140 = tpu.memref_squeeze %dma_wait3A_139 : memref<1x128x128xf32, #tpu.memory_space<vmem>> -> memref<128x128xf32, #tpu.memory_space<vmem>>
      %dma_wait3A_141 = arith.constant 0 : i32
      %dma_wait3A_142 = arith.constant 0 : i32
      %dma_wait3A_143 = tpu.memref_slice %arg2[%dma_wait3A_141, %dma_wait3A_142] : memref<20224x128xf32, #tpu.memory_space<hbm>> -> memref<128x128xf32, #tpu.memory_space<hbm>>
      %dma_wait3A_144 = arith.constant 0 : i32
      %dma_wait3A_145 = arith.constant 0 : i32
      %dma_wait3A_146 = tpu.memref_slice %arg6[%dma_wait3A_136, %dma_wait3A_144, %dma_wait3A_145] : memref<3x128x128xf32, #tpu.memory_space<vmem>> -> memref<1x128x128xf32, #tpu.memory_space<vmem>>
      %dma_wait3A_147 = tpu.memref_squeeze %dma_wait3A_146 : memref<1x128x128xf32, #tpu.memory_space<vmem>> -> memref<128x128xf32, #tpu.memory_space<vmem>>
      %dma_wait3A_148 = arith.constant 0 : i32
      %dma_wait3A_149 = arith.constant 0 : i32
      %dma_wait3A_150 = tpu.memref_slice %arg2[%dma_wait3A_148, %dma_wait3A_149] : memref<20224x128xf32, #tpu.memory_space<hbm>> -> memref<128x128xf32, #tpu.memory_space<hbm>>
      tpu.wait_dma2 semaphore(%arg8 : memref<!tpu.dma_semaphore, #tpu.memory_space<semaphore_mem>>) src(%dma_wait3A_150 : memref<128x128xf32, #tpu.memory_space<hbm>>) dst(%dma_wait3A_147 : memref<128x128xf32, #tpu.memory_space<vmem>>)
      %dma_start3A_151 = arith.constant 1 : i32
      %dma_start3A_152 = arith.constant 0 : i32
      %dma_start3A_153 = arith.constant 0 : i32
      %dma_start3A_154 = tpu.memref_slice %arg6[%select_n3A_99, %dma_start3A_152, %dma_start3A_153] : memref<3x128x128xf32, #tpu.memory_space<vmem>> -> memref<1x128x128xf32, #tpu.memory_space<vmem>>
      %dma_start3A_155 = tpu.memref_squeeze %dma_start3A_154 : memref<1x128x128xf32, #tpu.memory_space<vmem>> -> memref<128x128xf32, #tpu.memory_space<vmem>>
      %dma_start3A_156 = arith.constant 0 : i32
      %dma_start3A_157 = tpu.memref_slice %arg5[%select_n3A_99, %dma_start3A_151, %dma_start3A_156] : memref<3x2x128xi32, #tpu.memory_space<vmem>> -> memref<1x1x128xi32, #tpu.memory_space<vmem>>
      %dma_start3A_158 = tpu.memref_squeeze %dma_start3A_157 : memref<1x1x128xi32, #tpu.memory_space<vmem>> -> memref<128xi32, #tpu.memory_space<vmem>>
      %dma_start3A_159 = arith.constant 0 : i32
      %dma_start3A_160 = arith.constant 0 : i32
      %dma_start3A_161 = tpu.memref_slice %arg7[%dma_start3A_159, %dma_start3A_160] : memref<10112x128xf32, #tpu.memory_space<vmem_shared>> -> memref<10112x128xf32, #tpu.memory_space<vmem_shared>>
      tpu.enqueue_indirect_dma source(%dma_start3A_155 : memref<128x128xf32, #tpu.memory_space<vmem>>) target(%dma_start3A_161 : memref<10112x128xf32, #tpu.memory_space<vmem_shared>>) offsets(%dma_start3A_158 : memref<128xi32, #tpu.memory_space<vmem>>) semaphore(%arg9 : memref<!tpu.dma_semaphore, #tpu.memory_space<semaphore_mem>>) {add = true}
      %gt3A = arith.constant 0 : i32
      %gt3A_162 = arith.cmpi sgt, %scan3A_90, %gt3A : i32
      %convert_element_type3A = arith.extui %gt3A_162 : i1 to i32
      %cond3A = arith.constant 0 : i32
      %cond3A_163 = arith.cmpi ne, %convert_element_type3A, %cond3A : i32
      scf.if %cond3A_163 {
        %dma_wait3A_212 = arith.constant 0 : i32
        %dma_wait3A_213 = arith.constant 0 : i32
        %dma_wait3A_214 = arith.constant 0 : i32
        %dma_wait3A_215 = tpu.memref_slice %arg6[%dma_wait3A_212, %dma_wait3A_213, %dma_wait3A_214] : memref<3x128x128xf32, #tpu.memory_space<vmem>> -> memref<1x128x128xf32, #tpu.memory_space<vmem>>
        %dma_wait3A_216 = tpu.memref_squeeze %dma_wait3A_215 : memref<1x128x128xf32, #tpu.memory_space<vmem>> -> memref<128x128xf32, #tpu.memory_space<vmem>>
        %dma_wait3A_217 = arith.constant 0 : i32
        %dma_wait3A_218 = arith.constant 0 : i32
        %dma_wait3A_219 = tpu.memref_slice %arg7[%dma_wait3A_217, %dma_wait3A_218] : memref<10112x128xf32, #tpu.memory_space<vmem_shared>> -> memref<128x128xf32, #tpu.memory_space<vmem_shared>>
        %dma_wait3A_220 = arith.constant 0 : i32
        %dma_wait3A_221 = arith.constant 0 : i32
        %dma_wait3A_222 = tpu.memref_slice %arg7[%dma_wait3A_220, %dma_wait3A_221] : memref<10112x128xf32, #tpu.memory_space<vmem_shared>> -> memref<128x128xf32, #tpu.memory_space<vmem_shared>>
        %dma_wait3A_223 = arith.constant 0 : i32
        %dma_wait3A_224 = arith.constant 0 : i32
        %dma_wait3A_225 = tpu.memref_slice %arg6[%dma_wait3A_212, %dma_wait3A_223, %dma_wait3A_224] : memref<3x128x128xf32, #tpu.memory_space<vmem>> -> memref<1x128x128xf32, #tpu.memory_space<vmem>>
        %dma_wait3A_226 = tpu.memref_squeeze %dma_wait3A_225 : memref<1x128x128xf32, #tpu.memory_space<vmem>> -> memref<128x128xf32, #tpu.memory_space<vmem>>
        tpu.wait_dma2 semaphore(%arg9 : memref<!tpu.dma_semaphore, #tpu.memory_space<semaphore_mem>>) src(%dma_wait3A_226 : memref<128x128xf32, #tpu.memory_space<vmem>>) dst(%dma_wait3A_222 : memref<128x128xf32, #tpu.memory_space<vmem_shared>>)
      } else {
      }
      %add3A_164 = arith.constant 2 : i32
      %add3A_165 = arith.addi %scan3A_90, %add3A_164 : i32
      %min3A = arith.constant 157 : i32
      %min3A_166 = arith.minsi %add3A_165, %min3A : i32
      %dma_start3A_167 = arith.constant 0 : i32
      %dma_start3A_168 = arith.constant 0 : i32
      %dma_start3A_169 = tpu.memref_slice %arg5[%select_n3A_135, %dma_start3A_167, %dma_start3A_168] : memref<3x2x128xi32, #tpu.memory_space<vmem>> -> memref<1x2x128xi32, #tpu.memory_space<vmem>>
      %dma_start3A_170 = tpu.memref_squeeze %dma_start3A_169 : memref<1x2x128xi32, #tpu.memory_space<vmem>> -> memref<2x128xi32, #tpu.memory_space<vmem>>
      %dma_start3A_171 = arith.constant 0 : i32
      %dma_start3A_172 = arith.constant 0 : i32
      %dma_start3A_173 = tpu.memref_slice %arg3[%arg0, %arg1, %min3A_166, %dma_start3A_171, %dma_start3A_172] : memref<2x16x158x2x128xi32, #tpu.memory_space<hbm>> -> memref<1x1x1x2x128xi32, #tpu.memory_space<hbm>>
      %dma_start3A_174 = tpu.memref_squeeze %dma_start3A_173 : memref<1x1x1x2x128xi32, #tpu.memory_space<hbm>> -> memref<2x128xi32, #tpu.memory_space<hbm>>
      %dma_start3A_175 = arith.constant 0 : i32
      %dma_start3A_176 = arith.constant 0 : i32
      %dma_start3A_177 = tpu.memref_slice %arg5[%select_n3A_135, %dma_start3A_175, %dma_start3A_176] : memref<3x2x128xi32, #tpu.memory_space<vmem>> -> memref<1x2x128xi32, #tpu.memory_space<vmem>>
      %dma_start3A_178 = tpu.memref_squeeze %dma_start3A_177 : memref<1x2x128xi32, #tpu.memory_space<vmem>> -> memref<2x128xi32, #tpu.memory_space<vmem>>
      %dma_start3A_179 = arith.constant 0 : i32
      %dma_start3A_180 = arith.constant 0 : i32
      %dma_start3A_181 = tpu.memref_slice %arg3[%arg0, %arg1, %min3A_166, %dma_start3A_179, %dma_start3A_180] : memref<2x16x158x2x128xi32, #tpu.memory_space<hbm>> -> memref<1x1x1x2x128xi32, #tpu.memory_space<hbm>>
      %dma_start3A_182 = tpu.memref_squeeze %dma_start3A_181 : memref<1x1x1x2x128xi32, #tpu.memory_space<hbm>> -> memref<2x128xi32, #tpu.memory_space<hbm>>
      tpu.enqueue_dma source(%dma_start3A_182 : memref<2x128xi32, #tpu.memory_space<hbm>>) target(%dma_start3A_178 : memref<2x128xi32, #tpu.memory_space<vmem>>) target_semaphore(%arg10 : memref<!tpu.dma_semaphore, #tpu.memory_space<semaphore_mem>>)
      %dma_wait3A_183 = arith.constant 0 : i32
      %dma_wait3A_184 = arith.constant 0 : i32
      %dma_wait3A_185 = arith.constant 0 : i32
      %dma_wait3A_186 = arith.constant 0 : i32
      %dma_wait3A_187 = tpu.memref_slice %arg5[%dma_wait3A_184, %dma_wait3A_185, %dma_wait3A_186] : memref<3x2x128xi32, #tpu.memory_space<vmem>> -> memref<1x2x128xi32, #tpu.memory_space<vmem>>
      %dma_wait3A_188 = tpu.memref_squeeze %dma_wait3A_187 : memref<1x2x128xi32, #tpu.memory_space<vmem>> -> memref<2x128xi32, #tpu.memory_space<vmem>>
      %dma_wait3A_189 = arith.constant 0 : i32
      %dma_wait3A_190 = arith.constant 0 : i32
      %dma_wait3A_191 = tpu.memref_slice %arg3[%arg0, %arg1, %dma_wait3A_183, %dma_wait3A_189, %dma_wait3A_190] : memref<2x16x158x2x128xi32, #tpu.memory_space<hbm>> -> memref<1x1x1x2x128xi32, #tpu.memory_space<hbm>>
      %dma_wait3A_192 = tpu.memref_squeeze %dma_wait3A_191 : memref<1x1x1x2x128xi32, #tpu.memory_space<hbm>> -> memref<2x128xi32, #tpu.memory_space<hbm>>
      %dma_wait3A_193 = arith.constant 0 : i32
      %dma_wait3A_194 = arith.constant 0 : i32
      %dma_wait3A_195 = tpu.memref_slice %arg5[%dma_wait3A_184, %dma_wait3A_193, %dma_wait3A_194] : memref<3x2x128xi32, #tpu.memory_space<vmem>> -> memref<1x2x128xi32, #tpu.memory_space<vmem>>
      %dma_wait3A_196 = tpu.memref_squeeze %dma_wait3A_195 : memref<1x2x128xi32, #tpu.memory_space<vmem>> -> memref<2x128xi32, #tpu.memory_space<vmem>>
      %dma_wait3A_197 = arith.constant 0 : i32
      %dma_wait3A_198 = arith.constant 0 : i32
      %dma_wait3A_199 = tpu.memref_slice %arg3[%arg0, %arg1, %dma_wait3A_183, %dma_wait3A_197, %dma_wait3A_198] : memref<2x16x158x2x128xi32, #tpu.memory_space<hbm>> -> memref<1x1x1x2x128xi32, #tpu.memory_space<hbm>>
      %dma_wait3A_200 = tpu.memref_squeeze %dma_wait3A_199 : memref<1x1x1x2x128xi32, #tpu.memory_space<hbm>> -> memref<2x128xi32, #tpu.memory_space<hbm>>
      tpu.wait_dma2 semaphore(%arg10 : memref<!tpu.dma_semaphore, #tpu.memory_space<semaphore_mem>>) src(%dma_wait3A_200 : memref<2x128xi32, #tpu.memory_space<hbm>>) dst(%dma_wait3A_196 : memref<2x128xi32, #tpu.memory_space<vmem>>)
      %dma_start3A_201 = arith.constant 0 : i32
      %dma_start3A_202 = arith.constant 0 : i32
      %dma_start3A_203 = arith.constant 0 : i32
      %dma_start3A_204 = tpu.memref_slice %arg6[%select_n3A_117, %dma_start3A_202, %dma_start3A_203] : memref<3x128x128xf32, #tpu.memory_space<vmem>> -> memref<1x128x128xf32, #tpu.memory_space<vmem>>
      %dma_start3A_205 = tpu.memref_squeeze %dma_start3A_204 : memref<1x128x128xf32, #tpu.memory_space<vmem>> -> memref<128x128xf32, #tpu.memory_space<vmem>>
      %dma_start3A_206 = arith.constant 0 : i32
      %dma_start3A_207 = tpu.memref_slice %arg5[%select_n3A_117, %dma_start3A_201, %dma_start3A_206] : memref<3x2x128xi32, #tpu.memory_space<vmem>> -> memref<1x1x128xi32, #tpu.memory_space<vmem>>
      %dma_start3A_208 = tpu.memref_squeeze %dma_start3A_207 : memref<1x1x128xi32, #tpu.memory_space<vmem>> -> memref<128xi32, #tpu.memory_space<vmem>>
      %dma_start3A_209 = arith.constant 0 : i32
      %dma_start3A_210 = arith.constant 0 : i32
      %dma_start3A_211 = tpu.memref_slice %arg2[%dma_start3A_209, %dma_start3A_210] : memref<20224x128xf32, #tpu.memory_space<hbm>> -> memref<20224x128xf32, #tpu.memory_space<hbm>>
      tpu.enqueue_indirect_dma source(%dma_start3A_211 : memref<20224x128xf32, #tpu.memory_space<hbm>>) target(%dma_start3A_205 : memref<128x128xf32, #tpu.memory_space<vmem>>) offsets(%dma_start3A_208 : memref<128xi32, #tpu.memory_space<vmem>>) semaphore(%arg8 : memref<!tpu.dma_semaphore, #tpu.memory_space<semaphore_mem>>)
    }
    %scan3A_38 = arith.constant 158 : i32
    %dma_wait3A = arith.constant 0 : i32
    %dma_wait3A_39 = arith.constant 0 : i32
    %dma_wait3A_40 = arith.constant 0 : i32
    %dma_wait3A_41 = tpu.memref_slice %arg6[%dma_wait3A, %dma_wait3A_39, %dma_wait3A_40] : memref<3x128x128xf32, #tpu.memory_space<vmem>> -> memref<1x128x128xf32, #tpu.memory_space<vmem>>
    %dma_wait3A_42 = tpu.memref_squeeze %dma_wait3A_41 : memref<1x128x128xf32, #tpu.memory_space<vmem>> -> memref<128x128xf32, #tpu.memory_space<vmem>>
    %dma_wait3A_43 = arith.constant 0 : i32
    %dma_wait3A_44 = arith.constant 0 : i32
    %dma_wait3A_45 = tpu.memref_slice %arg2[%dma_wait3A_43, %dma_wait3A_44] : memref<20224x128xf32, #tpu.memory_space<hbm>> -> memref<128x128xf32, #tpu.memory_space<hbm>>
    %dma_wait3A_46 = arith.constant 0 : i32
    %dma_wait3A_47 = arith.constant 0 : i32
    %dma_wait3A_48 = tpu.memref_slice %arg6[%dma_wait3A, %dma_wait3A_46, %dma_wait3A_47] : memref<3x128x128xf32, #tpu.memory_space<vmem>> -> memref<1x128x128xf32, #tpu.memory_space<vmem>>
    %dma_wait3A_49 = tpu.memref_squeeze %dma_wait3A_48 : memref<1x128x128xf32, #tpu.memory_space<vmem>> -> memref<128x128xf32, #tpu.memory_space<vmem>>
    %dma_wait3A_50 = arith.constant 0 : i32
    %dma_wait3A_51 = arith.constant 0 : i32
    %dma_wait3A_52 = tpu.memref_slice %arg2[%dma_wait3A_50, %dma_wait3A_51] : memref<20224x128xf32, #tpu.memory_space<hbm>> -> memref<128x128xf32, #tpu.memory_space<hbm>>
    tpu.wait_dma2 semaphore(%arg8 : memref<!tpu.dma_semaphore, #tpu.memory_space<semaphore_mem>>) src(%dma_wait3A_52 : memref<128x128xf32, #tpu.memory_space<hbm>>) dst(%dma_wait3A_49 : memref<128x128xf32, #tpu.memory_space<vmem>>)
    %dma_wait3A_53 = arith.constant 0 : i32
    %dma_wait3A_54 = arith.constant 0 : i32
    %dma_wait3A_55 = arith.constant 0 : i32
    %dma_wait3A_56 = tpu.memref_slice %arg6[%dma_wait3A_53, %dma_wait3A_54, %dma_wait3A_55] : memref<3x128x128xf32, #tpu.memory_space<vmem>> -> memref<1x128x128xf32, #tpu.memory_space<vmem>>
    %dma_wait3A_57 = tpu.memref_squeeze %dma_wait3A_56 : memref<1x128x128xf32, #tpu.memory_space<vmem>> -> memref<128x128xf32, #tpu.memory_space<vmem>>
    %dma_wait3A_58 = arith.constant 0 : i32
    %dma_wait3A_59 = arith.constant 0 : i32
    %dma_wait3A_60 = tpu.memref_slice %arg7[%dma_wait3A_58, %dma_wait3A_59] : memref<10112x128xf32, #tpu.memory_space<vmem_shared>> -> memref<128x128xf32, #tpu.memory_space<vmem_shared>>
    %dma_wait3A_61 = arith.constant 0 : i32
    %dma_wait3A_62 = arith.constant 0 : i32
    %dma_wait3A_63 = tpu.memref_slice %arg7[%dma_wait3A_61, %dma_wait3A_62] : memref<10112x128xf32, #tpu.memory_space<vmem_shared>> -> memref<128x128xf32, #tpu.memory_space<vmem_shared>>
    %dma_wait3A_64 = arith.constant 0 : i32
    %dma_wait3A_65 = arith.constant 0 : i32
    %dma_wait3A_66 = tpu.memref_slice %arg6[%dma_wait3A_53, %dma_wait3A_64, %dma_wait3A_65] : memref<3x128x128xf32, #tpu.memory_space<vmem>> -> memref<1x128x128xf32, #tpu.memory_space<vmem>>
    %dma_wait3A_67 = tpu.memref_squeeze %dma_wait3A_66 : memref<1x128x128xf32, #tpu.memory_space<vmem>> -> memref<128x128xf32, #tpu.memory_space<vmem>>
    tpu.wait_dma2 semaphore(%arg9 : memref<!tpu.dma_semaphore, #tpu.memory_space<semaphore_mem>>) src(%dma_wait3A_67 : memref<128x128xf32, #tpu.memory_space<vmem>>) dst(%dma_wait3A_63 : memref<128x128xf32, #tpu.memory_space<vmem_shared>>)
    %dma_wait3A_68 = arith.constant 0 : i32
    %dma_wait3A_69 = arith.constant 0 : i32
    %dma_wait3A_70 = arith.constant 0 : i32
    %dma_wait3A_71 = arith.constant 0 : i32
    %dma_wait3A_72 = tpu.memref_slice %arg5[%dma_wait3A_69, %dma_wait3A_70, %dma_wait3A_71] : memref<3x2x128xi32, #tpu.memory_space<vmem>> -> memref<1x2x128xi32, #tpu.memory_space<vmem>>
    %dma_wait3A_73 = tpu.memref_squeeze %dma_wait3A_72 : memref<1x2x128xi32, #tpu.memory_space<vmem>> -> memref<2x128xi32, #tpu.memory_space<vmem>>
    %dma_wait3A_74 = arith.constant 0 : i32
    %dma_wait3A_75 = arith.constant 0 : i32
    %dma_wait3A_76 = tpu.memref_slice %arg3[%arg0, %arg1, %dma_wait3A_68, %dma_wait3A_74, %dma_wait3A_75] : memref<2x16x158x2x128xi32, #tpu.memory_space<hbm>> -> memref<1x1x1x2x128xi32, #tpu.memory_space<hbm>>
    %dma_wait3A_77 = tpu.memref_squeeze %dma_wait3A_76 : memref<1x1x1x2x128xi32, #tpu.memory_space<hbm>> -> memref<2x128xi32, #tpu.memory_space<hbm>>
    %dma_wait3A_78 = arith.constant 0 : i32
    %dma_wait3A_79 = arith.constant 0 : i32
    %dma_wait3A_80 = tpu.memref_slice %arg5[%dma_wait3A_69, %dma_wait3A_78, %dma_wait3A_79] : memref<3x2x128xi32, #tpu.memory_space<vmem>> -> memref<1x2x128xi32, #tpu.memory_space<vmem>>
    %dma_wait3A_81 = tpu.memref_squeeze %dma_wait3A_80 : memref<1x2x128xi32, #tpu.memory_space<vmem>> -> memref<2x128xi32, #tpu.memory_space<vmem>>
    %dma_wait3A_82 = arith.constant 0 : i32
    %dma_wait3A_83 = arith.constant 0 : i32
    %dma_wait3A_84 = tpu.memref_slice %arg3[%arg0, %arg1, %dma_wait3A_68, %dma_wait3A_82, %dma_wait3A_83] : memref<2x16x158x2x128xi32, #tpu.memory_space<hbm>> -> memref<1x1x1x2x128xi32, #tpu.memory_space<hbm>>
    %dma_wait3A_85 = tpu.memref_squeeze %dma_wait3A_84 : memref<1x1x1x2x128xi32, #tpu.memory_space<hbm>> -> memref<2x128xi32, #tpu.memory_space<hbm>>
    tpu.wait_dma2 semaphore(%arg10 : memref<!tpu.dma_semaphore, #tpu.memory_space<semaphore_mem>>) src(%dma_wait3A_85 : memref<2x128xi32, #tpu.memory_space<hbm>>) dst(%dma_wait3A_81 : memref<2x128xi32, #tpu.memory_space<vmem>>)
    %barrier3A_86 = arith.constant 0 : index
    tpu.barrier barrier_id(%barrier3A_86)
    %mul3A_87 = arith.constant 10112 : i32
    %mul3A_88 = arith.muli %arg0, %mul3A_87 : i32
    %add3A_89 = arith.addi %mul3A_88, %mul3A_0 : i32
    "tpu.region"() ({
      %run_scoped3A_90 = tpu.sem_alloc : memref<!tpu.dma_semaphore, #tpu.memory_space<semaphore_mem>>
      %dma_start3A_91 = arith.constant 0 : i32
      %dma_start3A_92 = tpu.memref_slice %arg4[%add3A_89, %dma_start3A_91] : memref<20224x128xf32, #tpu.memory_space<hbm>> -> memref<632x128xf32, #tpu.memory_space<hbm>>
      %dma_start3A_93 = arith.constant 0 : i32
      %dma_start3A_94 = tpu.memref_slice %arg7[%mul3A_0, %dma_start3A_93] : memref<10112x128xf32, #tpu.memory_space<vmem_shared>> -> memref<632x128xf32, #tpu.memory_space<vmem_shared>>
      tpu.enqueue_dma source(%dma_start3A_94 : memref<632x128xf32, #tpu.memory_space<vmem_shared>>) target(%dma_start3A_92 : memref<632x128xf32, #tpu.memory_space<hbm>>) target_semaphore(%run_scoped3A_90 : memref<!tpu.dma_semaphore, #tpu.memory_space<semaphore_mem>>)
      %dma_wait3A_95 = arith.constant 0 : i32
      %dma_wait3A_96 = tpu.memref_slice %arg4[%add3A_89, %dma_wait3A_95] : memref<20224x128xf32, #tpu.memory_space<hbm>> -> memref<632x128xf32, #tpu.memory_space<hbm>>
      %dma_wait3A_97 = arith.constant 0 : i32
      %dma_wait3A_98 = tpu.memref_slice %arg7[%mul3A_0, %dma_wait3A_97] : memref<10112x128xf32, #tpu.memory_space<vmem_shared>> -> memref<632x128xf32, #tpu.memory_space<vmem_shared>>
      tpu.wait_dma2 semaphore(%run_scoped3A_90 : memref<!tpu.dma_semaphore, #tpu.memory_space<semaphore_mem>>) src(%dma_wait3A_98 : memref<632x128xf32, #tpu.memory_space<vmem_shared>>) dst(%dma_wait3A_96 : memref<632x128xf32, #tpu.memory_space<hbm>>)
      tpu.yield
    }) : () -> ()
    return
  }
}

#map = affine_map<(d0, d1) -> (0, 0)>
#map1 = affine_map<(d0, d1) -> (0, 0, 0, 0, 0)>
module attributes {stable_mosaic.version = 14 : i64} {
  func.func @_propagate_kernel(%arg0: i32, %arg1: i32, %arg2: memref<20224x128xf32, #tpu.memory_space<hbm>>, %arg3: memref<2x16x158x2x128xi32, #tpu.memory_space<hbm>>, %arg4: memref<20224x128xf32, #tpu.memory_space<hbm>>, %arg5: memref<3x2x128xi32, #tpu.memory_space<vmem>>, %arg6: memref<3x128x128xf32, #tpu.memory_space<vmem>>, %arg7: memref<10112x128xf32, #tpu.memory_space<vmem_shared>>, %arg8: memref<!tpu.dma_semaphore, #tpu.memory_space<semaphore_mem>>, %arg9: memref<!tpu.dma_semaphore, #tpu.memory_space<semaphore_mem>>, %arg10: memref<!tpu.dma_semaphore, #tpu.memory_space<semaphore_mem>>) attributes {dimension_semantics = [#tpu.dimension_semantics<core_parallel>, #tpu.dimension_semantics<subcore_parallel>], iteration_bounds = array<i64: 2, 16>, scalar_prefetch = 0 : i64, scratch_operands = 6 : i64, tpu.core_type = #tpu.core_type<sc_vector_subcore>, window_params = [{transform_indices = #map}, {transform_indices = #map1}, {transform_indices = #map}]} {
    %mul3A = arith.constant 632 : i32
    %mul3A_0 = arith.muli %arg1, %mul3A : i32
    %mul3A_1 = arith.constant 10112 : i32
    %mul3A_2 = arith.muli %arg0, %mul3A_1 : i32
    %add3A = arith.addi %mul3A_2, %mul3A_0 : i32
    "tpu.region"() ({
      %run_scoped3A_90 = tpu.sem_alloc : memref<!tpu.dma_semaphore, #tpu.memory_space<semaphore_mem>>
      %dma_start3A_91 = arith.constant 0 : i32
      %dma_start3A_92 = tpu.memref_slice %arg7[%mul3A_0, %dma_start3A_91] : memref<10112x128xf32, #tpu.memory_space<vmem_shared>> -> memref<632x128xf32, #tpu.memory_space<vmem_shared>>
      %dma_start3A_93 = arith.constant 0 : i32
      %dma_start3A_94 = tpu.memref_slice %arg2[%add3A, %dma_start3A_93] : memref<20224x128xf32, #tpu.memory_space<hbm>> -> memref<632x128xf32, #tpu.memory_space<hbm>>
      tpu.enqueue_dma source(%dma_start3A_94 : memref<632x128xf32, #tpu.memory_space<hbm>>) target(%dma_start3A_92 : memref<632x128xf32, #tpu.memory_space<vmem_shared>>) target_semaphore(%run_scoped3A_90 : memref<!tpu.dma_semaphore, #tpu.memory_space<semaphore_mem>>)
      %dma_wait3A_95 = arith.constant 0 : i32
      %dma_wait3A_96 = tpu.memref_slice %arg7[%mul3A_0, %dma_wait3A_95] : memref<10112x128xf32, #tpu.memory_space<vmem_shared>> -> memref<632x128xf32, #tpu.memory_space<vmem_shared>>
      %dma_wait3A_97 = arith.constant 0 : i32
      %dma_wait3A_98 = tpu.memref_slice %arg2[%add3A, %dma_wait3A_97] : memref<20224x128xf32, #tpu.memory_space<hbm>> -> memref<632x128xf32, #tpu.memory_space<hbm>>
      tpu.wait_dma2 semaphore(%run_scoped3A_90 : memref<!tpu.dma_semaphore, #tpu.memory_space<semaphore_mem>>) src(%dma_wait3A_98 : memref<632x128xf32, #tpu.memory_space<hbm>>) dst(%dma_wait3A_96 : memref<632x128xf32, #tpu.memory_space<vmem_shared>>)
      tpu.yield
    }) : () -> ()
    %run_scoped3A = arith.constant 0 : i32
    %run_scoped3A_3 = arith.constant 0 : i32
    "tpu.region"() ({
      %run_scoped3A_90 = tpu.sem_alloc : memref<!tpu.dma_semaphore, #tpu.memory_space<semaphore_mem>>
      %dma_start3A_91 = arith.constant 0 : i32
      %dma_start3A_92 = arith.constant 0 : i32
      %dma_start3A_93 = tpu.memref_slice %arg5[%run_scoped3A_3, %dma_start3A_91, %dma_start3A_92] : memref<3x2x128xi32, #tpu.memory_space<vmem>> -> memref<1x2x128xi32, #tpu.memory_space<vmem>>
      %dma_start3A_94 = tpu.memref_squeeze %dma_start3A_93 : memref<1x2x128xi32, #tpu.memory_space<vmem>> -> memref<2x128xi32, #tpu.memory_space<vmem>>
      %dma_start3A_95 = arith.constant 0 : i32
      %dma_start3A_96 = arith.constant 0 : i32
      %dma_start3A_97 = tpu.memref_slice %arg3[%arg0, %arg1, %run_scoped3A, %dma_start3A_95, %dma_start3A_96] : memref<2x16x158x2x128xi32, #tpu.memory_space<hbm>> -> memref<1x1x1x2x128xi32, #tpu.memory_space<hbm>>
      %dma_start3A_98 = tpu.memref_squeeze %dma_start3A_97 : memref<1x1x1x2x128xi32, #tpu.memory_space<hbm>> -> memref<2x128xi32, #tpu.memory_space<hbm>>
      %dma_start3A_99 = arith.constant 0 : i32
      %dma_start3A_100 = arith.constant 0 : i32
      %dma_start3A_101 = tpu.memref_slice %arg5[%run_scoped3A_3, %dma_start3A_99, %dma_start3A_100] : memref<3x2x128xi32, #tpu.memory_space<vmem>> -> memref<1x2x128xi32, #tpu.memory_space<vmem>>
      %dma_start3A_102 = tpu.memref_squeeze %dma_start3A_101 : memref<1x2x128xi32, #tpu.memory_space<vmem>> -> memref<2x128xi32, #tpu.memory_space<vmem>>
      %dma_start3A_103 = arith.constant 0 : i32
      %dma_start3A_104 = arith.constant 0 : i32
      %dma_start3A_105 = tpu.memref_slice %arg3[%arg0, %arg1, %run_scoped3A, %dma_start3A_103, %dma_start3A_104] : memref<2x16x158x2x128xi32, #tpu.memory_space<hbm>> -> memref<1x1x1x2x128xi32, #tpu.memory_space<hbm>>
      %dma_start3A_106 = tpu.memref_squeeze %dma_start3A_105 : memref<1x1x1x2x128xi32, #tpu.memory_space<hbm>> -> memref<2x128xi32, #tpu.memory_space<hbm>>
      tpu.enqueue_dma source(%dma_start3A_106 : memref<2x128xi32, #tpu.memory_space<hbm>>) target(%dma_start3A_102 : memref<2x128xi32, #tpu.memory_space<vmem>>) target_semaphore(%run_scoped3A_90 : memref<!tpu.dma_semaphore, #tpu.memory_space<semaphore_mem>>)
      %dma_wait3A_107 = arith.constant 0 : i32
      %dma_wait3A_108 = arith.constant 0 : i32
      %dma_wait3A_109 = tpu.memref_slice %arg5[%run_scoped3A_3, %dma_wait3A_107, %dma_wait3A_108] : memref<3x2x128xi32, #tpu.memory_space<vmem>> -> memref<1x2x128xi32, #tpu.memory_space<vmem>>
      %dma_wait3A_110 = tpu.memref_squeeze %dma_wait3A_109 : memref<1x2x128xi32, #tpu.memory_space<vmem>> -> memref<2x128xi32, #tpu.memory_space<vmem>>
      %dma_wait3A_111 = arith.constant 0 : i32
      %dma_wait3A_112 = arith.constant 0 : i32
      %dma_wait3A_113 = tpu.memref_slice %arg3[%arg0, %arg1, %run_scoped3A, %dma_wait3A_111, %dma_wait3A_112] : memref<2x16x158x2x128xi32, #tpu.memory_space<hbm>> -> memref<1x1x1x2x128xi32, #tpu.memory_space<hbm>>
      %dma_wait3A_114 = tpu.memref_squeeze %dma_wait3A_113 : memref<1x1x1x2x128xi32, #tpu.memory_space<hbm>> -> memref<2x128xi32, #tpu.memory_space<hbm>>
      %dma_wait3A_115 = arith.constant 0 : i32
      %dma_wait3A_116 = arith.constant 0 : i32
      %dma_wait3A_117 = tpu.memref_slice %arg5[%run_scoped3A_3, %dma_wait3A_115, %dma_wait3A_116] : memref<3x2x128xi32, #tpu.memory_space<vmem>> -> memref<1x2x128xi32, #tpu.memory_space<vmem>>
      %dma_wait3A_118 = tpu.memref_squeeze %dma_wait3A_117 : memref<1x2x128xi32, #tpu.memory_space<vmem>> -> memref<2x128xi32, #tpu.memory_space<vmem>>
      %dma_wait3A_119 = arith.constant 0 : i32
      %dma_wait3A_120 = arith.constant 0 : i32
      %dma_wait3A_121 = tpu.memref_slice %arg3[%arg0, %arg1, %run_scoped3A, %dma_wait3A_119, %dma_wait3A_120] : memref<2x16x158x2x128xi32, #tpu.memory_space<hbm>> -> memref<1x1x1x2x128xi32, #tpu.memory_space<hbm>>
      %dma_wait3A_122 = tpu.memref_squeeze %dma_wait3A_121 : memref<1x1x1x2x128xi32, #tpu.memory_space<hbm>> -> memref<2x128xi32, #tpu.memory_space<hbm>>
      tpu.wait_dma2 semaphore(%run_scoped3A_90 : memref<!tpu.dma_semaphore, #tpu.memory_space<semaphore_mem>>) src(%dma_wait3A_122 : memref<2x128xi32, #tpu.memory_space<hbm>>) dst(%dma_wait3A_118 : memref<2x128xi32, #tpu.memory_space<vmem>>)
      tpu.yield
    }) : () -> ()
    %barrier3A = arith.constant 0 : index
    tpu.barrier barrier_id(%barrier3A)
    %dma_start3A = arith.constant 1 : i32
    %dma_start3A_4 = arith.constant 1 : i32
    %dma_start3A_5 = arith.constant 0 : i32
    %dma_start3A_6 = arith.constant 0 : i32
    %dma_start3A_7 = tpu.memref_slice %arg5[%dma_start3A_4, %dma_start3A_5, %dma_start3A_6] : memref<3x2x128xi32, #tpu.memory_space<vmem>> -> memref<1x2x128xi32, #tpu.memory_space<vmem>>
    %dma_start3A_8 = tpu.memref_squeeze %dma_start3A_7 : memref<1x2x128xi32, #tpu.memory_space<vmem>> -> memref<2x128xi32, #tpu.memory_space<vmem>>
    %dma_start3A_9 = arith.constant 0 : i32
    %dma_start3A_10 = arith.constant 0 : i32
    %dma_start3A_11 = tpu.memref_slice %arg3[%arg0, %arg1, %dma_start3A, %dma_start3A_9, %dma_start3A_10] : memref<2x16x158x2x128xi32, #tpu.memory_space<hbm>> -> memref<1x1x1x2x128xi32, #tpu.memory_space<hbm>>
    %dma_start3A_12 = tpu.memref_squeeze %dma_start3A_11 : memref<1x1x1x2x128xi32, #tpu.memory_space<hbm>> -> memref<2x128xi32, #tpu.memory_space<hbm>>
    %dma_start3A_13 = arith.constant 0 : i32
    %dma_start3A_14 = arith.constant 0 : i32
    %dma_start3A_15 = tpu.memref_slice %arg5[%dma_start3A_4, %dma_start3A_13, %dma_start3A_14] : memref<3x2x128xi32, #tpu.memory_space<vmem>> -> memref<1x2x128xi32, #tpu.memory_space<vmem>>
    %dma_start3A_16 = tpu.memref_squeeze %dma_start3A_15 : memref<1x2x128xi32, #tpu.memory_space<vmem>> -> memref<2x128xi32, #tpu.memory_space<vmem>>
    %dma_start3A_17 = arith.constant 0 : i32
    %dma_start3A_18 = arith.constant 0 : i32
    %dma_start3A_19 = tpu.memref_slice %arg3[%arg0, %arg1, %dma_start3A, %dma_start3A_17, %dma_start3A_18] : memref<2x16x158x2x128xi32, #tpu.memory_space<hbm>> -> memref<1x1x1x2x128xi32, #tpu.memory_space<hbm>>
    %dma_start3A_20 = tpu.memref_squeeze %dma_start3A_19 : memref<1x1x1x2x128xi32, #tpu.memory_space<hbm>> -> memref<2x128xi32, #tpu.memory_space<hbm>>
    tpu.enqueue_dma source(%dma_start3A_20 : memref<2x128xi32, #tpu.memory_space<hbm>>) target(%dma_start3A_16 : memref<2x128xi32, #tpu.memory_space<vmem>>) target_semaphore(%arg10 : memref<!tpu.dma_semaphore, #tpu.memory_space<semaphore_mem>>)
    %dma_start3A_21 = arith.constant 0 : i32
    %dma_start3A_22 = arith.constant 0 : i32
    %dma_start3A_23 = arith.constant 0 : i32
    %dma_start3A_24 = arith.constant 0 : i32
    %dma_start3A_25 = arith.constant 0 : i32
    %dma_start3A_26 = tpu.memref_slice %arg6[%dma_start3A_23, %dma_start3A_24, %dma_start3A_25] : memref<3x128x128xf32, #tpu.memory_space<vmem>> -> memref<1x128x128xf32, #tpu.memory_space<vmem>>
    %dma_start3A_27 = tpu.memref_squeeze %dma_start3A_26 : memref<1x128x128xf32, #tpu.memory_space<vmem>> -> memref<128x128xf32, #tpu.memory_space<vmem>>
    %dma_start3A_28 = arith.constant 0 : i32
    %dma_start3A_29 = tpu.memref_slice %arg5[%dma_start3A_21, %dma_start3A_22, %dma_start3A_28] : memref<3x2x128xi32, #tpu.memory_space<vmem>> -> memref<1x1x128xi32, #tpu.memory_space<vmem>>
    %dma_start3A_30 = tpu.memref_squeeze %dma_start3A_29 : memref<1x1x128xi32, #tpu.memory_space<vmem>> -> memref<128xi32, #tpu.memory_space<vmem>>
    %dma_start3A_31 = arith.constant 0 : i32
    %dma_start3A_32 = arith.constant 0 : i32
    %dma_start3A_33 = tpu.memref_slice %arg2[%dma_start3A_31, %dma_start3A_32] : memref<20224x128xf32, #tpu.memory_space<hbm>> -> memref<20224x128xf32, #tpu.memory_space<hbm>>
    tpu.enqueue_indirect_dma source(%dma_start3A_33 : memref<20224x128xf32, #tpu.memory_space<hbm>>) target(%dma_start3A_27 : memref<128x128xf32, #tpu.memory_space<vmem>>) offsets(%dma_start3A_30 : memref<128xi32, #tpu.memory_space<vmem>>) semaphore(%arg8 : memref<!tpu.dma_semaphore, #tpu.memory_space<semaphore_mem>>)
    %scan3A = arith.constant 0 : i32
    %scan3A_34 = arith.constant 0 : i32
    %scan3A_35 = arith.constant 158 : i32
    %scan3A_36 = arith.addi %scan3A_34, %scan3A_35 : i32
    %scan3A_37 = arith.constant 1 : i32
    scf.for %scan3A_90 = %scan3A_34 to %scan3A_36 step %scan3A_37  : i32 {
      %jit3A = arith.constant 3 : i32
      %eq3A = arith.constant 0 : i32
      %eq3A_91 = arith.cmpi eq, %jit3A, %eq3A : i32
      %jit3A_92 = arith.constant 1 : i32
      %select_n3A = arith.select %eq3A_91, %jit3A_92, %jit3A : i32
      %rem3A = arith.remsi %scan3A_90, %select_n3A : i32
      %ne3A = arith.constant 0 : i32
      %ne3A_93 = arith.cmpi ne, %rem3A, %ne3A : i32
      %lt3A = arith.constant 0 : i32
      %lt3A_94 = arith.cmpi slt, %rem3A, %lt3A : i32
      %lt3A_95 = arith.constant 0 : i32
      %lt3A_96 = arith.cmpi slt, %select_n3A, %lt3A_95 : i32
      %ne3A_97 = arith.xori %lt3A_94, %lt3A_96 : i1
      %and3A = arith.andi %ne3A_97, %ne3A_93 : i1
      %add3A_98 = arith.addi %rem3A, %select_n3A : i32
      %select_n3A_99 = arith.select %and3A, %add3A_98, %rem3A : i32
      %add3A_100 = arith.constant 1 : i32
      %add3A_101 = arith.addi %scan3A_90, %add3A_100 : i32
      %jit3A_102 = arith.constant 3 : i32
      %eq3A_103 = arith.constant 0 : i32
      %eq3A_104 = arith.cmpi eq, %jit3A_102, %eq3A_103 : i32
      %jit3A_105 = arith.constant 1 : i32
      %select_n3A_106 = arith.select %eq3A_104, %jit3A_105, %jit3A_102 : i32
      %rem3A_107 = arith.remsi %add3A_101, %select_n3A_106 : i32
      %ne3A_108 = arith.constant 0 : i32
      %ne3A_109 = arith.cmpi ne, %rem3A_107, %ne3A_108 : i32
      %lt3A_110 = arith.constant 0 : i32
      %lt3A_111 = arith.cmpi slt, %rem3A_107, %lt3A_110 : i32
      %lt3A_112 = arith.constant 0 : i32
      %lt3A_113 = arith.cmpi slt, %select_n3A_106, %lt3A_112 : i32
      %ne3A_114 = arith.xori %lt3A_111, %lt3A_113 : i1
      %and3A_115 = arith.andi %ne3A_114, %ne3A_109 : i1
      %add3A_116 = arith.addi %rem3A_107, %select_n3A_106 : i32
      %select_n3A_117 = arith.select %and3A_115, %add3A_116, %rem3A_107 : i32
      %add3A_118 = arith.constant 2 : i32
      %add3A_119 = arith.addi %scan3A_90, %add3A_118 : i32
      %jit3A_120 = arith.constant 3 : i32
      %eq3A_121 = arith.constant 0 : i32
      %eq3A_122 = arith.cmpi eq, %jit3A_120, %eq3A_121 : i32
      %jit3A_123 = arith.constant 1 : i32
      %select_n3A_124 = arith.select %eq3A_122, %jit3A_123, %jit3A_120 : i32
      %rem3A_125 = arith.remsi %add3A_119, %select_n3A_124 : i32
      %ne3A_126 = arith.constant 0 : i32
      %ne3A_127 = arith.cmpi ne, %rem3A_125, %ne3A_126 : i32
      %lt3A_128 = arith.constant 0 : i32
      %lt3A_129 = arith.cmpi slt, %rem3A_125, %lt3A_128 : i32
      %lt3A_130 = arith.constant 0 : i32
      %lt3A_131 = arith.cmpi slt, %select_n3A_124, %lt3A_130 : i32
      %ne3A_132 = arith.xori %lt3A_129, %lt3A_131 : i1
      %and3A_133 = arith.andi %ne3A_132, %ne3A_127 : i1
      %add3A_134 = arith.addi %rem3A_125, %select_n3A_124 : i32
      %select_n3A_135 = arith.select %and3A_133, %add3A_134, %rem3A_125 : i32
      %dma_wait3A_136 = arith.constant 0 : i32
      %dma_wait3A_137 = arith.constant 0 : i32
      %dma_wait3A_138 = arith.constant 0 : i32
      %dma_wait3A_139 = tpu.memref_slice %arg6[%dma_wait3A_136, %dma_wait3A_137, %dma_wait3A_138] : memref<3x128x128xf32, #tpu.memory_space<vmem>> -> memref<1x128x128xf32, #tpu.memory_space<vmem>>
      %dma_wait3A_140 = tpu.memref_squeeze %dma_wait3A_139 : memref<1x128x128xf32, #tpu.memory_space<vmem>> -> memref<128x128xf32, #tpu.memory_space<vmem>>
      %dma_wait3A_141 = arith.constant 0 : i32
      %dma_wait3A_142 = arith.constant 0 : i32
      %dma_wait3A_143 = tpu.memref_slice %arg2[%dma_wait3A_141, %dma_wait3A_142] : memref<20224x128xf32, #tpu.memory_space<hbm>> -> memref<128x128xf32, #tpu.memory_space<hbm>>
      %dma_wait3A_144 = arith.constant 0 : i32
      %dma_wait3A_145 = arith.constant 0 : i32
      %dma_wait3A_146 = tpu.memref_slice %arg6[%dma_wait3A_136, %dma_wait3A_144, %dma_wait3A_145] : memref<3x128x128xf32, #tpu.memory_space<vmem>> -> memref<1x128x128xf32, #tpu.memory_space<vmem>>
      %dma_wait3A_147 = tpu.memref_squeeze %dma_wait3A_146 : memref<1x128x128xf32, #tpu.memory_space<vmem>> -> memref<128x128xf32, #tpu.memory_space<vmem>>
      %dma_wait3A_148 = arith.constant 0 : i32
      %dma_wait3A_149 = arith.constant 0 : i32
      %dma_wait3A_150 = tpu.memref_slice %arg2[%dma_wait3A_148, %dma_wait3A_149] : memref<20224x128xf32, #tpu.memory_space<hbm>> -> memref<128x128xf32, #tpu.memory_space<hbm>>
      tpu.wait_dma2 semaphore(%arg8 : memref<!tpu.dma_semaphore, #tpu.memory_space<semaphore_mem>>) src(%dma_wait3A_150 : memref<128x128xf32, #tpu.memory_space<hbm>>) dst(%dma_wait3A_147 : memref<128x128xf32, #tpu.memory_space<vmem>>)
      %dma_start3A_151 = arith.constant 1 : i32
      %dma_start3A_152 = arith.constant 0 : i32
      %dma_start3A_153 = arith.constant 0 : i32
      %dma_start3A_154 = tpu.memref_slice %arg6[%select_n3A_99, %dma_start3A_152, %dma_start3A_153] : memref<3x128x128xf32, #tpu.memory_space<vmem>> -> memref<1x128x128xf32, #tpu.memory_space<vmem>>
      %dma_start3A_155 = tpu.memref_squeeze %dma_start3A_154 : memref<1x128x128xf32, #tpu.memory_space<vmem>> -> memref<128x128xf32, #tpu.memory_space<vmem>>
      %dma_start3A_156 = arith.constant 0 : i32
      %dma_start3A_157 = tpu.memref_slice %arg5[%select_n3A_99, %dma_start3A_151, %dma_start3A_156] : memref<3x2x128xi32, #tpu.memory_space<vmem>> -> memref<1x1x128xi32, #tpu.memory_space<vmem>>
      %dma_start3A_158 = tpu.memref_squeeze %dma_start3A_157 : memref<1x1x128xi32, #tpu.memory_space<vmem>> -> memref<128xi32, #tpu.memory_space<vmem>>
      %dma_start3A_159 = arith.constant 0 : i32
      %dma_start3A_160 = arith.constant 0 : i32
      %dma_start3A_161 = tpu.memref_slice %arg7[%dma_start3A_159, %dma_start3A_160] : memref<10112x128xf32, #tpu.memory_space<vmem_shared>> -> memref<10112x128xf32, #tpu.memory_space<vmem_shared>>
      tpu.enqueue_indirect_dma source(%dma_start3A_155 : memref<128x128xf32, #tpu.memory_space<vmem>>) target(%dma_start3A_161 : memref<10112x128xf32, #tpu.memory_space<vmem_shared>>) offsets(%dma_start3A_158 : memref<128xi32, #tpu.memory_space<vmem>>) semaphore(%arg9 : memref<!tpu.dma_semaphore, #tpu.memory_space<semaphore_mem>>) {add = true}
      %gt3A = arith.constant 0 : i32
      %gt3A_162 = arith.cmpi sgt, %scan3A_90, %gt3A : i32
      %convert_element_type3A = arith.extui %gt3A_162 : i1 to i32
      %cond3A = arith.constant 0 : i32
      %cond3A_163 = arith.cmpi ne, %convert_element_type3A, %cond3A : i32
      scf.if %cond3A_163 {
        %dma_wait3A_212 = arith.constant 0 : i32
        %dma_wait3A_213 = arith.constant 0 : i32
        %dma_wait3A_214 = arith.constant 0 : i32
        %dma_wait3A_215 = tpu.memref_slice %arg6[%dma_wait3A_212, %dma_wait3A_213, %dma_wait3A_214] : memref<3x128x128xf32, #tpu.memory_space<vmem>> -> memref<1x128x128xf32, #tpu.memory_space<vmem>>
        %dma_wait3A_216 = tpu.memref_squeeze %dma_wait3A_215 : memref<1x128x128xf32, #tpu.memory_space<vmem>> -> memref<128x128xf32, #tpu.memory_space<vmem>>
        %dma_wait3A_217 = arith.constant 0 : i32
        %dma_wait3A_218 = arith.constant 0 : i32
        %dma_wait3A_219 = tpu.memref_slice %arg7[%dma_wait3A_217, %dma_wait3A_218] : memref<10112x128xf32, #tpu.memory_space<vmem_shared>> -> memref<128x128xf32, #tpu.memory_space<vmem_shared>>
        %dma_wait3A_220 = arith.constant 0 : i32
        %dma_wait3A_221 = arith.constant 0 : i32
        %dma_wait3A_222 = tpu.memref_slice %arg7[%dma_wait3A_220, %dma_wait3A_221] : memref<10112x128xf32, #tpu.memory_space<vmem_shared>> -> memref<128x128xf32, #tpu.memory_space<vmem_shared>>
        %dma_wait3A_223 = arith.constant 0 : i32
        %dma_wait3A_224 = arith.constant 0 : i32
        %dma_wait3A_225 = tpu.memref_slice %arg6[%dma_wait3A_212, %dma_wait3A_223, %dma_wait3A_224] : memref<3x128x128xf32, #tpu.memory_space<vmem>> -> memref<1x128x128xf32, #tpu.memory_space<vmem>>
        %dma_wait3A_226 = tpu.memref_squeeze %dma_wait3A_225 : memref<1x128x128xf32, #tpu.memory_space<vmem>> -> memref<128x128xf32, #tpu.memory_space<vmem>>
        tpu.wait_dma2 semaphore(%arg9 : memref<!tpu.dma_semaphore, #tpu.memory_space<semaphore_mem>>) src(%dma_wait3A_226 : memref<128x128xf32, #tpu.memory_space<vmem>>) dst(%dma_wait3A_222 : memref<128x128xf32, #tpu.memory_space<vmem_shared>>)
      } else {
      }
      %add3A_164 = arith.constant 2 : i32
      %add3A_165 = arith.addi %scan3A_90, %add3A_164 : i32
      %min3A = arith.constant 157 : i32
      %min3A_166 = arith.minsi %add3A_165, %min3A : i32
      %dma_start3A_167 = arith.constant 0 : i32
      %dma_start3A_168 = arith.constant 0 : i32
      %dma_start3A_169 = tpu.memref_slice %arg5[%select_n3A_135, %dma_start3A_167, %dma_start3A_168] : memref<3x2x128xi32, #tpu.memory_space<vmem>> -> memref<1x2x128xi32, #tpu.memory_space<vmem>>
      %dma_start3A_170 = tpu.memref_squeeze %dma_start3A_169 : memref<1x2x128xi32, #tpu.memory_space<vmem>> -> memref<2x128xi32, #tpu.memory_space<vmem>>
      %dma_start3A_171 = arith.constant 0 : i32
      %dma_start3A_172 = arith.constant 0 : i32
      %dma_start3A_173 = tpu.memref_slice %arg3[%arg0, %arg1, %min3A_166, %dma_start3A_171, %dma_start3A_172] : memref<2x16x158x2x128xi32, #tpu.memory_space<hbm>> -> memref<1x1x1x2x128xi32, #tpu.memory_space<hbm>>
      %dma_start3A_174 = tpu.memref_squeeze %dma_start3A_173 : memref<1x1x1x2x128xi32, #tpu.memory_space<hbm>> -> memref<2x128xi32, #tpu.memory_space<hbm>>
      %dma_start3A_175 = arith.constant 0 : i32
      %dma_start3A_176 = arith.constant 0 : i32
      %dma_start3A_177 = tpu.memref_slice %arg5[%select_n3A_135, %dma_start3A_175, %dma_start3A_176] : memref<3x2x128xi32, #tpu.memory_space<vmem>> -> memref<1x2x128xi32, #tpu.memory_space<vmem>>
      %dma_start3A_178 = tpu.memref_squeeze %dma_start3A_177 : memref<1x2x128xi32, #tpu.memory_space<vmem>> -> memref<2x128xi32, #tpu.memory_space<vmem>>
      %dma_start3A_179 = arith.constant 0 : i32
      %dma_start3A_180 = arith.constant 0 : i32
      %dma_start3A_181 = tpu.memref_slice %arg3[%arg0, %arg1, %min3A_166, %dma_start3A_179, %dma_start3A_180] : memref<2x16x158x2x128xi32, #tpu.memory_space<hbm>> -> memref<1x1x1x2x128xi32, #tpu.memory_space<hbm>>
      %dma_start3A_182 = tpu.memref_squeeze %dma_start3A_181 : memref<1x1x1x2x128xi32, #tpu.memory_space<hbm>> -> memref<2x128xi32, #tpu.memory_space<hbm>>
      tpu.enqueue_dma source(%dma_start3A_182 : memref<2x128xi32, #tpu.memory_space<hbm>>) target(%dma_start3A_178 : memref<2x128xi32, #tpu.memory_space<vmem>>) target_semaphore(%arg10 : memref<!tpu.dma_semaphore, #tpu.memory_space<semaphore_mem>>)
      %dma_wait3A_183 = arith.constant 0 : i32
      %dma_wait3A_184 = arith.constant 0 : i32
      %dma_wait3A_185 = arith.constant 0 : i32
      %dma_wait3A_186 = arith.constant 0 : i32
      %dma_wait3A_187 = tpu.memref_slice %arg5[%dma_wait3A_184, %dma_wait3A_185, %dma_wait3A_186] : memref<3x2x128xi32, #tpu.memory_space<vmem>> -> memref<1x2x128xi32, #tpu.memory_space<vmem>>
      %dma_wait3A_188 = tpu.memref_squeeze %dma_wait3A_187 : memref<1x2x128xi32, #tpu.memory_space<vmem>> -> memref<2x128xi32, #tpu.memory_space<vmem>>
      %dma_wait3A_189 = arith.constant 0 : i32
      %dma_wait3A_190 = arith.constant 0 : i32
      %dma_wait3A_191 = tpu.memref_slice %arg3[%arg0, %arg1, %dma_wait3A_183, %dma_wait3A_189, %dma_wait3A_190] : memref<2x16x158x2x128xi32, #tpu.memory_space<hbm>> -> memref<1x1x1x2x128xi32, #tpu.memory_space<hbm>>
      %dma_wait3A_192 = tpu.memref_squeeze %dma_wait3A_191 : memref<1x1x1x2x128xi32, #tpu.memory_space<hbm>> -> memref<2x128xi32, #tpu.memory_space<hbm>>
      %dma_wait3A_193 = arith.constant 0 : i32
      %dma_wait3A_194 = arith.constant 0 : i32
      %dma_wait3A_195 = tpu.memref_slice %arg5[%dma_wait3A_184, %dma_wait3A_193, %dma_wait3A_194] : memref<3x2x128xi32, #tpu.memory_space<vmem>> -> memref<1x2x128xi32, #tpu.memory_space<vmem>>
      %dma_wait3A_196 = tpu.memref_squeeze %dma_wait3A_195 : memref<1x2x128xi32, #tpu.memory_space<vmem>> -> memref<2x128xi32, #tpu.memory_space<vmem>>
      %dma_wait3A_197 = arith.constant 0 : i32
      %dma_wait3A_198 = arith.constant 0 : i32
      %dma_wait3A_199 = tpu.memref_slice %arg3[%arg0, %arg1, %dma_wait3A_183, %dma_wait3A_197, %dma_wait3A_198] : memref<2x16x158x2x128xi32, #tpu.memory_space<hbm>> -> memref<1x1x1x2x128xi32, #tpu.memory_space<hbm>>
      %dma_wait3A_200 = tpu.memref_squeeze %dma_wait3A_199 : memref<1x1x1x2x128xi32, #tpu.memory_space<hbm>> -> memref<2x128xi32, #tpu.memory_space<hbm>>
      tpu.wait_dma2 semaphore(%arg10 : memref<!tpu.dma_semaphore, #tpu.memory_space<semaphore_mem>>) src(%dma_wait3A_200 : memref<2x128xi32, #tpu.memory_space<hbm>>) dst(%dma_wait3A_196 : memref<2x128xi32, #tpu.memory_space<vmem>>)
      %dma_start3A_201 = arith.constant 0 : i32
      %dma_start3A_202 = arith.constant 0 : i32
      %dma_start3A_203 = arith.constant 0 : i32
      %dma_start3A_204 = tpu.memref_slice %arg6[%select_n3A_117, %dma_start3A_202, %dma_start3A_203] : memref<3x128x128xf32, #tpu.memory_space<vmem>> -> memref<1x128x128xf32, #tpu.memory_space<vmem>>
      %dma_start3A_205 = tpu.memref_squeeze %dma_start3A_204 : memref<1x128x128xf32, #tpu.memory_space<vmem>> -> memref<128x128xf32, #tpu.memory_space<vmem>>
      %dma_start3A_206 = arith.constant 0 : i32
      %dma_start3A_207 = tpu.memref_slice %arg5[%select_n3A_117, %dma_start3A_201, %dma_start3A_206] : memref<3x2x128xi32, #tpu.memory_space<vmem>> -> memref<1x1x128xi32, #tpu.memory_space<vmem>>
      %dma_start3A_208 = tpu.memref_squeeze %dma_start3A_207 : memref<1x1x128xi32, #tpu.memory_space<vmem>> -> memref<128xi32, #tpu.memory_space<vmem>>
      %dma_start3A_209 = arith.constant 0 : i32
      %dma_start3A_210 = arith.constant 0 : i32
      %dma_start3A_211 = tpu.memref_slice %arg2[%dma_start3A_209, %dma_start3A_210] : memref<20224x128xf32, #tpu.memory_space<hbm>> -> memref<20224x128xf32, #tpu.memory_space<hbm>>
      tpu.enqueue_indirect_dma source(%dma_start3A_211 : memref<20224x128xf32, #tpu.memory_space<hbm>>) target(%dma_start3A_205 : memref<128x128xf32, #tpu.memory_space<vmem>>) offsets(%dma_start3A_208 : memref<128xi32, #tpu.memory_space<vmem>>) semaphore(%arg8 : memref<!tpu.dma_semaphore, #tpu.memory_space<semaphore_mem>>)
    }
    %scan3A_38 = arith.constant 158 : i32
    %dma_wait3A = arith.constant 0 : i32
    %dma_wait3A_39 = arith.constant 0 : i32
    %dma_wait3A_40 = arith.constant 0 : i32
    %dma_wait3A_41 = tpu.memref_slice %arg6[%dma_wait3A, %dma_wait3A_39, %dma_wait3A_40] : memref<3x128x128xf32, #tpu.memory_space<vmem>> -> memref<1x128x128xf32, #tpu.memory_space<vmem>>
    %dma_wait3A_42 = tpu.memref_squeeze %dma_wait3A_41 : memref<1x128x128xf32, #tpu.memory_space<vmem>> -> memref<128x128xf32, #tpu.memory_space<vmem>>
    %dma_wait3A_43 = arith.constant 0 : i32
    %dma_wait3A_44 = arith.constant 0 : i32
    %dma_wait3A_45 = tpu.memref_slice %arg2[%dma_wait3A_43, %dma_wait3A_44] : memref<20224x128xf32, #tpu.memory_space<hbm>> -> memref<128x128xf32, #tpu.memory_space<hbm>>
    %dma_wait3A_46 = arith.constant 0 : i32
    %dma_wait3A_47 = arith.constant 0 : i32
    %dma_wait3A_48 = tpu.memref_slice %arg6[%dma_wait3A, %dma_wait3A_46, %dma_wait3A_47] : memref<3x128x128xf32, #tpu.memory_space<vmem>> -> memref<1x128x128xf32, #tpu.memory_space<vmem>>
    %dma_wait3A_49 = tpu.memref_squeeze %dma_wait3A_48 : memref<1x128x128xf32, #tpu.memory_space<vmem>> -> memref<128x128xf32, #tpu.memory_space<vmem>>
    %dma_wait3A_50 = arith.constant 0 : i32
    %dma_wait3A_51 = arith.constant 0 : i32
    %dma_wait3A_52 = tpu.memref_slice %arg2[%dma_wait3A_50, %dma_wait3A_51] : memref<20224x128xf32, #tpu.memory_space<hbm>> -> memref<128x128xf32, #tpu.memory_space<hbm>>
    tpu.wait_dma2 semaphore(%arg8 : memref<!tpu.dma_semaphore, #tpu.memory_space<semaphore_mem>>) src(%dma_wait3A_52 : memref<128x128xf32, #tpu.memory_space<hbm>>) dst(%dma_wait3A_49 : memref<128x128xf32, #tpu.memory_space<vmem>>)
    %dma_wait3A_53 = arith.constant 0 : i32
    %dma_wait3A_54 = arith.constant 0 : i32
    %dma_wait3A_55 = arith.constant 0 : i32
    %dma_wait3A_56 = tpu.memref_slice %arg6[%dma_wait3A_53, %dma_wait3A_54, %dma_wait3A_55] : memref<3x128x128xf32, #tpu.memory_space<vmem>> -> memref<1x128x128xf32, #tpu.memory_space<vmem>>
    %dma_wait3A_57 = tpu.memref_squeeze %dma_wait3A_56 : memref<1x128x128xf32, #tpu.memory_space<vmem>> -> memref<128x128xf32, #tpu.memory_space<vmem>>
    %dma_wait3A_58 = arith.constant 0 : i32
    %dma_wait3A_59 = arith.constant 0 : i32
    %dma_wait3A_60 = tpu.memref_slice %arg7[%dma_wait3A_58, %dma_wait3A_59] : memref<10112x128xf32, #tpu.memory_space<vmem_shared>> -> memref<128x128xf32, #tpu.memory_space<vmem_shared>>
    %dma_wait3A_61 = arith.constant 0 : i32
    %dma_wait3A_62 = arith.constant 0 : i32
    %dma_wait3A_63 = tpu.memref_slice %arg7[%dma_wait3A_61, %dma_wait3A_62] : memref<10112x128xf32, #tpu.memory_space<vmem_shared>> -> memref<128x128xf32, #tpu.memory_space<vmem_shared>>
    %dma_wait3A_64 = arith.constant 0 : i32
    %dma_wait3A_65 = arith.constant 0 : i32
    %dma_wait3A_66 = tpu.memref_slice %arg6[%dma_wait3A_53, %dma_wait3A_64, %dma_wait3A_65] : memref<3x128x128xf32, #tpu.memory_space<vmem>> -> memref<1x128x128xf32, #tpu.memory_space<vmem>>
    %dma_wait3A_67 = tpu.memref_squeeze %dma_wait3A_66 : memref<1x128x128xf32, #tpu.memory_space<vmem>> -> memref<128x128xf32, #tpu.memory_space<vmem>>
    tpu.wait_dma2 semaphore(%arg9 : memref<!tpu.dma_semaphore, #tpu.memory_space<semaphore_mem>>) src(%dma_wait3A_67 : memref<128x128xf32, #tpu.memory_space<vmem>>) dst(%dma_wait3A_63 : memref<128x128xf32, #tpu.memory_space<vmem_shared>>)
    %dma_wait3A_68 = arith.constant 0 : i32
    %dma_wait3A_69 = arith.constant 0 : i32
    %dma_wait3A_70 = arith.constant 0 : i32
    %dma_wait3A_71 = arith.constant 0 : i32
    %dma_wait3A_72 = tpu.memref_slice %arg5[%dma_wait3A_69, %dma_wait3A_70, %dma_wait3A_71] : memref<3x2x128xi32, #tpu.memory_space<vmem>> -> memref<1x2x128xi32, #tpu.memory_space<vmem>>
    %dma_wait3A_73 = tpu.memref_squeeze %dma_wait3A_72 : memref<1x2x128xi32, #tpu.memory_space<vmem>> -> memref<2x128xi32, #tpu.memory_space<vmem>>
    %dma_wait3A_74 = arith.constant 0 : i32
    %dma_wait3A_75 = arith.constant 0 : i32
    %dma_wait3A_76 = tpu.memref_slice %arg3[%arg0, %arg1, %dma_wait3A_68, %dma_wait3A_74, %dma_wait3A_75] : memref<2x16x158x2x128xi32, #tpu.memory_space<hbm>> -> memref<1x1x1x2x128xi32, #tpu.memory_space<hbm>>
    %dma_wait3A_77 = tpu.memref_squeeze %dma_wait3A_76 : memref<1x1x1x2x128xi32, #tpu.memory_space<hbm>> -> memref<2x128xi32, #tpu.memory_space<hbm>>
    %dma_wait3A_78 = arith.constant 0 : i32
    %dma_wait3A_79 = arith.constant 0 : i32
    %dma_wait3A_80 = tpu.memref_slice %arg5[%dma_wait3A_69, %dma_wait3A_78, %dma_wait3A_79] : memref<3x2x128xi32, #tpu.memory_space<vmem>> -> memref<1x2x128xi32, #tpu.memory_space<vmem>>
    %dma_wait3A_81 = tpu.memref_squeeze %dma_wait3A_80 : memref<1x2x128xi32, #tpu.memory_space<vmem>> -> memref<2x128xi32, #tpu.memory_space<vmem>>
    %dma_wait3A_82 = arith.constant 0 : i32
    %dma_wait3A_83 = arith.constant 0 : i32
    %dma_wait3A_84 = tpu.memref_slice %arg3[%arg0, %arg1, %dma_wait3A_68, %dma_wait3A_82, %dma_wait3A_83] : memref<2x16x158x2x128xi32, #tpu.memory_space<hbm>> -> memref<1x1x1x2x128xi32, #tpu.memory_space<hbm>>
    %dma_wait3A_85 = tpu.memref_squeeze %dma_wait3A_84 : memref<1x1x1x2x128xi32, #tpu.memory_space<hbm>> -> memref<2x128xi32, #tpu.memory_space<hbm>>
    tpu.wait_dma2 semaphore(%arg10 : memref<!tpu.dma_semaphore, #tpu.memory_space<semaphore_mem>>) src(%dma_wait3A_85 : memref<2x128xi32, #tpu.memory_space<hbm>>) dst(%dma_wait3A_81 : memref<2x128xi32, #tpu.memory_space<vmem>>)
    %barrier3A_86 = arith.constant 0 : index
    tpu.barrier barrier_id(%barrier3A_86)
    %mul3A_87 = arith.constant 10112 : i32
    %mul3A_88 = arith.muli %arg0, %mul3A_87 : i32
    %add3A_89 = arith.addi %mul3A_88, %mul3A_0 : i32
    "tpu.region"() ({
      %run_scoped3A_90 = tpu.sem_alloc : memref<!tpu.dma_semaphore, #tpu.memory_space<semaphore_mem>>
      %dma_start3A_91 = arith.constant 0 : i32
      %dma_start3A_92 = tpu.memref_slice %arg4[%add3A_89, %dma_start3A_91] : memref<20224x128xf32, #tpu.memory_space<hbm>> -> memref<632x128xf32, #tpu.memory_space<hbm>>
      %dma_start3A_93 = arith.constant 0 : i32
      %dma_start3A_94 = tpu.memref_slice %arg7[%mul3A_0, %dma_start3A_93] : memref<10112x128xf32, #tpu.memory_space<vmem_shared>> -> memref<632x128xf32, #tpu.memory_space<vmem_shared>>
      tpu.enqueue_dma source(%dma_start3A_94 : memref<632x128xf32, #tpu.memory_space<vmem_shared>>) target(%dma_start3A_92 : memref<632x128xf32, #tpu.memory_space<hbm>>) target_semaphore(%run_scoped3A_90 : memref<!tpu.dma_semaphore, #tpu.memory_space<semaphore_mem>>)
      %dma_wait3A_95 = arith.constant 0 : i32
      %dma_wait3A_96 = tpu.memref_slice %arg4[%add3A_89, %dma_wait3A_95] : memref<20224x128xf32, #tpu.memory_space<hbm>> -> memref<632x128xf32, #tpu.memory_space<hbm>>
      %dma_wait3A_97 = arith.constant 0 : i32
      %dma_wait3A_98 = tpu.memref_slice %arg7[%mul3A_0, %dma_wait3A_97] : memref<10112x128xf32, #tpu.memory_space<vmem_shared>> -> memref<632x128xf32, #tpu.memory_space<vmem_shared>>
      tpu.wait_dma2 semaphore(%run_scoped3A_90 : memref<!tpu.dma_semaphore, #tpu.memory_space<semaphore_mem>>) src(%dma_wait3A_98 : memref<632x128xf32, #tpu.memory_space<vmem_shared>>) dst(%dma_wait3A_96 : memref<632x128xf32, #tpu.memory_space<hbm>>)
      tpu.yield
    }) : () -> ()
    return
  }
}

module attributes {stable_mosaic.version = 14 : i64} {
  func.func @_b1_body(%arg0: i32, %arg1: memref<128x128xf32, #tpu.memory_space<vmem>>, %arg2: memref<2x128xf32, #tpu.memory_space<vmem>>, %arg3: memref<128x256xf32, #tpu.memory_space<vmem>>, %arg4: memref<2x128x128xf32, #tpu.memory_space<vmem>>) attributes {dimension_semantics = [#tpu.dimension_semantics<arbitrary>], iteration_bounds = array<i64: 79>, scalar_prefetch = 0 : i64, scratch_operands = 0 : i64, tpu.core_type = #tpu.core_type<tc>, window_params = [{transform_indices = @transform_0, window_bounds = array<i64: 128, 128>}, {transform_indices = @transform_1, window_bounds = array<i64: 2, 128>}, {pipeline_mode = #tpu.pipeline_mode<synchronous>, transform_indices = @transform_2, window_bounds = array<i64: 128, 256>}, {transform_indices = @transform_3, window_bounds = array<i64: 2, 128, 128>}]} {
    %get3A = arith.constant 0 : index
    %get3A_0 = arith.constant 0 : index
    %get3A_1 = vector.load %arg2[%get3A, %get3A_0] : memref<2x128xf32, #tpu.memory_space<vmem>>, vector<1x128xf32>
    %get3A_2 = vector.shape_cast %get3A_1 : vector<1x128xf32> to vector<128xf32>
    %get3A_3 = arith.constant 1 : index
    %get3A_4 = arith.constant 0 : index
    %get3A_5 = vector.load %arg2[%get3A_3, %get3A_4] : memref<2x128xf32, #tpu.memory_space<vmem>>, vector<1x128xf32>
    %get3A_6 = vector.shape_cast %get3A_5 : vector<1x128xf32> to vector<128xf32>
    %add3A = arith.addf %get3A_2, %get3A_6 : vector<128xf32>
    %add3A_7 = arith.constant 1.000000e+00 : f32
    %add3A_8 = vector.broadcast %add3A_7 : f32 to vector<128xf32>
    %add3A_9 = arith.addf %add3A, %add3A_8 : vector<128xf32>
    %max3A = arith.constant 9.99999996E-13 : f32
    %max3A_10 = vector.broadcast %max3A : f32 to vector<128xf32>
    %max3A_11 = arith.maximumf %add3A_9, %max3A_10 : vector<128xf32>
    %rsqrt3A = math.rsqrt %max3A_11 : vector<128xf32>
    %get3A_12 = arith.constant 0 : index
    %get3A_13 = arith.constant 0 : index
    %get3A_14 = vector.load %arg1[%get3A_12, %get3A_13] : memref<128x128xf32, #tpu.memory_space<vmem>>, vector<128x128xf32>
    %get3A_15 = arith.constant 0 : index
    %get3A_16 = arith.constant 0 : index
    %get3A_17 = vector.load %arg3[%get3A_15, %get3A_16] : memref<128x256xf32, #tpu.memory_space<vmem>>, vector<128x256xf32>
    %dot_general3A = arith.constant dense<0.000000e+00> : vector<128x256xf32>
    %dot_general3A_18 = tpu.matmul %get3A_14, %get3A_17, %dot_general3A {dimension_numbers = #tpu.dot_dimension_numbers<[1], [0], [0], [1], [0, 0, 1, 1], [], []>, transpose_lhs_hint = false} : vector<128x128xf32>, vector<128x256xf32>, vector<128x256xf32> -> vector<128x256xf32>
    %broadcast_in_dim3A = vector.shape_cast %rsqrt3A : vector<128xf32> to vector<128x1xf32>
    %mul3A = vector.broadcast %broadcast_in_dim3A : vector<128x1xf32> to vector<128x256xf32>
    %mul3A_19 = arith.mulf %dot_general3A_18, %mul3A : vector<128x256xf32>
    %slice3A = vector.extract_strided_slice %mul3A_19 {offsets = [0, 0], sizes = [128, 128], strides = [1, 1]} : vector<128x256xf32> to vector<128x128xf32>
    %swap3A = arith.constant 0 : index
    %swap3A_20 = arith.constant 0 : index
    %swap3A_21 = arith.constant 0 : index
    %swap3A_22 = vector.load %arg4[%swap3A, %swap3A_20, %swap3A_21] : memref<2x128x128xf32, #tpu.memory_space<vmem>>, vector<1x128x128xf32>
    %swap3A_23 = vector.shape_cast %swap3A_22 : vector<1x128x128xf32> to vector<128x128xf32>
    %swap3A_24 = vector.shape_cast %slice3A : vector<128x128xf32> to vector<1x128x128xf32>
    tpu.vector_store %arg4[%swap3A, %swap3A_20, %swap3A_21], %swap3A_24 {strides = array<i32>} : memref<2x128x128xf32, #tpu.memory_space<vmem>>, vector<1x128x128xf32>,
    %slice3A_25 = vector.extract_strided_slice %mul3A_19 {offsets = [0, 128], sizes = [128, 128], strides = [1, 1]} : vector<128x256xf32> to vector<128x128xf32>
    %swap3A_26 = arith.constant 1 : index
    %swap3A_27 = arith.constant 0 : index
    %swap3A_28 = arith.constant 0 : index
    %swap3A_29 = vector.load %arg4[%swap3A_26, %swap3A_27, %swap3A_28] : memref<2x128x128xf32, #tpu.memory_space<vmem>>, vector<1x128x128xf32>
    %swap3A_30 = vector.shape_cast %swap3A_29 : vector<1x128x128xf32> to vector<128x128xf32>
    %swap3A_31 = vector.shape_cast %slice3A_25 : vector<128x128xf32> to vector<1x128x128xf32>
    tpu.vector_store %arg4[%swap3A_26, %swap3A_27, %swap3A_28], %swap3A_31 {strides = array<i32>} : memref<2x128x128xf32, #tpu.memory_space<vmem>>, vector<1x128x128xf32>,
    return
  }
  func.func @transform_0(%arg0: i32) -> (i32, i32) {
    %c0_i32 = arith.constant 0 : i32
    %c0_i32_0 = arith.constant 0 : i32
    return %arg0, %c0_i32 : i32, i32
  }
  func.func @transform_1(%arg0: i32) -> (i32, i32) {
    %c0_i32 = arith.constant 0 : i32
    %c0_i32_0 = arith.constant 0 : i32
    return %c0_i32, %arg0 : i32, i32
  }
  func.func @transform_2(%arg0: i32) -> (i32, i32) {
    %c0_i32 = arith.constant 0 : i32
    %c0_i32_0 = arith.constant 0 : i32
    %c0_i32_1 = arith.constant 0 : i32
    return %c0_i32, %c0_i32_0 : i32, i32
  }
  func.func @transform_3(%arg0: i32) -> (i32, i32, i32) {
    %c0_i32 = arith.constant 0 : i32
    %c0_i32_0 = arith.constant 0 : i32
    %c0_i32_1 = arith.constant 0 : i32
    return %c0_i32, %arg0, %c0_i32_0 : i32, i32, i32
  }
}

module attributes {stable_mosaic.version = 14 : i64} {
  func.func @_layer_body(%arg0: i32, %arg1: memref<2x128x128xf32, #tpu.memory_space<vmem>>, %arg2: memref<2x128xf32, #tpu.memory_space<vmem>>, %arg3: memref<256x256xf32, #tpu.memory_space<vmem>>, %arg4: memref<1x256xf32, #tpu.memory_space<vmem>>, %arg5: memref<2x128x128xf32, #tpu.memory_space<vmem>>) attributes {dimension_semantics = [#tpu.dimension_semantics<arbitrary>], iteration_bounds = array<i64: 79>, scalar_prefetch = 0 : i64, scratch_operands = 0 : i64, tpu.core_type = #tpu.core_type<tc>, window_params = [{transform_indices = @transform_0, window_bounds = array<i64: 2, 128, 128>}, {transform_indices = @transform_1, window_bounds = array<i64: 2, 128>}, {pipeline_mode = #tpu.pipeline_mode<synchronous>, transform_indices = @transform_2, window_bounds = array<i64: 256, 256>}, {pipeline_mode = #tpu.pipeline_mode<synchronous>, transform_indices = @transform_3, window_bounds = array<i64: 1, 256>}, {transform_indices = @transform_4, window_bounds = array<i64: 2, 128, 128>}]} {
    %get3A = arith.constant 0 : index
    %get3A_0 = arith.constant 0 : index
    %get3A_1 = vector.load %arg2[%get3A, %get3A_0] : memref<2x128xf32, #tpu.memory_space<vmem>>, vector<1x128xf32>
    %get3A_2 = vector.shape_cast %get3A_1 : vector<1x128xf32> to vector<128xf32>
    %get3A_3 = arith.constant 1 : index
    %get3A_4 = arith.constant 0 : index
    %get3A_5 = vector.load %arg2[%get3A_3, %get3A_4] : memref<2x128xf32, #tpu.memory_space<vmem>>, vector<1x128xf32>
    %get3A_6 = vector.shape_cast %get3A_5 : vector<1x128xf32> to vector<128xf32>
    %add3A = arith.addf %get3A_2, %get3A_6 : vector<128xf32>
    %add3A_7 = arith.constant 1.000000e+00 : f32
    %add3A_8 = vector.broadcast %add3A_7 : f32 to vector<128xf32>
    %add3A_9 = arith.addf %add3A, %add3A_8 : vector<128xf32>
    %max3A = arith.constant 9.99999996E-13 : f32
    %max3A_10 = vector.broadcast %max3A : f32 to vector<128xf32>
    %max3A_11 = arith.maximumf %add3A_9, %max3A_10 : vector<128xf32>
    %rsqrt3A = math.rsqrt %max3A_11 : vector<128xf32>
    %get3A_12 = arith.constant 0 : index
    %get3A_13 = arith.constant 0 : index
    %get3A_14 = arith.constant 0 : index
    %get3A_15 = vector.load %arg1[%get3A_12, %get3A_13, %get3A_14] : memref<2x128x128xf32, #tpu.memory_space<vmem>>, vector<1x128x128xf32>
    %get3A_16 = vector.shape_cast %get3A_15 : vector<1x128x128xf32> to vector<128x128xf32>
    %get3A_17 = arith.constant 1 : index
    %get3A_18 = arith.constant 0 : index
    %get3A_19 = arith.constant 0 : index
    %get3A_20 = vector.load %arg1[%get3A_17, %get3A_18, %get3A_19] : memref<2x128x128xf32, #tpu.memory_space<vmem>>, vector<1x128x128xf32>
    %get3A_21 = vector.shape_cast %get3A_20 : vector<1x128x128xf32> to vector<128x128xf32>
    %concatenate3A = tpu.concatenate %get3A_16, %get3A_21 in 1 : vector<128x128xf32>, vector<128x128xf32> -> vector<128x256xf32>
    %broadcast_in_dim3A = vector.shape_cast %rsqrt3A : vector<128xf32> to vector<128x1xf32>
    %mul3A = vector.broadcast %broadcast_in_dim3A : vector<128x1xf32> to vector<128x256xf32>
    %mul3A_22 = arith.mulf %concatenate3A, %mul3A : vector<128x256xf32>
    %get3A_23 = arith.constant 0 : index
    %get3A_24 = arith.constant 0 : index
    %get3A_25 = vector.load %arg4[%get3A_23, %get3A_24] : memref<1x256xf32, #tpu.memory_space<vmem>>, vector<1x256xf32>
    %add3A_26 = vector.broadcast %get3A_25 : vector<1x256xf32> to vector<128x256xf32>
    %add3A_27 = arith.addf %mul3A_22, %add3A_26 : vector<128x256xf32>
    %max3A_28 = arith.constant 0.000000e+00 : f32
    %max3A_29 = vector.broadcast %max3A_28 : f32 to vector<128x256xf32>
    %max3A_30 = arith.maximumf %add3A_27, %max3A_29 : vector<128x256xf32>
    %get3A_31 = arith.constant 0 : index
    %get3A_32 = arith.constant 0 : index
    %get3A_33 = vector.load %arg3[%get3A_31, %get3A_32] : memref<256x256xf32, #tpu.memory_space<vmem>>, vector<256x256xf32>
    %dot_general3A = arith.constant dense<0.000000e+00> : vector<128x256xf32>
    %dot_general3A_34 = tpu.matmul %max3A_30, %get3A_33, %dot_general3A {dimension_numbers = #tpu.dot_dimension_numbers<[1], [0], [0], [1], [0, 0, 1, 1], [], []>, transpose_lhs_hint = false} : vector<128x256xf32>, vector<256x256xf32>, vector<128x256xf32> -> vector<128x256xf32>
    %broadcast_in_dim3A_35 = vector.shape_cast %rsqrt3A : vector<128xf32> to vector<128x1xf32>
    %mul3A_36 = vector.broadcast %broadcast_in_dim3A_35 : vector<128x1xf32> to vector<128x256xf32>
    %mul3A_37 = arith.mulf %dot_general3A_34, %mul3A_36 : vector<128x256xf32>
    %slice3A = vector.extract_strided_slice %mul3A_37 {offsets = [0, 0], sizes = [128, 128], strides = [1, 1]} : vector<128x256xf32> to vector<128x128xf32>
    %swap3A = arith.constant 0 : index
    %swap3A_38 = arith.constant 0 : index
    %swap3A_39 = arith.constant 0 : index
    %swap3A_40 = vector.load %arg5[%swap3A, %swap3A_38, %swap3A_39] : memref<2x128x128xf32, #tpu.memory_space<vmem>>, vector<1x128x128xf32>
    %swap3A_41 = vector.shape_cast %swap3A_40 : vector<1x128x128xf32> to vector<128x128xf32>
    %swap3A_42 = vector.shape_cast %slice3A : vector<128x128xf32> to vector<1x128x128xf32>
    tpu.vector_store %arg5[%swap3A, %swap3A_38, %swap3A_39], %swap3A_42 {strides = array<i32>} : memref<2x128x128xf32, #tpu.memory_space<vmem>>, vector<1x128x128xf32>,
    %slice3A_43 = vector.extract_strided_slice %mul3A_37 {offsets = [0, 128], sizes = [128, 128], strides = [1, 1]} : vector<128x256xf32> to vector<128x128xf32>
    %swap3A_44 = arith.constant 1 : index
    %swap3A_45 = arith.constant 0 : index
    %swap3A_46 = arith.constant 0 : index
    %swap3A_47 = vector.load %arg5[%swap3A_44, %swap3A_45, %swap3A_46] : memref<2x128x128xf32, #tpu.memory_space<vmem>>, vector<1x128x128xf32>
    %swap3A_48 = vector.shape_cast %swap3A_47 : vector<1x128x128xf32> to vector<128x128xf32>
    %swap3A_49 = vector.shape_cast %slice3A_43 : vector<128x128xf32> to vector<1x128x128xf32>
    tpu.vector_store %arg5[%swap3A_44, %swap3A_45, %swap3A_46], %swap3A_49 {strides = array<i32>} : memref<2x128x128xf32, #tpu.memory_space<vmem>>, vector<1x128x128xf32>,
    return
  }
  func.func @transform_0(%arg0: i32) -> (i32, i32, i32) {
    %c0_i32 = arith.constant 0 : i32
    %c0_i32_0 = arith.constant 0 : i32
    %c0_i32_1 = arith.constant 0 : i32
    return %c0_i32, %arg0, %c0_i32_0 : i32, i32, i32
  }
  func.func @transform_1(%arg0: i32) -> (i32, i32) {
    %c0_i32 = arith.constant 0 : i32
    %c0_i32_0 = arith.constant 0 : i32
    return %c0_i32, %arg0 : i32, i32
  }
  func.func @transform_2(%arg0: i32) -> (i32, i32) {
    %c0_i32 = arith.constant 0 : i32
    %c0_i32_0 = arith.constant 0 : i32
    %c0_i32_1 = arith.constant 0 : i32
    return %c0_i32, %c0_i32_0 : i32, i32
  }
  func.func @transform_3(%arg0: i32) -> (i32, i32) {
    %c0_i32 = arith.constant 0 : i32
    %c0_i32_0 = arith.constant 0 : i32
    %c0_i32_1 = arith.constant 0 : i32
    return %c0_i32, %c0_i32_0 : i32, i32
  }
  func.func @transform_4(%arg0: i32) -> (i32, i32, i32) {
    %c0_i32 = arith.constant 0 : i32
    %c0_i32_0 = arith.constant 0 : i32
    %c0_i32_1 = arith.constant 0 : i32
    return %c0_i32, %arg0, %c0_i32_0 : i32, i32, i32
  }
}

module attributes {stable_mosaic.version = 14 : i64} {
  func.func @_pool_body(%arg0: i32, %arg1: memref<2x128x128xf32, #tpu.memory_space<vmem>>, %arg2: memref<2x128xf32, #tpu.memory_space<vmem>>, %arg3: memref<1x128xi32, #tpu.memory_space<vmem>>, %arg4: memref<1x256xf32, #tpu.memory_space<vmem>>, %arg5: memref<256x256xf32, #tpu.memory_space<vmem>>, %arg6: memref<1x256xf32, #tpu.memory_space<vmem>>, %arg7: memref<256x128xf32, #tpu.memory_space<vmem>>, %arg8: memref<1x128xf32, #tpu.memory_space<vmem>>, %arg9: memref<128x128xf32, #tpu.memory_space<vmem>>, %arg10: memref<128x256xf32, #tpu.memory_space<vmem>>, %arg11: memref<128x128xf32, #tpu.memory_space<vmem>>) attributes {dimension_semantics = [#tpu.dimension_semantics<arbitrary>], iteration_bounds = array<i64: 79>, scalar_prefetch = 0 : i64, scratch_operands = 2 : i64, tpu.core_type = #tpu.core_type<tc>, window_params = [{transform_indices = @transform_0, window_bounds = array<i64: 2, 128, 128>}, {transform_indices = @transform_1, window_bounds = array<i64: 2, 128>}, {transform_indices = @transform_2, window_bounds = array<i64: 1, 128>}, {pipeline_mode = #tpu.pipeline_mode<synchronous>, transform_indices = @transform_3, window_bounds = array<i64: 1, 256>}, {pipeline_mode = #tpu.pipeline_mode<synchronous>, transform_indices = @transform_4, window_bounds = array<i64: 256, 256>}, {pipeline_mode = #tpu.pipeline_mode<synchronous>, transform_indices = @transform_5, window_bounds = array<i64: 1, 256>}, {pipeline_mode = #tpu.pipeline_mode<synchronous>, transform_indices = @transform_6, window_bounds = array<i64: 256, 128>}, {pipeline_mode = #tpu.pipeline_mode<synchronous>, transform_indices = @transform_7, window_bounds = array<i64: 1, 128>}, {pipeline_mode = #tpu.pipeline_mode<synchronous>, transform_indices = @transform_8, window_bounds = array<i64: 128, 128>}]} {
    %eq3A = arith.constant 0 : i32
    %eq3A_0 = arith.cmpi eq, %arg0, %eq3A : i32
    %convert_element_type3A = arith.extui %eq3A_0 : i1 to i32
    %cond3A = arith.constant 0 : i32
    %cond3A_1 = arith.cmpi ne, %convert_element_type3A, %cond3A : i32
    scf.if %cond3A_1 {
      %broadcast_in_dim3A_57 = arith.constant 0.000000e+00 : f32
      %broadcast_in_dim3A_58 = vector.broadcast %broadcast_in_dim3A_57 : f32 to vector<128x256xf32>
      %swap3A_59 = arith.constant 0 : index
      %swap3A_60 = arith.constant 0 : index
      %swap3A_61 = vector.load %arg10[%swap3A_59, %swap3A_60] : memref<128x256xf32, #tpu.memory_space<vmem>>, vector<128x256xf32>
      tpu.vector_store %arg10[%swap3A_59, %swap3A_60], %broadcast_in_dim3A_58 {strides = array<i32>} : memref<128x256xf32, #tpu.memory_space<vmem>>, vector<128x256xf32>,
      %broadcast_in_dim3A_62 = arith.constant 0.000000e+00 : f32
      %broadcast_in_dim3A_63 = vector.broadcast %broadcast_in_dim3A_62 : f32 to vector<128x128xf32>
      %swap3A_64 = arith.constant 0 : index
      %swap3A_65 = arith.constant 0 : index
      %swap3A_66 = vector.load %arg11[%swap3A_64, %swap3A_65] : memref<128x128xf32, #tpu.memory_space<vmem>>, vector<128x128xf32>
      tpu.vector_store %arg11[%swap3A_64, %swap3A_65], %broadcast_in_dim3A_63 {strides = array<i32>} : memref<128x128xf32, #tpu.memory_space<vmem>>, vector<128x128xf32>,
    } else {
    }
    %get3A = arith.constant 0 : index
    %get3A_2 = arith.constant 0 : index
    %get3A_3 = vector.load %arg2[%get3A, %get3A_2] : memref<2x128xf32, #tpu.memory_space<vmem>>, vector<1x128xf32>
    %get3A_4 = vector.shape_cast %get3A_3 : vector<1x128xf32> to vector<128xf32>
    %get3A_5 = arith.constant 1 : index
    %get3A_6 = arith.constant 0 : index
    %get3A_7 = vector.load %arg2[%get3A_5, %get3A_6] : memref<2x128xf32, #tpu.memory_space<vmem>>, vector<1x128xf32>
    %get3A_8 = vector.shape_cast %get3A_7 : vector<1x128xf32> to vector<128xf32>
    %add3A = arith.addf %get3A_4, %get3A_8 : vector<128xf32>
    %add3A_9 = arith.constant 1.000000e+00 : f32
    %add3A_10 = vector.broadcast %add3A_9 : f32 to vector<128xf32>
    %add3A_11 = arith.addf %add3A, %add3A_10 : vector<128xf32>
    %max3A = arith.constant 9.99999996E-13 : f32
    %max3A_12 = vector.broadcast %max3A : f32 to vector<128xf32>
    %max3A_13 = arith.maximumf %add3A_11, %max3A_12 : vector<128xf32>
    %rsqrt3A = math.rsqrt %max3A_13 : vector<128xf32>
    %get3A_14 = arith.constant 0 : index
    %get3A_15 = arith.constant 0 : index
    %get3A_16 = arith.constant 0 : index
    %get3A_17 = vector.load %arg1[%get3A_14, %get3A_15, %get3A_16] : memref<2x128x128xf32, #tpu.memory_space<vmem>>, vector<1x128x128xf32>
    %get3A_18 = vector.shape_cast %get3A_17 : vector<1x128x128xf32> to vector<128x128xf32>
    %get3A_19 = arith.constant 1 : index
    %get3A_20 = arith.constant 0 : index
    %get3A_21 = arith.constant 0 : index
    %get3A_22 = vector.load %arg1[%get3A_19, %get3A_20, %get3A_21] : memref<2x128x128xf32, #tpu.memory_space<vmem>>, vector<1x128x128xf32>
    %get3A_23 = vector.shape_cast %get3A_22 : vector<1x128x128xf32> to vector<128x128xf32>
    %concatenate3A = tpu.concatenate %get3A_18, %get3A_23 in 1 : vector<128x128xf32>, vector<128x128xf32> -> vector<128x256xf32>
    %broadcast_in_dim3A = vector.shape_cast %rsqrt3A : vector<128xf32> to vector<128x1xf32>
    %mul3A = vector.broadcast %broadcast_in_dim3A : vector<128x1xf32> to vector<128x256xf32>
    %mul3A_24 = arith.mulf %concatenate3A, %mul3A : vector<128x256xf32>
    %iota3A = tpu.iota {dimensions = array<i32: 0>} : vector<128x128xi32>
    %get3A_25 = arith.constant 0 : index
    %get3A_26 = arith.constant 0 : index
    %get3A_27 = vector.load %arg3[%get3A_25, %get3A_26] : memref<1x128xi32, #tpu.memory_space<vmem>>, vector<1x128xi32>
    %get3A_28 = vector.shape_cast %get3A_27 : vector<1x128xi32> to vector<128xi32>
    %broadcast_in_dim3A_29 = vector.shape_cast %get3A_28 : vector<128xi32> to vector<1x128xi32>
    %eq3A_30 = vector.broadcast %broadcast_in_dim3A_29 : vector<1x128xi32> to vector<128x128xi32>
    %eq3A_31 = arith.cmpi eq, %eq3A_30, %iota3A : vector<128x128xi32>
    %convert_element_type3A_32 = arith.extui %eq3A_31 : vector<128x128xi1> to vector<128x128xi32>
    %convert_element_type3A_33 = arith.sitofp %convert_element_type3A_32 : vector<128x128xi32> to vector<128x128xf32>
    %get3A_34 = arith.constant 0 : index
    %get3A_35 = arith.constant 0 : index
    %get3A_36 = vector.load %arg10[%get3A_34, %get3A_35] : memref<128x256xf32, #tpu.memory_space<vmem>>, vector<128x256xf32>
    %dot_general3A = arith.constant dense<0.000000e+00> : vector<128x256xf32>
    %dot_general3A_37 = tpu.matmul %convert_element_type3A_33, %mul3A_24, %dot_general3A {dimension_numbers = #tpu.dot_dimension_numbers<[1], [0], [0], [1], [0, 0, 1, 1], [], []>, transpose_lhs_hint = false} : vector<128x128xf32>, vector<128x256xf32>, vector<128x256xf32> -> vector<128x256xf32>
    %add3A_38 = arith.addf %get3A_36, %dot_general3A_37 : vector<128x256xf32>
    %swap3A = arith.constant 0 : index
    %swap3A_39 = arith.constant 0 : index
    %swap3A_40 = vector.load %arg10[%swap3A, %swap3A_39] : memref<128x256xf32, #tpu.memory_space<vmem>>, vector<128x256xf32>
    tpu.vector_store %arg10[%swap3A, %swap3A_39], %add3A_38 {strides = array<i32>} : memref<128x256xf32, #tpu.memory_space<vmem>>, vector<128x256xf32>,
    %get3A_41 = arith.constant 0 : index
    %get3A_42 = arith.constant 0 : index
    %get3A_43 = vector.load %arg11[%get3A_41, %get3A_42] : memref<128x128xf32, #tpu.memory_space<vmem>>, vector<128x128xf32>
    %broadcast_in_dim3A_44 = arith.constant 1.000000e+00 : f32
    %broadcast_in_dim3A_45 = vector.broadcast %broadcast_in_dim3A_44 : f32 to vector<128x128xf32>
    %dot_general3A_46 = arith.constant dense<0.000000e+00> : vector<128x128xf32>
    %dot_general3A_47 = tpu.matmul %convert_element_type3A_33, %broadcast_in_dim3A_45, %dot_general3A_46 {dimension_numbers = #tpu.dot_dimension_numbers<[1], [0], [0], [1], [0, 0, 1, 1], [], []>, transpose_lhs_hint = false} : vector<128x128xf32>, vector<128x128xf32>, vector<128x128xf32> -> vector<128x128xf32>
    %add3A_48 = arith.addf %get3A_43, %dot_general3A_47 : vector<128x128xf32>
    %swap3A_49 = arith.constant 0 : index
    %swap3A_50 = arith.constant 0 : index
    %swap3A_51 = vector.load %arg11[%swap3A_49, %swap3A_50] : memref<128x128xf32, #tpu.memory_space<vmem>>, vector<128x128xf32>
    tpu.vector_store %arg11[%swap3A_49, %swap3A_50], %add3A_48 {strides = array<i32>} : memref<128x128xf32, #tpu.memory_space<vmem>>, vector<128x128xf32>,
    %eq3A_52 = arith.constant 78 : i32
    %eq3A_53 = arith.cmpi eq, %arg0, %eq3A_52 : i32
    %convert_element_type3A_54 = arith.extui %eq3A_53 : i1 to i32
    %cond3A_55 = arith.constant 0 : i32
    %cond3A_56 = arith.cmpi ne, %convert_element_type3A_54, %cond3A_55 : i32
    scf.if %cond3A_56 {
      %get3A_57 = arith.constant 0 : index
      %get3A_58 = arith.constant 0 : index
      %get3A_59 = vector.load %arg11[%get3A_57, %get3A_58] : memref<128x128xf32, #tpu.memory_space<vmem>>, vector<128x128xf32>
      %max3A_60 = arith.constant 1.000000e+00 : f32
      %max3A_61 = vector.broadcast %max3A_60 : f32 to vector<128x128xf32>
      %max3A_62 = arith.maximumf %get3A_59, %max3A_61 : vector<128x128xf32>
      %get3A_63 = arith.constant 0 : index
      %get3A_64 = arith.constant 0 : index
      %get3A_65 = vector.load %arg10[%get3A_63, %get3A_64] : memref<128x256xf32, #tpu.memory_space<vmem>>, vector<128x256xf32>
      %concatenate3A_66 = tpu.concatenate %max3A_62, %max3A_62 in 1 : vector<128x128xf32>, vector<128x128xf32> -> vector<128x256xf32>
      %div3A = arith.divf %get3A_65, %concatenate3A_66 : vector<128x256xf32>
      %get3A_67 = arith.constant 0 : index
      %get3A_68 = arith.constant 0 : index
      %get3A_69 = vector.load %arg4[%get3A_67, %get3A_68] : memref<1x256xf32, #tpu.memory_space<vmem>>, vector<1x256xf32>
      %add3A_70 = vector.broadcast %get3A_69 : vector<1x256xf32> to vector<128x256xf32>
      %add3A_71 = arith.addf %div3A, %add3A_70 : vector<128x256xf32>
      %get3A_72 = arith.constant 0 : index
      %get3A_73 = arith.constant 0 : index
      %get3A_74 = vector.load %arg5[%get3A_72, %get3A_73] : memref<256x256xf32, #tpu.memory_space<vmem>>, vector<256x256xf32>
      %dot_general3A_75 = arith.constant dense<0.000000e+00> : vector<128x256xf32>
      %dot_general3A_76 = tpu.matmul %add3A_71, %get3A_74, %dot_general3A_75 {dimension_numbers = #tpu.dot_dimension_numbers<[1], [0], [0], [1], [0, 0, 1, 1], [], []>, transpose_lhs_hint = false} : vector<128x256xf32>, vector<256x256xf32>, vector<128x256xf32> -> vector<128x256xf32>
      %get3A_77 = arith.constant 0 : index
      %get3A_78 = arith.constant 0 : index
      %get3A_79 = vector.load %arg6[%get3A_77, %get3A_78] : memref<1x256xf32, #tpu.memory_space<vmem>>, vector<1x256xf32>
      %add3A_80 = vector.broadcast %get3A_79 : vector<1x256xf32> to vector<128x256xf32>
      %add3A_81 = arith.addf %dot_general3A_76, %add3A_80 : vector<128x256xf32>
      %max3A_82 = arith.constant 0.000000e+00 : f32
      %max3A_83 = vector.broadcast %max3A_82 : f32 to vector<128x256xf32>
      %max3A_84 = arith.maximumf %add3A_81, %max3A_83 : vector<128x256xf32>
      %get3A_85 = arith.constant 0 : index
      %get3A_86 = arith.constant 0 : index
      %get3A_87 = vector.load %arg7[%get3A_85, %get3A_86] : memref<256x128xf32, #tpu.memory_space<vmem>>, vector<256x128xf32>
      %dot_general3A_88 = arith.constant dense<0.000000e+00> : vector<128x128xf32>
      %dot_general3A_89 = tpu.matmul %max3A_84, %get3A_87, %dot_general3A_88 {dimension_numbers = #tpu.dot_dimension_numbers<[1], [0], [0], [1], [0, 0, 1, 1], [], []>, transpose_lhs_hint = false} : vector<128x256xf32>, vector<256x128xf32>, vector<128x128xf32> -> vector<128x128xf32>
      %get3A_90 = arith.constant 0 : index
      %get3A_91 = arith.constant 0 : index
      %get3A_92 = vector.load %arg8[%get3A_90, %get3A_91] : memref<1x128xf32, #tpu.memory_space<vmem>>, vector<1x128xf32>
      %add3A_93 = vector.broadcast %get3A_92 : vector<1x128xf32> to vector<128x128xf32>
      %add3A_94 = arith.addf %dot_general3A_89, %add3A_93 : vector<128x128xf32>
      %swap3A_95 = arith.constant 0 : index
      %swap3A_96 = arith.constant 0 : index
      %swap3A_97 = vector.load %arg9[%swap3A_95, %swap3A_96] : memref<128x128xf32, #tpu.memory_space<vmem>>, vector<128x128xf32>
      tpu.vector_store %arg9[%swap3A_95, %swap3A_96], %add3A_94 {strides = array<i32>} : memref<128x128xf32, #tpu.memory_space<vmem>>, vector<128x128xf32>,
    } else {
    }
    return
  }
  func.func @transform_0(%arg0: i32) -> (i32, i32, i32) {
    %c0_i32 = arith.constant 0 : i32
    %c0_i32_0 = arith.constant 0 : i32
    %c0_i32_1 = arith.constant 0 : i32
    return %c0_i32, %arg0, %c0_i32_0 : i32, i32, i32
  }
  func.func @transform_1(%arg0: i32) -> (i32, i32) {
    %c0_i32 = arith.constant 0 : i32
    %c0_i32_0 = arith.constant 0 : i32
    return %c0_i32, %arg0 : i32, i32
  }
  func.func @transform_2(%arg0: i32) -> (i32, i32) {
    %c0_i32 = arith.constant 0 : i32
    %c0_i32_0 = arith.constant 0 : i32
    return %c0_i32, %arg0 : i32, i32
  }
  func.func @transform_3(%arg0: i32) -> (i32, i32) {
    %c0_i32 = arith.constant 0 : i32
    %c0_i32_0 = arith.constant 0 : i32
    %c0_i32_1 = arith.constant 0 : i32
    return %c0_i32, %c0_i32_0 : i32, i32
  }
  func.func @transform_4(%arg0: i32) -> (i32, i32) {
    %c0_i32 = arith.constant 0 : i32
    %c0_i32_0 = arith.constant 0 : i32
    %c0_i32_1 = arith.constant 0 : i32
    return %c0_i32, %c0_i32_0 : i32, i32
  }
  func.func @transform_5(%arg0: i32) -> (i32, i32) {
    %c0_i32 = arith.constant 0 : i32
    %c0_i32_0 = arith.constant 0 : i32
    %c0_i32_1 = arith.constant 0 : i32
    return %c0_i32, %c0_i32_0 : i32, i32
  }
  func.func @transform_6(%arg0: i32) -> (i32, i32) {
    %c0_i32 = arith.constant 0 : i32
    %c0_i32_0 = arith.constant 0 : i32
    %c0_i32_1 = arith.constant 0 : i32
    return %c0_i32, %c0_i32_0 : i32, i32
  }
  func.func @transform_7(%arg0: i32) -> (i32, i32) {
    %c0_i32 = arith.constant 0 : i32
    %c0_i32_0 = arith.constant 0 : i32
    %c0_i32_1 = arith.constant 0 : i32
    return %c0_i32, %c0_i32_0 : i32, i32
  }
  func.func @transform_8(%arg0: i32) -> (i32, i32) {
    %c0_i32 = arith.constant 0 : i32
    %c0_i32_0 = arith.constant 0 : i32
    %c0_i32_1 = arith.constant 0 : i32
    return %c0_i32, %c0_i32_0 : i32, i32
  }
}

</mosaic_0001>

<sc_bundles>
// kernel: kernel.10.cloned.1.call-start
scs
__scs_entry_jumppad:
0x0: {  	(pc) =	sbr.rel $0x88, $3  }
0x1: {  	(tag) =	ssettag $0x0;
	lr =	simm.s32 $0x1  }
0x2: {  	[smem:$0x3F94] =	sst lr;
	_ =	strace $0xD0000000  }
0x3: {  	_ = 	snop  }
0x4: {  	_ = 	snop  }
0x5: {  	_ = 	snop  }
0x6: {  	_ = 	snop  }
0x7: {  	_ = 	snop  }
__scs_overlays_trampoline_lowered:
0x8: {  	[smem:$0x3FA3] =	sst s0  }
0x9: {  	[smem:$0x3FA4] =	sst s1  }
0xa: {  	[smem:$0x3FA5] =	sst s2  }
0xb: {  	[smem:$0x3FA6] =	sst s3  }
0xc: {  	[smem:$0x3FA7] =	sst s4  }
0xd: {  	[smem:$0x3FA8] =	sst s5  }
0xe: {  	[smem:$0x3FA9] =	sst s6  }
0xf: {  	[smem:$0x3FAA] =	sst s7  }
0x10: {  	[smem:$0x3FAB] =	sst s8  }
0x11: {  	[smem:$0x3FAC] =	sst s9;
	s0 =	simm.s32 @!p0 $0x0  }
0x12: {  	s1 =	sld [smem:$0x3F92];
	s0 =	simm.s32 @p0 $0x1  }
0x13: {  	[smem:$0x3FAD] =	sst s0;
	s0 =	simm.s32 @!p1 $0x0  }
0x14: {  	s2 =	sld [smem:$0x3F91];
	s0 =	simm.s32 @p1 $0x1  }
0x15: {  	[smem:$0x3FAE] =	sst s0;
	s0 =	simm.s32 @!p2 $0x0  }
0x16: {  	s3 =	sld [smem:$0x3FDB];
	s0 =	simm.s32 @p2 $0x1  }
0x17: {  	s4 =	simm.s32 $0x1BF5;
	[smem:$0x3FB0] =	sst s0  }
0x18: {  	s0 =	sld [smem:$0x3F93];
	_ =	swait.ge [sflag:s4], $0x0  }
0x19: {  	s7 =	sld [smem:$0x3F94]  }
0x1a: {  	s8 =	sadd.s32 $0xFFFFE003, lr  }
0x1b: {  	s9 =	sadd.s32 $0xFFFFFEF7, lr;
	s5 =	simm.s32 $0xFFFFFFFF;
	p2 =	slt.u32 s8, $0xFFFFF086  }
0x1c: {  	p1 =	slt.u32 s9, $0xF7A;
	s5 =	simm.s32 @!p2 $0x0  }
0x1d: {  	s5 =	simm.s32 @p1 $0x1;
	p0 =	seq.s32 s7, s2  }
0x1e: {  	s7 =	smul.u32 @!p0 $0xF7A, s2;
	p2 =	seq.s32 @!p0 s5, $0x0  }
0x1f: {  	s9 =	smul.u32 $0xF7A, s1;
	s8 =	simm.s32 @!p0 $0x1BF5;
	p2 =	por !p2, p0  }
0x20: {  	[sflag:s8] =	ssyncset.s32 @!p0 $0xFFFFF086;
	s6 =	sadd.s32 @!p0 s3, s7;
	s7 =	simm.s32 @!p0 $0x108  }
0x21: {  	s3 =	sadd.s32 s3, s9;
	s6 =	sadd.s32 @!p0 $0x88, s6;
	s7 =	simm.s32 @p2 $0x1082  }
0x22: {  	[simem:s7], [sflag:s8] =	dma.local @!p0 [hbm:s6], $0xF7A  }
0x23: {  	s9 =	sor.u32 $0xD0000000, s2;
	s6 =	simm.s32 $0x108;
	_ =	swait.ge @!p0 [sflag:s8], $0x0  }
0x24: {  	s3 =	sadd.s32 $0x88, s3;
	s6 =	simm.s32 @!p1 $0x1082;
	[sflag:s4] =	ssyncset.s32 $0xFFFFF086  }
0x25: {  	[simem:s6], [sflag:s4] =	dma.local [hbm:s3], $0xF7A  }
0x26: {  	[smem:$0x3F94] =	sst s1;
	(tag) =	ssettag s2;
	_ =	strace s9  }
0x27: {  	s1 =	sld [smem:$0x3FA4]  }
0x28: {  	s2 =	sld [smem:$0x3FA5]  }
0x29: {  	s4 =	sld [smem:$0x3FA7]  }
0x2a: {  	p0 =	seq.s32 s5, $0x0;
	s5 =	sld [smem:$0x3FA8]  }
0x2b: {  	s6 =	sld [smem:$0x3FA9]  }
0x2c: {  	s7 =	sld [smem:$0x3FAA]  }
0x2d: {  	s3 =	simm.s32 $0x108;
	s8 =	sld [smem:$0x3FAB]  }
0x2e: {  	s3 =	simm.s32 @!p0 $0x1082;
	s9 =	sld [smem:$0x3FAC]  }
0x2f: {  	lr =	sadd.s32 s0, s3;
	s0 =	sld [smem:$0x3FA3]  }
0x30: {  	s3 =	sld [smem:$0x3FA6]  }
0x31: {  	[smem:$0x3FAF] =	sst s10  }
0x32: {  	s10 =	sld [smem:$0x3FAD];
	_ =	sdelay $0x3  }
0x33: {  	p0 =	seq.s32 s10, $0x1;
	s10 =	sld [smem:$0x3FAF];
	_ =	sdelay $0x3  }
0x34: {  	[smem:$0x3FAF] =	sst s10  }
0x35: {  	s10 =	sld [smem:$0x3FAE];
	_ =	sdelay $0x3  }
0x36: {  	p1 =	seq.s32 s10, $0x1;
	s10 =	sld [smem:$0x3FAF];
	_ =	sdelay $0x3  }
0x37: {  	[smem:$0x3FAF] =	sst s10  }
0x38: {  	s10 =	sld [smem:$0x3FB0]  }
0x39: {  	_ = 	snop;
	(pc) =	sbr.ind lr, $3  }
0x3a: {  	_ = 	snop  }
0x3b: {  	_ = 	snop  }
0x3c: {  	p2 =	seq.s32 s10, $0x1;
	s10 =	sld [smem:$0x3FAF]  }
0x3d: {  	_ =	shalt  }
0x3e: {  	_ =	shalt  }
0x3f: {  	_ =	shalt  }
0x40: {  	_ =	shalt  }
0x41: {  	_ =	shalt  }
0x42: {  	_ =	shalt  }
0x43: {  	_ =	shalt  }
0x44: {  	_ =	shalt  }
0x45: {  	_ =	shalt  }
0x46: {  	_ =	shalt  }
0x47: {  	_ =	shalt  }
0x48: {  	_ =	shalt  }
0x49: {  	_ =	shalt  }
0x4a: {  	_ =	shalt  }
0x4b: {  	_ =	shalt  }
0x4c: {  	_ =	shalt  }
0x4d: {  	_ =	shalt  }
0x4e: {  	_ =	shalt  }
0x4f: {  	_ =	shalt  }
0x50: {  	_ =	shalt  }
0x51: {  	_ =	shalt  }
0x52: {  	_ =	shalt  }
0x53: {  	_ =	shalt  }
0x54: {  	_ =	shalt  }
0x55: {  	_ =	shalt  }
0x56: {  	_ =	shalt  }
0x57: {  	_ =	shalt  }
0x58: {  	_ =	shalt  }
0x59: {  	_ =	shalt  }
0x5a: {  	_ =	shalt  }
0x5b: {  	_ =	shalt  }
0x5c: {  	_ =	shalt  }
0x5d: {  	_ =	shalt  }
0x5e: {  	_ =	shalt  }
0x5f: {  	_ =	shalt  }
0x60: {  	_ =	shalt  }
0x61: {  	_ =	shalt  }
0x62: {  	_ =	shalt  }
0x63: {  	_ =	shalt  }
0x64: {  	_ =	shalt  }
0x65: {  	_ =	shalt  }
0x66: {  	_ =	shalt  }
0x67: {  	_ =	shalt  }
0x68: {  	_ =	shalt  }
0x69: {  	_ =	shalt  }
0x6a: {  	_ =	shalt  }
0x6b: {  	_ =	shalt  }
0x6c: {  	_ =	shalt  }
0x6d: {  	_ =	shalt  }
0x6e: {  	_ =	shalt  }
0x6f: {  	_ =	shalt  }
0x70: {  	_ =	shalt  }
0x71: {  	_ =	shalt  }
0x72: {  	_ =	shalt  }
0x73: {  	_ =	shalt  }
0x74: {  	_ =	shalt  }
0x75: {  	_ =	shalt  }
0x76: {  	_ =	shalt  }
0x77: {  	_ =	shalt  }
0x78: {  	_ =	shalt  }
0x79: {  	_ =	shalt  }
0x7a: {  	_ =	shalt  }
0x7b: {  	_ =	shalt  }
0x7c: {  	_ =	shalt  }
0x7d: {  	_ =	shalt  }
0x7e: {  	_ =	shalt  }
0x7f: {  	_ =	shalt  }
0x80: {  	_ =	shalt  }
0x81: {  	_ =	shalt  }
0x82: {  	_ =	shalt  }
0x83: {  	_ =	shalt  }
0x84: {  	_ =	shalt  }
0x85: {  	_ =	shalt  }
0x86: {  	_ =	shalt  }
0x87: {  	_ =	shalt  }
.Lfunc_end0:
.L_simem_size_0:
called_computation_lowered:
.L_overlay_start_0:
0x88: {  	s2 =	sld [smem:$0x3FD9]  }
0x89: {  	s3 =	sld [smem:$0x3FFE];
	_ =	sdelay $0x1  }
0x8a: {  	s1 =	srdreg.scid  }
0x8b: {  	s0 =	sand.u32 $0x1, s1  }
0x8c: {  	s16 =	sshll.u32 s0, $0xA;
	s2 =	sadd.s32 s3, s2  }
0x8d: {  	s2 =	sadd.s32 s2, s16  }
0x8e: {  	[smem:$0x3FBB] =	sst s2  }
0x8f: {  	_ = 	snop  }
0x90: {  	(tm) =	ssettm $0x1  }
0x91: {  	s17 =	sld [smem:$0x3FFB];
	_ =	sdelay $0x3  }
0x92: {  	_ =	strace s17  }
0x93: {  	s2 =	sld [smem:$0x3FFC];
	_ =	sdelay $0x3  }
0x94: {  	_ =	strace s2  }
0x95: {  	s2 =	sld [smem:$0x3FFD];
	_ =	sdelay $0x3  }
0x96: {  	_ =	strace s2  }
0x97: {  	_ =	strace $0x8FFFFFFF  }
0x98: {  	s18 =	sld [smem:$0x3FDB];
	_ =	sdelay $0x1  }
0x99: {  	s19 =	simm.s32 $_scs_section_size  }
0x9a: {  	s4 =	simm.s32 $_size__tile_overlayer_lowered;
	s5 =	simm.s32 $_tile_overlayer_lowered  }
0x9b: {  	s22 =	simm.s32 $0x1BFF;
	s21 =	sshll.u32 s5, $0x1;
	s2 =	sadd.s32 s19, s18  }
0x9c: {  	s6 =	simm.s32 $0x0;
	s20 =	sshll.u32 s4, $0x1;
	s4 =	sadd.s32 s21, s2  }
0x9d: {  	[timem:s6], [sflag:s22] =	dma.local [hbm:s4], s20  }
0x9e: {  	_ =	swait.ge [sflag:s22], s20  }
0x9f: {  	s3 =	ssub.s32 $0x0, s20;
	[sflag:s22] =	ssyncset.done $0x0  }
0xa0: {  	[sflag:s22] =	ssyncadd.s32 s3;
	_ =	sdelay $0x1  }
0xa1: {  	s23 =	simm.s32 $0x1B8B  }
0xa2: {  	_ =	swait.ge [sflag:s23], $0x1  }
0xa3: {  	[sflag:s23] =	ssyncset.done $0x0  }
0xa4: {  	s25 =	simm.s32 $0x1B8E;
	s24 =	sld [smem:$0x3FFE];
	[sflag:s23] =	ssyncadd.s32 $0xFFFFFFFF  }
0xa5: {  	s26 =	simm.s32 $execute0_lowered;
	[smem:$0x3FD2] =	sst s25  }
0xa6: {  	s4 =	sshll.u32 s26, $0x1;
	_ =	strace $0x80000046;
	[dreg:$0x1] =	wrdreg $0xFFFFFFFF  }
0xa7: {  	s28 =	simm.s32 $_size_execute0_lowered;
	s2 =	sadd.s32 s2, s4;
	[dreg:$0x0] =	wrdreg $0x0  }
0xa8: {  	s4 =	sshll.u32 s28, $0x1;
	[dreg:$0x2] =	wrdreg s2  }
0xa9: {  	[dreg:$0x3] =	wrdreg s4  }
0xaa: {  	[dreg:$0x4] =	wrdreg $0xC0  }
0xab: {  	_ =	task [dreg:s6], $0x5FFFF  }
0xac: {  	[dreg:$0x1] =	wrdreg $0xFFFFFFFF  }
0xad: {  	[dreg:$0x0] =	wrdreg $0x60  }
0xae: {  	[dreg:$0x2] =	wrdreg s24  }
0xaf: {  	[dreg:$0x3] =	wrdreg $0x2B000  }
0xb0: {  	[dreg:$0x4] =	wrdreg $0x9  }
0xb1: {  	_ =	task.clear_ibuf [dreg:s6], $0x5FFFF;
	_ =	strace $0x90000046  }
0xb2: {  	s29 =	simm.s32 $0x9;
	_ =	strace $0x80000048  }
0xb3: {  	_ =	swait.ge [sflag:s29], $0x1  }
0xb4: {  	[sflag:s29] =	ssyncadd.s32 $0xFFFFFFFF  }
0xb5: {  	_ =	strace $0x90000048  }
0xb6: {  	_ =	sfence  }
0xb7: {  	s30 =	sld [smem:$0x0];
	_ =	sdelay $0x2  }
0xb8: {  	s31 =	sshll.u32 s1, $0xD;
	s1 =	sshrl.u32 s1, $0x2  }
0xb9: {  	s3 =	sand.u32 $0x4000, s31;
	s1 =	sadd.s32 s1, s30  }
0xba: {  	s0 =	sor.u32 s3, s0;
	s1 =	sshll.u32 s1, $0x11  }
0xbb: {  	s0 =	sor.u32 s1, s0  }
0xbc: {  	s0 =	sadd.s32 $0x8F2B, s0  }
0xbd: {  	[sflag:s0] =	ssyncadd.remote.s32 $0x1  }
0xbe: {  	_ =	sfence.sel $0xFFFF  }
0xbf: {  	[dreg:$0x0] =	wrdreg $0xFFFFFFFF;
	(pc) =	sbr.abs _section_cstart, $3  }
0xc0: {  	[dreg:$0x1] =	wrdreg $0xFFFFFFFF  }
0xc1: {  	_ =	task.clear_ibuf [dreg:s6], $0x2FFFF;
	_ =	strace $0x9FFFFFFF  }
0xc2: {  	(tm) =	ssettm $0x7FFFFFFF  }
0xc3: {  	_ =	shalt  }
tec
execute0_lowered:
.L_overlay_start_1:
0x0: {  	(tag) =	ssettag $0x1  }
0x1: {  	s4 =	rddreg [dreg:$0x0]  }
0x2: {  	s0 =	srdreg.scid;
	s2 =	rddreg [dreg:$0x1]  }
0x3: {  	s1 =	rddreg [dreg:$0x2];
	s5 =	sand.u32 $0x1, s0  }
0x4: {  	s0 =	stileid.u32;
	s6 =	smul.u32 $0x28000, s5  }
0x5: {  	s3 =	simm.s32 $0x0;
	s10 =	simm.s32 $0x80;
	s7 =	smul.u32 $0x2800, s0  }
0x6: {  	s11 =	simm.s32 $0x2800;
	s14 =	simm.s32 $0x0;
	s8 =	smul.u32 $0x280, s0  }
0x7: {  	[smem:$0x7FF] =	sst s3;
	s9 =	smul.u32 $0x2800, s5;
	s5 =	ssub.s32 $0x2, s5  }
0x8: {  	_ =	strace $0x80000047;
	s12 =	sshll.u32 s0, $0x6;
	s31 =	sshrl.u32 s5, $0x1  }
0x9: {  	s12 =	sor.u32 $0x1C01, s12;
	s6 =	sadd.s32 s7, s6;
	s30 =	sadd.s32 s8, s9  }
0xa: {  	s9 =	ssub.s32 s5, s31;
	s6 =	sshrl.u32 s6, $0x3;
	s7 =	sshrl.u32 s30, $0x3  }
0xb: {  	s6 =	sadd.s32 s6, s4;
	s7 =	sadd.s32 s7, s4;
	s4 =	sadd.s32 s8, s2  }
0xc: {  	s8 =	simm.s32 $0x2880;
	s5 =	sadd.s32 $0x3400, s6;
	s6 =	sadd.s32 $0xD400, s7  }
0xd: {  	v0 =	vimm.f32 $0.0e+00;
	v1 =	vimm.f32 $1.000000000e+00;
	s7 =	smax.u32 s9, $0x1;
	s9 =	simm.s32 $0x1;
	s13 =	sshrl.u32 s4, $0x3  }
.LBB2_1:
0xe: {  	[tilespmem:$0x2880] =	vst v0  }
0xf: {  	[tilespmem:$0x2890] =	vst v0  }
0x10: {  	[tilespmem:$0x28A0] =	vst v0  }
0x11: {  	[tilespmem:$0x28B0] =	vst v0  }
0x12: {  	[tilespmem:$0x28C0] =	vst v0  }
0x13: {  	[tilespmem:$0x28D0] =	vst v0  }
0x14: {  	[tilespmem:$0x28E0] =	vst v0  }
0x15: {  	[tilespmem:$0x28F0] =	vst v0  }
0x16: {  	[tilespmem:$0x2900] =	vst v0  }
0x17: {  	[tilespmem:$0x2910] =	vst v0  }
0x18: {  	[tilespmem:$0x2920] =	vst v0  }
0x19: {  	[tilespmem:$0x2930] =	vst v0  }
0x1a: {  	[tilespmem:$0x2940] =	vst v0  }
0x1b: {  	[tilespmem:$0x2950] =	vst v0  }
0x1c: {  	[tilespmem:$0x2960] =	vst v0  }
0x1d: {  	[tilespmem:$0x2970] =	vst v0  }
0x1e: {  	[tilespmem:$0x2980] =	vst v0  }
0x1f: {  	[tilespmem:$0x2990] =	vst v0  }
0x20: {  	[tilespmem:$0x29A0] =	vst v0  }
0x21: {  	[tilespmem:$0x29B0] =	vst v0  }
0x22: {  	[tilespmem:$0x29C0] =	vst v0  }
0x23: {  	[tilespmem:$0x29D0] =	vst v0  }
0x24: {  	[tilespmem:$0x29E0] =	vst v0  }
0x25: {  	[tilespmem:$0x29F0] =	vst v0  }
0x26: {  	[tilespmem:$0x2A00] =	vst v0  }
0x27: {  	[tilespmem:$0x2A10] =	vst v0  }
0x28: {  	[tilespmem:$0x2A20] =	vst v0  }
0x29: {  	[tilespmem:$0x2A30] =	vst v0  }
0x2a: {  	[tilespmem:$0x2A40] =	vst v0  }
0x2b: {  	[tilespmem:$0x2A50] =	vst v0  }
0x2c: {  	[tilespmem:$0x2A60] =	vst v0  }
0x2d: {  	[tilespmem:$0x2A70] =	vst v0  }
0x2e: {  	[tilespmem:$0x2A80] =	vst v0  }
0x2f: {  	[tilespmem:$0x2A90] =	vst v0  }
0x30: {  	[tilespmem:$0x2AA0] =	vst v0  }
0x31: {  	[tilespmem:$0x2AB0] =	vst v0  }
0x32: {  	[tilespmem:$0x2AC0] =	vst v0  }
0x33: {  	[tilespmem:$0x2AD0] =	vst v0  }
0x34: {  	[tilespmem:$0x2AE0] =	vst v0  }
0x35: {  	[tilespmem:$0x2AF0] =	vst v0  }
0x36: {  	[tilespmem:$0x2800] =	vst v1  }
0x37: {  	[tilespmem:$0x2810] =	vst v1  }
0x38: {  	[tilespmem:$0x2820] =	vst v1  }
0x39: {  	[tilespmem:$0x2830] =	vst v1  }
0x3a: {  	[tilespmem:$0x2840] =	vst v1  }
0x3b: {  	[tilespmem:$0x2850] =	vst v1  }
0x3c: {  	[tilespmem:$0x2860] =	vst v1  }
0x3d: {  	[tilespmem:$0x2870] =	vst v1  }
0x3e: {  	[spmem:s4] =	stream.linear.scatter [tilespmem:s8], [sflag:$0x1], $0x280, $0x38;
	[tilespmem:$0x2D80] =	vst v63  }
0x3f: {  	_ =	swait.ge [sflag:s9], $0x280  }
0x40: {  	[sflag:s9] =	ssyncset.done $0x0  }
0x41: {  	[sflag:s9] =	ssyncadd.s32 $0xFFFFFD80  }
0x42: {  	[tilespmem:s3], [sflag:$0x1] =	stream.linear.gather [hbm4b:s5+s3], $0x2780, $0x38;
	[tilespmem:$0x2D80] =	vst v63  }
0x43: {  	_ =	swait.ge [sflag:s9], $0x2780  }
0x44: {  	[sflag:s9] =	ssyncset.done $0x0  }
0x45: {  	[sflag:s9] =	ssyncadd.s32 $0xFFFFD880  }
0x46: {  	s15 =	simm.s32 $0x0;
	[bflag:$0x0] =	sbarrier.arrive $0xFFFF  }
0x47: {  	[spmem:s2] =	stream.indirect.scatter.add.f32 [tilespmem:s11], [sflag:$0x1], $0x1, s15, s10, $0xb8;
	[tilespmem:$0x2D80] =	vst v63  }
0x48: {  	_ =	swait.ge [sflag:s9], $0x80  }
0x49: {  	s15 =	simm.s32 $0x200;
	[sflag:s9] =	ssyncset.done $0x0  }
.LBB2_2:
0x4a: {  	s16 =	sshra.s32 s15, $0x2;
	[sflag:s9] =	ssyncadd.s32 $0xFFFFFF80;
	p0 =	sne.s32 s15, $0x9C00  }
0x4b: {  	[spmem:s2] =	stream.indirect.scatter.add.f32 [tilespmem:s11], [sflag:$0x1], $0x1, s16, s10, $0xb8;
	[tilespmem:$0x2D80] =	vst v63  }
.Ltmp0:
0x4c: {  	_ = 	snop;
	(pc) =	sbr.rel @p0 .LBB2_2-.Ltmp0, $4  }
0x4d: {  	_ = 	snop  }
0x4e: {  	s15 =	sadd.s32 $0x200, s15  }
0x4f: {  	_ =	swait.ge [sflag:s9], $0x80  }
0x50: {  	[sflag:s9] =	ssyncset.done $0x0  }
0x51: {  	s14 =	sadd.s32 $0x1, s14  }
0x52: {  	[sflag:s9] =	ssyncadd.s32 $0xFFFFFF80;
	p0 =	sne.s32 s14, s7  }
.Ltmp1:
0x53: {  	[bflag:$0x0] =	sbarrier.arrive $0xFFFF;
	(pc) =	sbr.rel @p0 .LBB2_1-.Ltmp1, $4  }
0x54: {  	[hbm:s6], [sflag:s12] =	dma.local [spmem:s13], $0x50  }
0x55: {  	_ =	swait.ge [sflag:s9], $0x50  }
0x56: {  	[sflag:s9] =	ssyncset.done $0x0  }
0x57: {  	[sflag:s9] =	ssyncadd.s32 $0xFFFFFFB0  }
0x58: {  	_ =	sfence.sel $0x180000  }
0x59: {  	[bflag:$0x0] =	sbarrier.arrive $0xFFFF  }
0x5a: {  	p0 =	sne.s32 s0, $0x0;
	_ =	strace $0x90000047  }
0x5b: {  	s0 =	sadd.s32 @!p0 $0x100000, s1;
	[bflag:$0x2] =	sbarrier.arrive $0xFFFF  }
0x5c: {  	[sflag:s0] =	ssyncadd.tile.s32 @!p0 $0x1;
	_ =	shalt  }
.Lfunc_end2:
_tile_overlayer_lowered:
.L_overlay_start_2:
0x5d: {  	(tag) =	ssettag $0x2  }
0x5e: {  	s0 =	rddreg [dreg:$0x0];
	s2 =	stileid.u32  }
0x5f: {  	s1 =	rddreg [dreg:$0x1];
	p0 =	sne.s32 s2, $0x0  }
0x60: {  	s3 =	rddreg [dreg:$0x2];
	[bflag:$0x3] =	sbarrier.arrive $0xFFFF;
	s2 =	simm.s32 @!p0 $0x1C01  }
0x61: {  	[timem:s3], [sflag:s2] =	dma.local @!p0 [hbm:s0], s1  }
0x62: {  	s0 =	simm.s32 @!p0 $0x1  }
0x63: {  	_ =	swait.ge @!p0 [sflag:s0], s1  }
0x64: {  	s1 =	ssub.s32 @!p0 $0x0, s1;
	[sflag:s0] =	ssyncset.done @!p0 $0x0  }
0x65: {  	[sflag:s0] =	ssyncadd.s32 @!p0 s1  }
0x66: {  	[bflag:$0x3] =	sbarrier.arrive $0xFFFF  }
0x67: {  	_ =	shalt  }

// kernel: kernel.13.cloned.1.call-start
scs
__scs_entry_jumppad:
0x0: {  	(pc) =	sbr.rel $0x88, $3  }
0x1: {  	(tag) =	ssettag $0x0;
	lr =	simm.s32 $0x1  }
0x2: {  	[smem:$0x3F94] =	sst lr;
	_ =	strace $0xD0000000  }
0x3: {  	_ = 	snop  }
0x4: {  	_ = 	snop  }
0x5: {  	_ = 	snop  }
0x6: {  	_ = 	snop  }
0x7: {  	_ = 	snop  }
__scs_overlays_trampoline_lowered:
0x8: {  	[smem:$0x3FA3] =	sst s0  }
0x9: {  	[smem:$0x3FA4] =	sst s1  }
0xa: {  	[smem:$0x3FA5] =	sst s2  }
0xb: {  	[smem:$0x3FA6] =	sst s3  }
0xc: {  	[smem:$0x3FA7] =	sst s4  }
0xd: {  	[smem:$0x3FA8] =	sst s5  }
0xe: {  	[smem:$0x3FA9] =	sst s6  }
0xf: {  	[smem:$0x3FAA] =	sst s7  }
0x10: {  	[smem:$0x3FAB] =	sst s8  }
0x11: {  	[smem:$0x3FAC] =	sst s9;
	s0 =	simm.s32 @!p0 $0x0  }
0x12: {  	s1 =	sld [smem:$0x3F92];
	s0 =	simm.s32 @p0 $0x1  }
0x13: {  	[smem:$0x3FAD] =	sst s0;
	s0 =	simm.s32 @!p1 $0x0  }
0x14: {  	s2 =	sld [smem:$0x3F91];
	s0 =	simm.s32 @p1 $0x1  }
0x15: {  	[smem:$0x3FAE] =	sst s0;
	s0 =	simm.s32 @!p2 $0x0  }
0x16: {  	s3 =	sld [smem:$0x3FDB];
	s0 =	simm.s32 @p2 $0x1  }
0x17: {  	s4 =	simm.s32 $0x1BF5;
	[smem:$0x3FB0] =	sst s0  }
0x18: {  	s0 =	sld [smem:$0x3F93];
	_ =	swait.ge [sflag:s4], $0x0  }
0x19: {  	s7 =	sld [smem:$0x3F94]  }
0x1a: {  	s8 =	sadd.s32 $0xFFFFE003, lr  }
0x1b: {  	s9 =	sadd.s32 $0xFFFFFEF7, lr;
	s5 =	simm.s32 $0xFFFFFFFF;
	p2 =	slt.u32 s8, $0xFFFFF086  }
0x1c: {  	p1 =	slt.u32 s9, $0xF7A;
	s5 =	simm.s32 @!p2 $0x0  }
0x1d: {  	s5 =	simm.s32 @p1 $0x1;
	p0 =	seq.s32 s7, s2  }
0x1e: {  	s7 =	smul.u32 @!p0 $0xF7A, s2;
	p2 =	seq.s32 @!p0 s5, $0x0  }
0x1f: {  	s9 =	smul.u32 $0xF7A, s1;
	s8 =	simm.s32 @!p0 $0x1BF5;
	p2 =	por !p2, p0  }
0x20: {  	[sflag:s8] =	ssyncset.s32 @!p0 $0xFFFFF086;
	s6 =	sadd.s32 @!p0 s3, s7;
	s7 =	simm.s32 @!p0 $0x108  }
0x21: {  	s3 =	sadd.s32 s3, s9;
	s6 =	sadd.s32 @!p0 $0x88, s6;
	s7 =	simm.s32 @p2 $0x1082  }
0x22: {  	[simem:s7], [sflag:s8] =	dma.local @!p0 [hbm:s6], $0xF7A  }
0x23: {  	s9 =	sor.u32 $0xD0000000, s2;
	s6 =	simm.s32 $0x108;
	_ =	swait.ge @!p0 [sflag:s8], $0x0  }
0x24: {  	s3 =	sadd.s32 $0x88, s3;
	s6 =	simm.s32 @!p1 $0x1082;
	[sflag:s4] =	ssyncset.s32 $0xFFFFF086  }
0x25: {  	[simem:s6], [sflag:s4] =	dma.local [hbm:s3], $0xF7A  }
0x26: {  	[smem:$0x3F94] =	sst s1;
	(tag) =	ssettag s2;
	_ =	strace s9  }
0x27: {  	s1 =	sld [smem:$0x3FA4]  }
0x28: {  	s2 =	sld [smem:$0x3FA5]  }
0x29: {  	s4 =	sld [smem:$0x3FA7]  }
0x2a: {  	p0 =	seq.s32 s5, $0x0;
	s5 =	sld [smem:$0x3FA8]  }
0x2b: {  	s6 =	sld [smem:$0x3FA9]  }
0x2c: {  	s7 =	sld [smem:$0x3FAA]  }
0x2d: {  	s3 =	simm.s32 $0x108;
	s8 =	sld [smem:$0x3FAB]  }
0x2e: {  	s3 =	simm.s32 @!p0 $0x1082;
	s9 =	sld [smem:$0x3FAC]  }
0x2f: {  	lr =	sadd.s32 s0, s3;
	s0 =	sld [smem:$0x3FA3]  }
0x30: {  	s3 =	sld [smem:$0x3FA6]  }
0x31: {  	[smem:$0x3FAF] =	sst s10  }
0x32: {  	s10 =	sld [smem:$0x3FAD];
	_ =	sdelay $0x3  }
0x33: {  	p0 =	seq.s32 s10, $0x1;
	s10 =	sld [smem:$0x3FAF];
	_ =	sdelay $0x3  }
0x34: {  	[smem:$0x3FAF] =	sst s10  }
0x35: {  	s10 =	sld [smem:$0x3FAE];
	_ =	sdelay $0x3  }
0x36: {  	p1 =	seq.s32 s10, $0x1;
	s10 =	sld [smem:$0x3FAF];
	_ =	sdelay $0x3  }
0x37: {  	[smem:$0x3FAF] =	sst s10  }
0x38: {  	s10 =	sld [smem:$0x3FB0]  }
0x39: {  	_ = 	snop;
	(pc) =	sbr.ind lr, $3  }
0x3a: {  	_ = 	snop  }
0x3b: {  	_ = 	snop  }
0x3c: {  	p2 =	seq.s32 s10, $0x1;
	s10 =	sld [smem:$0x3FAF]  }
0x3d: {  	_ =	shalt  }
0x3e: {  	_ =	shalt  }
0x3f: {  	_ =	shalt  }
0x40: {  	_ =	shalt  }
0x41: {  	_ =	shalt  }
0x42: {  	_ =	shalt  }
0x43: {  	_ =	shalt  }
0x44: {  	_ =	shalt  }
0x45: {  	_ =	shalt  }
0x46: {  	_ =	shalt  }
0x47: {  	_ =	shalt  }
0x48: {  	_ =	shalt  }
0x49: {  	_ =	shalt  }
0x4a: {  	_ =	shalt  }
0x4b: {  	_ =	shalt  }
0x4c: {  	_ =	shalt  }
0x4d: {  	_ =	shalt  }
0x4e: {  	_ =	shalt  }
0x4f: {  	_ =	shalt  }
0x50: {  	_ =	shalt  }
0x51: {  	_ =	shalt  }
0x52: {  	_ =	shalt  }
0x53: {  	_ =	shalt  }
0x54: {  	_ =	shalt  }
0x55: {  	_ =	shalt  }
0x56: {  	_ =	shalt  }
0x57: {  	_ =	shalt  }
0x58: {  	_ =	shalt  }
0x59: {  	_ =	shalt  }
0x5a: {  	_ =	shalt  }
0x5b: {  	_ =	shalt  }
0x5c: {  	_ =	shalt  }
0x5d: {  	_ =	shalt  }
0x5e: {  	_ =	shalt  }
0x5f: {  	_ =	shalt  }
0x60: {  	_ =	shalt  }
0x61: {  	_ =	shalt  }
0x62: {  	_ =	shalt  }
0x63: {  	_ =	shalt  }
0x64: {  	_ =	shalt  }
0x65: {  	_ =	shalt  }
0x66: {  	_ =	shalt  }
0x67: {  	_ =	shalt  }
0x68: {  	_ =	shalt  }
0x69: {  	_ =	shalt  }
0x6a: {  	_ =	shalt  }
0x6b: {  	_ =	shalt  }
0x6c: {  	_ =	shalt  }
0x6d: {  	_ =	shalt  }
0x6e: {  	_ =	shalt  }
0x6f: {  	_ =	shalt  }
0x70: {  	_ =	shalt  }
0x71: {  	_ =	shalt  }
0x72: {  	_ =	shalt  }
0x73: {  	_ =	shalt  }
0x74: {  	_ =	shalt  }
0x75: {  	_ =	shalt  }
0x76: {  	_ =	shalt  }
0x77: {  	_ =	shalt  }
0x78: {  	_ =	shalt  }
0x79: {  	_ =	shalt  }
0x7a: {  	_ =	shalt  }
0x7b: {  	_ =	shalt  }
0x7c: {  	_ =	shalt  }
0x7d: {  	_ =	shalt  }
0x7e: {  	_ =	shalt  }
0x7f: {  	_ =	shalt  }
0x80: {  	_ =	shalt  }
0x81: {  	_ =	shalt  }
0x82: {  	_ =	shalt  }
0x83: {  	_ =	shalt  }
0x84: {  	_ =	shalt  }
0x85: {  	_ =	shalt  }
0x86: {  	_ =	shalt  }
0x87: {  	_ =	shalt  }
.Lfunc_end0:
.L_simem_size_0:
called_computation.1_lowered:
.L_overlay_start_0:
0x88: {  	s2 =	sld [smem:$0x3FD9]  }
0x89: {  	s3 =	sld [smem:$0x3FFE];
	_ =	sdelay $0x1  }
0x8a: {  	s1 =	srdreg.scid  }
0x8b: {  	s0 =	sand.u32 $0x1, s1  }
0x8c: {  	s16 =	sshll.u32 s0, $0xA;
	s2 =	sadd.s32 s3, s2  }
0x8d: {  	s2 =	sadd.s32 s2, s16  }
0x8e: {  	[smem:$0x3FBB] =	sst s2  }
0x8f: {  	_ = 	snop  }
0x90: {  	(tm) =	ssettm $0x1  }
0x91: {  	s17 =	sld [smem:$0x3FFB];
	_ =	sdelay $0x3  }
0x92: {  	_ =	strace s17  }
0x93: {  	s2 =	sld [smem:$0x3FFC];
	_ =	sdelay $0x3  }
0x94: {  	_ =	strace s2  }
0x95: {  	s2 =	sld [smem:$0x3FFD];
	_ =	sdelay $0x3  }
0x96: {  	_ =	strace s2  }
0x97: {  	_ =	strace $0x8FFFFFFF  }
0x98: {  	s18 =	sld [smem:$0x3FDB];
	_ =	sdelay $0x1  }
0x99: {  	s19 =	simm.s32 $_scs_section_size  }
0x9a: {  	s4 =	simm.s32 $_size__tile_overlayer_lowered;
	s5 =	simm.s32 $_tile_overlayer_lowered  }
0x9b: {  	s22 =	simm.s32 $0x1BFF;
	s21 =	sshll.u32 s5, $0x1;
	s2 =	sadd.s32 s19, s18  }
0x9c: {  	s6 =	simm.s32 $0x0;
	s20 =	sshll.u32 s4, $0x1;
	s4 =	sadd.s32 s21, s2  }
0x9d: {  	[timem:s6], [sflag:s22] =	dma.local [hbm:s4], s20  }
0x9e: {  	_ =	swait.ge [sflag:s22], s20  }
0x9f: {  	s3 =	ssub.s32 $0x0, s20;
	[sflag:s22] =	ssyncset.done $0x0  }
0xa0: {  	[sflag:s22] =	ssyncadd.s32 s3;
	_ =	sdelay $0x1  }
0xa1: {  	s23 =	simm.s32 $0x1B8B  }
0xa2: {  	_ =	swait.ge [sflag:s23], $0x1  }
0xa3: {  	[sflag:s23] =	ssyncset.done $0x0  }
0xa4: {  	s25 =	simm.s32 $0x1B8E;
	s24 =	sld [smem:$0x3FFE];
	[sflag:s23] =	ssyncadd.s32 $0xFFFFFFFF  }
0xa5: {  	s26 =	simm.s32 $execute0_lowered;
	[smem:$0x3FD2] =	sst s25  }
0xa6: {  	s4 =	sshll.u32 s26, $0x1;
	_ =	strace $0x80000049;
	[dreg:$0x1] =	wrdreg $0xFFFFFFFF  }
0xa7: {  	s28 =	simm.s32 $_size_execute0_lowered;
	s2 =	sadd.s32 s2, s4;
	[dreg:$0x0] =	wrdreg $0x0  }
0xa8: {  	s4 =	sshll.u32 s28, $0x1;
	[dreg:$0x2] =	wrdreg s2  }
0xa9: {  	[dreg:$0x3] =	wrdreg s4  }
0xaa: {  	[dreg:$0x4] =	wrdreg $0xC0  }
0xab: {  	_ =	task [dreg:s6], $0x5FFFF  }
0xac: {  	[dreg:$0x1] =	wrdreg $0xFFFFFFFF  }
0xad: {  	[dreg:$0x0] =	wrdreg $0x60  }
0xae: {  	[dreg:$0x2] =	wrdreg s24  }
0xaf: {  	[dreg:$0x3] =	wrdreg $0xC3000  }
0xb0: {  	[dreg:$0x4] =	wrdreg $0x9  }
0xb1: {  	_ =	task.clear_ibuf [dreg:s6], $0x5FFFF;
	_ =	strace $0x90000049  }
0xb2: {  	s29 =	simm.s32 $0x9;
	_ =	strace $0x8000004B  }
0xb3: {  	_ =	swait.ge [sflag:s29], $0x1  }
0xb4: {  	[sflag:s29] =	ssyncadd.s32 $0xFFFFFFFF  }
0xb5: {  	_ =	strace $0x9000004B  }
0xb6: {  	_ =	sfence  }
0xb7: {  	s30 =	sld [smem:$0x0];
	_ =	sdelay $0x2  }
0xb8: {  	s31 =	sshll.u32 s1, $0xD;
	s1 =	sshrl.u32 s1, $0x2  }
0xb9: {  	s3 =	sand.u32 $0x4000, s31;
	s1 =	sadd.s32 s1, s30  }
0xba: {  	s0 =	sor.u32 s3, s0;
	s1 =	sshll.u32 s1, $0x11  }
0xbb: {  	s0 =	sor.u32 s1, s0  }
0xbc: {  	s0 =	sadd.s32 $0x8F2B, s0  }
0xbd: {  	[sflag:s0] =	ssyncadd.remote.s32 $0x1  }
0xbe: {  	_ =	sfence.sel $0xFFFF  }
0xbf: {  	[dreg:$0x0] =	wrdreg $0xFFFFFFFF;
	(pc) =	sbr.abs _section_cstart, $3  }
0xc0: {  	[dreg:$0x1] =	wrdreg $0xFFFFFFFF  }
0xc1: {  	_ =	task.clear_ibuf [dreg:s6], $0x2FFFF;
	_ =	strace $0x9FFFFFFF  }
0xc2: {  	(tm) =	ssettm $0x7FFFFFFF  }
0xc3: {  	_ =	shalt  }
tec
execute0_lowered:
.L_overlay_start_1:
0x0: {  	(tag) =	ssettag $0x1  }
0x1: {  	s6 =	rddreg [dreg:$0x0]  }
0x2: {  	s1 =	rddreg [dreg:$0x1];
	s2 =	srdreg.scid  }
0x3: {  	s0 =	rddreg [dreg:$0x2];
	s3 =	simm.s32 $0x0;
	s15 =	simm.s32 $0x100  }
0x4: {  	s16 =	simm.s32 $0x80;
	s17 =	simm.s32 $0x300;
	s5 =	sand.u32 $0x1, s2  }
0x5: {  	s18 =	simm.s32 $0x1;
	s2 =	stileid.u32;
	s7 =	smul.u32 $0x2780, s5  }
0x6: {  	s19 =	simm.s32 $0x3;
	s20 =	simm.s32 $0x2;
	s8 =	smul.u32 $0x278, s2  }
0x7: {  	s21 =	simm.s32 $0x0;
	[smem:$0x7FF] =	sst s3;
	s9 =	smul.u32 $0x4F000, s2  }
0x8: {  	s4 =	sadd.s32 $0x35600, s6;
	_ =	strace $0x8000004A;
	s28 =	smul.u32 $0x9E000, s5  }
0x9: {  	s10 =	ssub.s32 $0x2, s5;
	s11 =	smul.u32 $0x9E00, s2;
	s5 =	sadd.s32 $0xDE00, s6  }
0xa: {  	s30 =	sshll.u32 s2, $0x6;
	s29 =	sshrl.u32 s10, $0x1;
	s7 =	sadd.s32 s8, s7  }
0xb: {  	s13 =	ssub.s32 s10, s29;
	s9 =	sshrl.u32 s9, $0x2;
	s7 =	sshll.u32 s7, $0x4  }
0xc: {  	s8 =	sor.u32 $0x1C04, s30;
	s12 =	sadd.s32 s7, s6;
	s6 =	sadd.s32 s11, s28  }
0xd: {  	s14 =	sadd.s32 s9, s1;
	s7 =	sadd.s32 s4, s7;
	s31 =	sshrl.u32 s6, $0x3  }
0xe: {  	s11 =	sadd.s32 $0x84600, s12;
	s12 =	smax.u32 s13, $0x1;
	s9 =	sadd.s32 s5, s31  }
0xf: {  	s13 =	sshrl.u32 s14, $0x3;
	s14 =	simm.s32 $0x4;
	s10 =	sadd.s32 $0x20, s9  }
.LBB2_1:
0x10: {  	[spmem:s13], [sflag:s8] =	dma.local [hbm:s7], $0x2780  }
0x11: {  	s23 =	smul.u32 $0xAB, s3  }
0x12: {  	s22 =	simm.s32 $0x1;
	s25 =	simm.s32 $0x2;
	p0 =	por $0x1, $0x1  }
0x13: {  	_ =	swait.ge [sflag:s14], $0x2780;
	s24 =	sand.u32 $0xFF, s22;
	s26 =	sand.u32 $0xFF, s25  }
0x14: {  	s25 =	smin.u32 s25, $0x9D;
	s29 =	simm.s32 @!p0 $0x2;
	[sflag:s14] =	ssyncset.done $0x0  }
0x15: {  	s23 =	sshrl.u32 s23, $0x9;
	s24 =	smul.u32 $0xAB, s24;
	[sflag:s14] =	ssyncadd.s32 $0xFFFFD880  }
0x16: {  	[tilespmem:s3], [sflag:$0x4] =	stream.linear.gather [hbm4b:s9+s3], $0x100, $0x38;
	[tilespmem:$0x1FF00] =	vst v63  }
0x17: {  	s26 =	smul.u32 $0xAB, s26;
	s25 =	sshll.u32 s25, $0x8;
	_ =	swait.ge [sflag:s14], $0x100  }
0x18: {  	s23 =	sand.u32 $0x7F, s23;
	s25 =	sadd.s32 s6, s25;
	[sflag:s14] =	ssyncset.done $0x0  }
0x19: {  	s23 =	smul.u32 $0x3, s23;
	s24 =	sshrl.u32 s24, $0x9;
	[sflag:s14] =	ssyncadd.s32 $0xFFFFFF00  }
0x1a: {  	s26 =	sshrl.u32 s26, $0x9;
	s24 =	smul.u32 $0x3, s24;
	[bflag:$0x0] =	sbarrier.arrive $0xFFFF  }
0x1b: {  	[tilespmem:s15], [sflag:$0x3] =	stream.linear.gather [hbm4b:s10+s3], $0x100, $0x38;
	[tilespmem:$0x1FF00] =	vst v63  }
0x1c: {  	s25 =	sshrl.u32 s25, $0x3;
	s26 =	smul.u32 $0x3, s26;
	s23 =	ssub.s32 $0x0, s23  }
0x1d: {  	[tilespmem:s17], [sflag:$0x1] =	stream.indirect.gather [hbm4b:s4+s16], $0x80, s3, s16, $0xb8;
	[tilespmem:$0x1FF00] =	vst v63  }
0x1e: {  	s25 =	sadd.s32 s5, s25;
	s23 =	sand.u32 $0xFF, s23;
	_ =	swait.ge [sflag:s18], $0x4000  }
0x1f: {  	s28 =	sshll.u32 s23, $0xE;
	s23 =	sshll.u32 s23, $0x8;
	[sflag:s18] =	ssyncset.done $0x0  }
0x20: {  	s28 =	sor.u32 $0x300, s28;
	s23 =	sor.u32 $0x80, s23;
	[sflag:s18] =	ssyncadd.s32 $0xFFFFC000  }
0x21: {  	[spmem:s1] =	stream.indirect.scatter.add.f32 [tilespmem:s28], [sflag:$0x2], $0x80, s23, s16, $0xb8;
	[tilespmem:$0x1FF00] =	vst v63  }
0x22: {  	s24 =	ssub.s32 $0x1, s24;
	s30 =	ssub.s32 $0x2, s26;
	_ =	swait.ge @!p0 [sflag:s29], $0x4000  }
0x23: {  	s24 =	sand.u32 $0xFF, s24;
	s23 =	sand.u32 $0xFF, s30;
	[sflag:s29] =	ssyncset.done @!p0 $0x0  }
0x24: {  	s31 =	sshll.u32 s24, $0xE;
	s23 =	sshll.u32 s23, $0x8;
	[sflag:s29] =	ssyncadd.s32 @!p0 $0xFFFFC000  }
0x25: {  	[tilespmem:s23], [sflag:$0x3] =	stream.linear.gather [hbm4b:s25+s3], $0x100, $0x38;
	[tilespmem:$0x1FF00] =	vst v63  }
0x26: {  	s24 =	sshll.u32 s24, $0x8;
	s23 =	sor.u32 $0x300, s31  }
.LBB2_2:
0x27: {  	_ =	swait.ge [sflag:s19], $0x100;
	s25 =	smov.u32 s22  }
0x28: {  	s22 =	sadd.s32 $0x1, s22;
	[sflag:s19] =	ssyncset.done $0x0  }
0x29: {  	s26 =	smul.u32 $0xAB, s25;
	s28 =	sand.u32 $0xFF, s22;
	[sflag:s19] =	ssyncadd.s32 $0xFFFFFF00  }
0x2a: {  	[tilespmem:s23], [sflag:$0x1] =	stream.indirect.gather [hbm4b:s4+s16], $0x80, s24, s16, $0xb8;
	[tilespmem:$0x1FF00] =	vst v63  }
0x2b: {  	p0 =	sne.s32 s22, $0x9E;
	s23 =	sshrl.u32 s26, $0x9;
	s24 =	smul.u32 $0xAB, s28  }
0x2c: {  	p1 =	seq.s32 s25, $0x0;
	s23 =	sand.u32 $0x7F, s23  }
0x2d: {  	s26 =	sadd.s32 $0x2, s25;
	s23 =	smul.u32 $0x3, s23;
	s24 =	sshrl.u32 s24, $0x9  }
0x2e: {  	s28 =	sand.u32 $0xFF, s26;
	s29 =	smin.u32 s26, $0x9D;
	s24 =	smul.u32 $0x3, s24  }
0x2f: {  	s23 =	ssub.s32 s25, s23;
	s25 =	smul.u32 $0xAB, s28;
	s28 =	sshll.u32 s29, $0x8  }
0x30: {  	s23 =	sand.u32 $0xFF, s23;
	s28 =	sadd.s32 s6, s28;
	_ =	swait.ge [sflag:s18], $0x4000  }
0x31: {  	s25 =	sshrl.u32 s25, $0x9;
	s29 =	sshll.u32 s23, $0xE;
	s23 =	sshll.u32 s23, $0x8  }
0x32: {  	s25 =	smul.u32 $0x3, s25;
	s29 =	sor.u32 $0x300, s29;
	s23 =	sor.u32 $0x80, s23  }
0x33: {  	s30 =	simm.s32 @!p1 $0x2;
	s24 =	ssub.s32 s22, s24;
	[sflag:s18] =	ssyncset.done $0x0  }
0x34: {  	s25 =	ssub.s32 s26, s25;
	s26 =	sshrl.u32 s28, $0x3;
	[sflag:s18] =	ssyncadd.s32 $0xFFFFC000  }
0x35: {  	s24 =	sand.u32 $0xFF, s24;
	s25 =	sand.u32 $0xFF, s25  }
0x36: {  	[spmem:s1] =	stream.indirect.scatter.add.f32 [tilespmem:s29], [sflag:$0x2], $0x80, s23, s16, $0xb8;
	[tilespmem:$0x1FF00] =	vst v63  }
.Ltmp0:
0x37: {  	_ = 	snop;
	(pc) =	sbr.rel @p0 .LBB2_2-.Ltmp0, $4  }
0x38: {  	s23 =	sshll.u32 s24, $0xE;
	_ =	swait.ge @!p1 [sflag:s30], $0x4000  }
0x39: {  	s26 =	sadd.s32 s5, s26;
	s25 =	sshll.u32 s25, $0x8;
	[sflag:s30] =	ssyncset.done @!p1 $0x0  }
0x3a: {  	s24 =	sshll.u32 s24, $0x8;
	s23 =	sor.u32 $0x300, s23;
	[sflag:s30] =	ssyncadd.s32 @!p1 $0xFFFFC000  }
0x3b: {  	[tilespmem:s25], [sflag:$0x3] =	stream.linear.gather [hbm4b:s26+s3], $0x100, $0x38;
	[tilespmem:$0x1FF00] =	vst v63  }
0x3c: {  	_ =	swait.ge [sflag:s19], $0x100  }
0x3d: {  	[sflag:s19] =	ssyncset.done $0x0  }
0x3e: {  	[sflag:s19] =	ssyncadd.s32 $0xFFFFFF00  }
0x3f: {  	[tilespmem:s23], [sflag:$0x1] =	stream.indirect.gather [hbm4b:s4+s16], $0x80, s24, s16, $0xb8;
	[tilespmem:$0x1FF00] =	vst v63  }
0x40: {  	_ =	swait.ge [sflag:s18], $0x4000  }
0x41: {  	[sflag:s18] =	ssyncset.done $0x0  }
0x42: {  	[sflag:s18] =	ssyncadd.s32 $0xFFFFC000  }
0x43: {  	_ =	swait.ge [sflag:s20], $0x4000  }
0x44: {  	[sflag:s20] =	ssyncset.done $0x0  }
0x45: {  	[sflag:s20] =	ssyncadd.s32 $0xFFFFC000  }
0x46: {  	_ =	swait.ge [sflag:s19], $0x100  }
0x47: {  	s21 =	sadd.s32 $0x1, s21;
	[sflag:s19] =	ssyncset.done $0x0  }
0x48: {  	p0 =	sne.s32 s21, s12;
	[sflag:s19] =	ssyncadd.s32 $0xFFFFFF00  }
.Ltmp1:
0x49: {  	[bflag:$0x0] =	sbarrier.arrive $0xFFFF;
	(pc) =	sbr.rel @p0 .LBB2_1-.Ltmp1, $4  }
0x4a: {  	[hbm:s11], [sflag:s8] =	dma.local [spmem:s13], $0x2780  }
0x4b: {  	_ =	swait.ge [sflag:s14], $0x2780  }
0x4c: {  	[sflag:s14] =	ssyncset.done $0x0  }
0x4d: {  	[sflag:s14] =	ssyncadd.s32 $0xFFFFD880  }
0x4e: {  	_ =	sfence.sel $0x180000  }
0x4f: {  	[bflag:$0x0] =	sbarrier.arrive $0xFFFF  }
0x50: {  	p0 =	sne.s32 s2, $0x0;
	_ =	strace $0x9000004A  }
0x51: {  	s0 =	sadd.s32 @!p0 $0x100000, s0;
	[bflag:$0x2] =	sbarrier.arrive $0xFFFF  }
0x52: {  	[sflag:s0] =	ssyncadd.tile.s32 @!p0 $0x1;
	_ =	shalt  }
.Lfunc_end2:
_tile_overlayer_lowered:
.L_overlay_start_2:
0x53: {  	(tag) =	ssettag $0x2  }
0x54: {  	s0 =	rddreg [dreg:$0x0];
	s2 =	stileid.u32  }
0x55: {  	s1 =	rddreg [dreg:$0x1];
	p0 =	sne.s32 s2, $0x0  }
0x56: {  	s3 =	rddreg [dreg:$0x2];
	[bflag:$0x3] =	sbarrier.arrive $0xFFFF;
	s2 =	simm.s32 @!p0 $0x1C04  }
0x57: {  	[timem:s3], [sflag:s2] =	dma.local @!p0 [hbm:s0], s1  }
0x58: {  	s0 =	simm.s32 @!p0 $0x4  }
0x59: {  	_ =	swait.ge @!p0 [sflag:s0], s1  }
0x5a: {  	s1 =	ssub.s32 @!p0 $0x0, s1;
	[sflag:s0] =	ssyncset.done @!p0 $0x0  }
0x5b: {  	[sflag:s0] =	ssyncadd.s32 @!p0 s1  }
0x5c: {  	[bflag:$0x3] =	sbarrier.arrive $0xFFFF  }
0x5d: {  	_ =	shalt  }

// kernel: kernel.16.cloned.1.call-start
scs
__scs_entry_jumppad:
0x0: {  	(pc) =	sbr.rel $0x88, $3  }
0x1: {  	(tag) =	ssettag $0x0;
	lr =	simm.s32 $0x1  }
0x2: {  	[smem:$0x3F94] =	sst lr;
	_ =	strace $0xD0000000  }
0x3: {  	_ = 	snop  }
0x4: {  	_ = 	snop  }
0x5: {  	_ = 	snop  }
0x6: {  	_ = 	snop  }
0x7: {  	_ = 	snop  }
__scs_overlays_trampoline_lowered:
0x8: {  	[smem:$0x3FA3] =	sst s0  }
0x9: {  	[smem:$0x3FA4] =	sst s1  }
0xa: {  	[smem:$0x3FA5] =	sst s2  }
0xb: {  	[smem:$0x3FA6] =	sst s3  }
0xc: {  	[smem:$0x3FA7] =	sst s4  }
0xd: {  	[smem:$0x3FA8] =	sst s5  }
0xe: {  	[smem:$0x3FA9] =	sst s6  }
0xf: {  	[smem:$0x3FAA] =	sst s7  }
0x10: {  	[smem:$0x3FAB] =	sst s8  }
0x11: {  	[smem:$0x3FAC] =	sst s9;
	s0 =	simm.s32 @!p0 $0x0  }
0x12: {  	s1 =	sld [smem:$0x3F92];
	s0 =	simm.s32 @p0 $0x1  }
0x13: {  	[smem:$0x3FAD] =	sst s0;
	s0 =	simm.s32 @!p1 $0x0  }
0x14: {  	s2 =	sld [smem:$0x3F91];
	s0 =	simm.s32 @p1 $0x1  }
0x15: {  	[smem:$0x3FAE] =	sst s0;
	s0 =	simm.s32 @!p2 $0x0  }
0x16: {  	s3 =	sld [smem:$0x3FDB];
	s0 =	simm.s32 @p2 $0x1  }
0x17: {  	s4 =	simm.s32 $0x1BF5;
	[smem:$0x3FB0] =	sst s0  }
0x18: {  	s0 =	sld [smem:$0x3F93];
	_ =	swait.ge [sflag:s4], $0x0  }
0x19: {  	s7 =	sld [smem:$0x3F94]  }
0x1a: {  	s8 =	sadd.s32 $0xFFFFE003, lr  }
0x1b: {  	s9 =	sadd.s32 $0xFFFFFEF7, lr;
	s5 =	simm.s32 $0xFFFFFFFF;
	p2 =	slt.u32 s8, $0xFFFFF086  }
0x1c: {  	p1 =	slt.u32 s9, $0xF7A;
	s5 =	simm.s32 @!p2 $0x0  }
0x1d: {  	s5 =	simm.s32 @p1 $0x1;
	p0 =	seq.s32 s7, s2  }
0x1e: {  	s7 =	smul.u32 @!p0 $0xF7A, s2;
	p2 =	seq.s32 @!p0 s5, $0x0  }
0x1f: {  	s9 =	smul.u32 $0xF7A, s1;
	s8 =	simm.s32 @!p0 $0x1BF5;
	p2 =	por !p2, p0  }
0x20: {  	[sflag:s8] =	ssyncset.s32 @!p0 $0xFFFFF086;
	s6 =	sadd.s32 @!p0 s3, s7;
	s7 =	simm.s32 @!p0 $0x108  }
0x21: {  	s3 =	sadd.s32 s3, s9;
	s6 =	sadd.s32 @!p0 $0x88, s6;
	s7 =	simm.s32 @p2 $0x1082  }
0x22: {  	[simem:s7], [sflag:s8] =	dma.local @!p0 [hbm:s6], $0xF7A  }
0x23: {  	s9 =	sor.u32 $0xD0000000, s2;
	s6 =	simm.s32 $0x108;
	_ =	swait.ge @!p0 [sflag:s8], $0x0  }
0x24: {  	s3 =	sadd.s32 $0x88, s3;
	s6 =	simm.s32 @!p1 $0x1082;
	[sflag:s4] =	ssyncset.s32 $0xFFFFF086  }
0x25: {  	[simem:s6], [sflag:s4] =	dma.local [hbm:s3], $0xF7A  }
0x26: {  	[smem:$0x3F94] =	sst s1;
	(tag) =	ssettag s2;
	_ =	strace s9  }
0x27: {  	s1 =	sld [smem:$0x3FA4]  }
0x28: {  	s2 =	sld [smem:$0x3FA5]  }
0x29: {  	s4 =	sld [smem:$0x3FA7]  }
0x2a: {  	p0 =	seq.s32 s5, $0x0;
	s5 =	sld [smem:$0x3FA8]  }
0x2b: {  	s6 =	sld [smem:$0x3FA9]  }
0x2c: {  	s7 =	sld [smem:$0x3FAA]  }
0x2d: {  	s3 =	simm.s32 $0x108;
	s8 =	sld [smem:$0x3FAB]  }
0x2e: {  	s3 =	simm.s32 @!p0 $0x1082;
	s9 =	sld [smem:$0x3FAC]  }
0x2f: {  	lr =	sadd.s32 s0, s3;
	s0 =	sld [smem:$0x3FA3]  }
0x30: {  	s3 =	sld [smem:$0x3FA6]  }
0x31: {  	[smem:$0x3FAF] =	sst s10  }
0x32: {  	s10 =	sld [smem:$0x3FAD];
	_ =	sdelay $0x3  }
0x33: {  	p0 =	seq.s32 s10, $0x1;
	s10 =	sld [smem:$0x3FAF];
	_ =	sdelay $0x3  }
0x34: {  	[smem:$0x3FAF] =	sst s10  }
0x35: {  	s10 =	sld [smem:$0x3FAE];
	_ =	sdelay $0x3  }
0x36: {  	p1 =	seq.s32 s10, $0x1;
	s10 =	sld [smem:$0x3FAF];
	_ =	sdelay $0x3  }
0x37: {  	[smem:$0x3FAF] =	sst s10  }
0x38: {  	s10 =	sld [smem:$0x3FB0]  }
0x39: {  	_ = 	snop;
	(pc) =	sbr.ind lr, $3  }
0x3a: {  	_ = 	snop  }
0x3b: {  	_ = 	snop  }
0x3c: {  	p2 =	seq.s32 s10, $0x1;
	s10 =	sld [smem:$0x3FAF]  }
0x3d: {  	_ =	shalt  }
0x3e: {  	_ =	shalt  }
0x3f: {  	_ =	shalt  }
0x40: {  	_ =	shalt  }
0x41: {  	_ =	shalt  }
0x42: {  	_ =	shalt  }
0x43: {  	_ =	shalt  }
0x44: {  	_ =	shalt  }
0x45: {  	_ =	shalt  }
0x46: {  	_ =	shalt  }
0x47: {  	_ =	shalt  }
0x48: {  	_ =	shalt  }
0x49: {  	_ =	shalt  }
0x4a: {  	_ =	shalt  }
0x4b: {  	_ =	shalt  }
0x4c: {  	_ =	shalt  }
0x4d: {  	_ =	shalt  }
0x4e: {  	_ =	shalt  }
0x4f: {  	_ =	shalt  }
0x50: {  	_ =	shalt  }
0x51: {  	_ =	shalt  }
0x52: {  	_ =	shalt  }
0x53: {  	_ =	shalt  }
0x54: {  	_ =	shalt  }
0x55: {  	_ =	shalt  }
0x56: {  	_ =	shalt  }
0x57: {  	_ =	shalt  }
0x58: {  	_ =	shalt  }
0x59: {  	_ =	shalt  }
0x5a: {  	_ =	shalt  }
0x5b: {  	_ =	shalt  }
0x5c: {  	_ =	shalt  }
0x5d: {  	_ =	shalt  }
0x5e: {  	_ =	shalt  }
0x5f: {  	_ =	shalt  }
0x60: {  	_ =	shalt  }
0x61: {  	_ =	shalt  }
0x62: {  	_ =	shalt  }
0x63: {  	_ =	shalt  }
0x64: {  	_ =	shalt  }
0x65: {  	_ =	shalt  }
0x66: {  	_ =	shalt  }
0x67: {  	_ =	shalt  }
0x68: {  	_ =	shalt  }
0x69: {  	_ =	shalt  }
0x6a: {  	_ =	shalt  }
0x6b: {  	_ =	shalt  }
0x6c: {  	_ =	shalt  }
0x6d: {  	_ =	shalt  }
0x6e: {  	_ =	shalt  }
0x6f: {  	_ =	shalt  }
0x70: {  	_ =	shalt  }
0x71: {  	_ =	shalt  }
0x72: {  	_ =	shalt  }
0x73: {  	_ =	shalt  }
0x74: {  	_ =	shalt  }
0x75: {  	_ =	shalt  }
0x76: {  	_ =	shalt  }
0x77: {  	_ =	shalt  }
0x78: {  	_ =	shalt  }
0x79: {  	_ =	shalt  }
0x7a: {  	_ =	shalt  }
0x7b: {  	_ =	shalt  }
0x7c: {  	_ =	shalt  }
0x7d: {  	_ =	shalt  }
0x7e: {  	_ =	shalt  }
0x7f: {  	_ =	shalt  }
0x80: {  	_ =	shalt  }
0x81: {  	_ =	shalt  }
0x82: {  	_ =	shalt  }
0x83: {  	_ =	shalt  }
0x84: {  	_ =	shalt  }
0x85: {  	_ =	shalt  }
0x86: {  	_ =	shalt  }
0x87: {  	_ =	shalt  }
.Lfunc_end0:
.L_simem_size_0:
called_computation.2_lowered:
.L_overlay_start_0:
0x88: {  	s2 =	sld [smem:$0x3FD9]  }
0x89: {  	s3 =	sld [smem:$0x3FFE];
	_ =	sdelay $0x1  }
0x8a: {  	s1 =	srdreg.scid  }
0x8b: {  	s0 =	sand.u32 $0x1, s1  }
0x8c: {  	s16 =	sshll.u32 s0, $0xA;
	s2 =	sadd.s32 s3, s2  }
0x8d: {  	s2 =	sadd.s32 s2, s16  }
0x8e: {  	[smem:$0x3FBB] =	sst s2  }
0x8f: {  	_ = 	snop  }
0x90: {  	(tm) =	ssettm $0x1  }
0x91: {  	s17 =	sld [smem:$0x3FFB];
	_ =	sdelay $0x3  }
0x92: {  	_ =	strace s17  }
0x93: {  	s2 =	sld [smem:$0x3FFC];
	_ =	sdelay $0x3  }
0x94: {  	_ =	strace s2  }
0x95: {  	s2 =	sld [smem:$0x3FFD];
	_ =	sdelay $0x3  }
0x96: {  	_ =	strace s2  }
0x97: {  	_ =	strace $0x8FFFFFFF  }
0x98: {  	s18 =	sld [smem:$0x3FDB];
	_ =	sdelay $0x1  }
0x99: {  	s19 =	simm.s32 $_scs_section_size  }
0x9a: {  	s4 =	simm.s32 $_size__tile_overlayer_lowered;
	s5 =	simm.s32 $_tile_overlayer_lowered  }
0x9b: {  	s22 =	simm.s32 $0x1BFF;
	s21 =	sshll.u32 s5, $0x1;
	s2 =	sadd.s32 s19, s18  }
0x9c: {  	s6 =	simm.s32 $0x0;
	s20 =	sshll.u32 s4, $0x1;
	s4 =	sadd.s32 s21, s2  }
0x9d: {  	[timem:s6], [sflag:s22] =	dma.local [hbm:s4], s20  }
0x9e: {  	_ =	swait.ge [sflag:s22], s20  }
0x9f: {  	s3 =	ssub.s32 $0x0, s20;
	[sflag:s22] =	ssyncset.done $0x0  }
0xa0: {  	[sflag:s22] =	ssyncadd.s32 s3;
	_ =	sdelay $0x1  }
0xa1: {  	s23 =	simm.s32 $0x1B8B  }
0xa2: {  	_ =	swait.ge [sflag:s23], $0x1  }
0xa3: {  	[sflag:s23] =	ssyncset.done $0x0  }
0xa4: {  	s25 =	simm.s32 $0x1B8E;
	s24 =	sld [smem:$0x3FFE];
	[sflag:s23] =	ssyncadd.s32 $0xFFFFFFFF  }
0xa5: {  	s26 =	simm.s32 $execute0_lowered;
	[smem:$0x3FD2] =	sst s25  }
0xa6: {  	s4 =	sshll.u32 s26, $0x1;
	_ =	strace $0x8000004C;
	[dreg:$0x1] =	wrdreg $0xFFFFFFFF  }
0xa7: {  	s28 =	simm.s32 $_size_execute0_lowered;
	s2 =	sadd.s32 s2, s4;
	[dreg:$0x0] =	wrdreg $0x0  }
0xa8: {  	s4 =	sshll.u32 s28, $0x1;
	[dreg:$0x2] =	wrdreg s2  }
0xa9: {  	[dreg:$0x3] =	wrdreg s4  }
0xaa: {  	[dreg:$0x4] =	wrdreg $0xC0  }
0xab: {  	_ =	task [dreg:s6], $0x5FFFF  }
0xac: {  	[dreg:$0x1] =	wrdreg $0xFFFFFFFF  }
0xad: {  	[dreg:$0x0] =	wrdreg $0x60  }
0xae: {  	[dreg:$0x2] =	wrdreg s24  }
0xaf: {  	[dreg:$0x3] =	wrdreg $0xC3000  }
0xb0: {  	[dreg:$0x4] =	wrdreg $0x9  }
0xb1: {  	_ =	task.clear_ibuf [dreg:s6], $0x5FFFF;
	_ =	strace $0x9000004C  }
0xb2: {  	s29 =	simm.s32 $0x9;
	_ =	strace $0x8000004E  }
0xb3: {  	_ =	swait.ge [sflag:s29], $0x1  }
0xb4: {  	[sflag:s29] =	ssyncadd.s32 $0xFFFFFFFF  }
0xb5: {  	_ =	strace $0x9000004E  }
0xb6: {  	_ =	sfence  }
0xb7: {  	s30 =	sld [smem:$0x0];
	_ =	sdelay $0x2  }
0xb8: {  	s31 =	sshll.u32 s1, $0xD;
	s1 =	sshrl.u32 s1, $0x2  }
0xb9: {  	s3 =	sand.u32 $0x4000, s31;
	s1 =	sadd.s32 s1, s30  }
0xba: {  	s0 =	sor.u32 s3, s0;
	s1 =	sshll.u32 s1, $0x11  }
0xbb: {  	s0 =	sor.u32 s1, s0  }
0xbc: {  	s0 =	sadd.s32 $0x8F2B, s0  }
0xbd: {  	[sflag:s0] =	ssyncadd.remote.s32 $0x1  }
0xbe: {  	_ =	sfence.sel $0xFFFF  }
0xbf: {  	[dreg:$0x0] =	wrdreg $0xFFFFFFFF;
	(pc) =	sbr.abs _section_cstart, $3  }
0xc0: {  	[dreg:$0x1] =	wrdreg $0xFFFFFFFF  }
0xc1: {  	_ =	task.clear_ibuf [dreg:s6], $0x2FFFF;
	_ =	strace $0x9FFFFFFF  }
0xc2: {  	(tm) =	ssettm $0x7FFFFFFF  }
0xc3: {  	_ =	shalt  }
tec
execute0_lowered:
.L_overlay_start_1:
0x0: {  	(tag) =	ssettag $0x1  }
0x1: {  	s6 =	rddreg [dreg:$0x0]  }
0x2: {  	s1 =	rddreg [dreg:$0x1];
	s2 =	srdreg.scid  }
0x3: {  	s0 =	rddreg [dreg:$0x2];
	s3 =	simm.s32 $0x0;
	s15 =	simm.s32 $0x100  }
0x4: {  	s16 =	simm.s32 $0x80;
	s17 =	simm.s32 $0x300;
	s5 =	sand.u32 $0x1, s2  }
0x5: {  	s18 =	simm.s32 $0x1;
	s2 =	stileid.u32;
	s7 =	smul.u32 $0x2780, s5  }
0x6: {  	s19 =	simm.s32 $0x3;
	s20 =	simm.s32 $0x2;
	s8 =	smul.u32 $0x278, s2  }
0x7: {  	s21 =	simm.s32 $0x0;
	[smem:$0x7FF] =	sst s3;
	s9 =	smul.u32 $0x4F000, s2  }
0x8: {  	s4 =	sadd.s32 $0x35600, s6;
	_ =	strace $0x8000004D;
	s28 =	smul.u32 $0x9E000, s5  }
0x9: {  	s10 =	ssub.s32 $0x2, s5;
	s11 =	smul.u32 $0x9E00, s2;
	s5 =	sadd.s32 $0xDE00, s6  }
0xa: {  	s30 =	sshll.u32 s2, $0x6;
	s29 =	sshrl.u32 s10, $0x1;
	s7 =	sadd.s32 s8, s7  }
0xb: {  	s13 =	ssub.s32 s10, s29;
	s9 =	sshrl.u32 s9, $0x2;
	s7 =	sshll.u32 s7, $0x4  }
0xc: {  	s8 =	sor.u32 $0x1C04, s30;
	s12 =	sadd.s32 s7, s6;
	s6 =	sadd.s32 s11, s28  }
0xd: {  	s14 =	sadd.s32 s9, s1;
	s7 =	sadd.s32 s4, s7;
	s31 =	sshrl.u32 s6, $0x3  }
0xe: {  	s11 =	sadd.s32 $0x84600, s12;
	s12 =	smax.u32 s13, $0x1;
	s9 =	sadd.s32 s5, s31  }
0xf: {  	s13 =	sshrl.u32 s14, $0x3;
	s14 =	simm.s32 $0x4;
	s10 =	sadd.s32 $0x20, s9  }
.LBB2_1:
0x10: {  	[spmem:s13], [sflag:s8] =	dma.local [hbm:s7], $0x2780  }
0x11: {  	s23 =	smul.u32 $0xAB, s3  }
0x12: {  	s22 =	simm.s32 $0x1;
	s25 =	simm.s32 $0x2;
	p0 =	por $0x1, $0x1  }
0x13: {  	_ =	swait.ge [sflag:s14], $0x2780;
	s24 =	sand.u32 $0xFF, s22;
	s26 =	sand.u32 $0xFF, s25  }
0x14: {  	s25 =	smin.u32 s25, $0x9D;
	s29 =	simm.s32 @!p0 $0x2;
	[sflag:s14] =	ssyncset.done $0x0  }
0x15: {  	s23 =	sshrl.u32 s23, $0x9;
	s24 =	smul.u32 $0xAB, s24;
	[sflag:s14] =	ssyncadd.s32 $0xFFFFD880  }
0x16: {  	[tilespmem:s3], [sflag:$0x4] =	stream.linear.gather [hbm4b:s9+s3], $0x100, $0x38;
	[tilespmem:$0x1FF00] =	vst v63  }
0x17: {  	s26 =	smul.u32 $0xAB, s26;
	s25 =	sshll.u32 s25, $0x8;
	_ =	swait.ge [sflag:s14], $0x100  }
0x18: {  	s23 =	sand.u32 $0x7F, s23;
	s25 =	sadd.s32 s6, s25;
	[sflag:s14] =	ssyncset.done $0x0  }
0x19: {  	s23 =	smul.u32 $0x3, s23;
	s24 =	sshrl.u32 s24, $0x9;
	[sflag:s14] =	ssyncadd.s32 $0xFFFFFF00  }
0x1a: {  	s26 =	sshrl.u32 s26, $0x9;
	s24 =	smul.u32 $0x3, s24;
	[bflag:$0x0] =	sbarrier.arrive $0xFFFF  }
0x1b: {  	[tilespmem:s15], [sflag:$0x3] =	stream.linear.gather [hbm4b:s10+s3], $0x100, $0x38;
	[tilespmem:$0x1FF00] =	vst v63  }
0x1c: {  	s25 =	sshrl.u32 s25, $0x3;
	s26 =	smul.u32 $0x3, s26;
	s23 =	ssub.s32 $0x0, s23  }
0x1d: {  	[tilespmem:s17], [sflag:$0x1] =	stream.indirect.gather [hbm4b:s4+s16], $0x80, s3, s16, $0xb8;
	[tilespmem:$0x1FF00] =	vst v63  }
0x1e: {  	s25 =	sadd.s32 s5, s25;
	s23 =	sand.u32 $0xFF, s23;
	_ =	swait.ge [sflag:s18], $0x4000  }
0x1f: {  	s28 =	sshll.u32 s23, $0xE;
	s23 =	sshll.u32 s23, $0x8;
	[sflag:s18] =	ssyncset.done $0x0  }
0x20: {  	s28 =	sor.u32 $0x300, s28;
	s23 =	sor.u32 $0x80, s23;
	[sflag:s18] =	ssyncadd.s32 $0xFFFFC000  }
0x21: {  	[spmem:s1] =	stream.indirect.scatter.add.f32 [tilespmem:s28], [sflag:$0x2], $0x80, s23, s16, $0xb8;
	[tilespmem:$0x1FF00] =	vst v63  }
0x22: {  	s24 =	ssub.s32 $0x1, s24;
	s30 =	ssub.s32 $0x2, s26;
	_ =	swait.ge @!p0 [sflag:s29], $0x4000  }
0x23: {  	s24 =	sand.u32 $0xFF, s24;
	s23 =	sand.u32 $0xFF, s30;
	[sflag:s29] =	ssyncset.done @!p0 $0x0  }
0x24: {  	s31 =	sshll.u32 s24, $0xE;
	s23 =	sshll.u32 s23, $0x8;
	[sflag:s29] =	ssyncadd.s32 @!p0 $0xFFFFC000  }
0x25: {  	[tilespmem:s23], [sflag:$0x3] =	stream.linear.gather [hbm4b:s25+s3], $0x100, $0x38;
	[tilespmem:$0x1FF00] =	vst v63  }
0x26: {  	s24 =	sshll.u32 s24, $0x8;
	s23 =	sor.u32 $0x300, s31  }
.LBB2_2:
0x27: {  	_ =	swait.ge [sflag:s19], $0x100;
	s25 =	smov.u32 s22  }
0x28: {  	s22 =	sadd.s32 $0x1, s22;
	[sflag:s19] =	ssyncset.done $0x0  }
0x29: {  	s26 =	smul.u32 $0xAB, s25;
	s28 =	sand.u32 $0xFF, s22;
	[sflag:s19] =	ssyncadd.s32 $0xFFFFFF00  }
0x2a: {  	[tilespmem:s23], [sflag:$0x1] =	stream.indirect.gather [hbm4b:s4+s16], $0x80, s24, s16, $0xb8;
	[tilespmem:$0x1FF00] =	vst v63  }
0x2b: {  	p0 =	sne.s32 s22, $0x9E;
	s23 =	sshrl.u32 s26, $0x9;
	s24 =	smul.u32 $0xAB, s28  }
0x2c: {  	p1 =	seq.s32 s25, $0x0;
	s23 =	sand.u32 $0x7F, s23  }
0x2d: {  	s26 =	sadd.s32 $0x2, s25;
	s23 =	smul.u32 $0x3, s23;
	s24 =	sshrl.u32 s24, $0x9  }
0x2e: {  	s28 =	sand.u32 $0xFF, s26;
	s29 =	smin.u32 s26, $0x9D;
	s24 =	smul.u32 $0x3, s24  }
0x2f: {  	s23 =	ssub.s32 s25, s23;
	s25 =	smul.u32 $0xAB, s28;
	s28 =	sshll.u32 s29, $0x8  }
0x30: {  	s23 =	sand.u32 $0xFF, s23;
	s28 =	sadd.s32 s6, s28;
	_ =	swait.ge [sflag:s18], $0x4000  }
0x31: {  	s25 =	sshrl.u32 s25, $0x9;
	s29 =	sshll.u32 s23, $0xE;
	s23 =	sshll.u32 s23, $0x8  }
0x32: {  	s25 =	smul.u32 $0x3, s25;
	s29 =	sor.u32 $0x300, s29;
	s23 =	sor.u32 $0x80, s23  }
0x33: {  	s30 =	simm.s32 @!p1 $0x2;
	s24 =	ssub.s32 s22, s24;
	[sflag:s18] =	ssyncset.done $0x0  }
0x34: {  	s25 =	ssub.s32 s26, s25;
	s26 =	sshrl.u32 s28, $0x3;
	[sflag:s18] =	ssyncadd.s32 $0xFFFFC000  }
0x35: {  	s24 =	sand.u32 $0xFF, s24;
	s25 =	sand.u32 $0xFF, s25  }
0x36: {  	[spmem:s1] =	stream.indirect.scatter.add.f32 [tilespmem:s29], [sflag:$0x2], $0x80, s23, s16, $0xb8;
	[tilespmem:$0x1FF00] =	vst v63  }
.Ltmp0:
0x37: {  	_ = 	snop;
	(pc) =	sbr.rel @p0 .LBB2_2-.Ltmp0, $4  }
0x38: {  	s23 =	sshll.u32 s24, $0xE;
	_ =	swait.ge @!p1 [sflag:s30], $0x4000  }
0x39: {  	s26 =	sadd.s32 s5, s26;
	s25 =	sshll.u32 s25, $0x8;
	[sflag:s30] =	ssyncset.done @!p1 $0x0  }
0x3a: {  	s24 =	sshll.u32 s24, $0x8;
	s23 =	sor.u32 $0x300, s23;
	[sflag:s30] =	ssyncadd.s32 @!p1 $0xFFFFC000  }
0x3b: {  	[tilespmem:s25], [sflag:$0x3] =	stream.linear.gather [hbm4b:s26+s3], $0x100, $0x38;
	[tilespmem:$0x1FF00] =	vst v63  }
0x3c: {  	_ =	swait.ge [sflag:s19], $0x100  }
0x3d: {  	[sflag:s19] =	ssyncset.done $0x0  }
0x3e: {  	[sflag:s19] =	ssyncadd.s32 $0xFFFFFF00  }
0x3f: {  	[tilespmem:s23], [sflag:$0x1] =	stream.indirect.gather [hbm4b:s4+s16], $0x80, s24, s16, $0xb8;
	[tilespmem:$0x1FF00] =	vst v63  }
0x40: {  	_ =	swait.ge [sflag:s18], $0x4000  }
0x41: {  	[sflag:s18] =	ssyncset.done $0x0  }
0x42: {  	[sflag:s18] =	ssyncadd.s32 $0xFFFFC000  }
0x43: {  	_ =	swait.ge [sflag:s20], $0x4000  }
0x44: {  	[sflag:s20] =	ssyncset.done $0x0  }
0x45: {  	[sflag:s20] =	ssyncadd.s32 $0xFFFFC000  }
0x46: {  	_ =	swait.ge [sflag:s19], $0x100  }
0x47: {  	s21 =	sadd.s32 $0x1, s21;
	[sflag:s19] =	ssyncset.done $0x0  }
0x48: {  	p0 =	sne.s32 s21, s12;
	[sflag:s19] =	ssyncadd.s32 $0xFFFFFF00  }
.Ltmp1:
0x49: {  	[bflag:$0x0] =	sbarrier.arrive $0xFFFF;
	(pc) =	sbr.rel @p0 .LBB2_1-.Ltmp1, $4  }
0x4a: {  	[hbm:s11], [sflag:s8] =	dma.local [spmem:s13], $0x2780  }
0x4b: {  	_ =	swait.ge [sflag:s14], $0x2780  }
0x4c: {  	[sflag:s14] =	ssyncset.done $0x0  }
0x4d: {  	[sflag:s14] =	ssyncadd.s32 $0xFFFFD880  }
0x4e: {  	_ =	sfence.sel $0x180000  }
0x4f: {  	[bflag:$0x0] =	sbarrier.arrive $0xFFFF  }
0x50: {  	p0 =	sne.s32 s2, $0x0;
	_ =	strace $0x9000004D  }
0x51: {  	s0 =	sadd.s32 @!p0 $0x100000, s0;
	[bflag:$0x2] =	sbarrier.arrive $0xFFFF  }
0x52: {  	[sflag:s0] =	ssyncadd.tile.s32 @!p0 $0x1;
	_ =	shalt  }
.Lfunc_end2:
_tile_overlayer_lowered:
.L_overlay_start_2:
0x53: {  	(tag) =	ssettag $0x2  }
0x54: {  	s0 =	rddreg [dreg:$0x0];
	s2 =	stileid.u32  }
0x55: {  	s1 =	rddreg [dreg:$0x1];
	p0 =	sne.s32 s2, $0x0  }
0x56: {  	s3 =	rddreg [dreg:$0x2];
	[bflag:$0x3] =	sbarrier.arrive $0xFFFF;
	s2 =	simm.s32 @!p0 $0x1C04  }
0x57: {  	[timem:s3], [sflag:s2] =	dma.local @!p0 [hbm:s0], s1  }
0x58: {  	s0 =	simm.s32 @!p0 $0x4  }
0x59: {  	_ =	swait.ge @!p0 [sflag:s0], s1  }
0x5a: {  	s1 =	ssub.s32 @!p0 $0x0, s1;
	[sflag:s0] =	ssyncset.done @!p0 $0x0  }
0x5b: {  	[sflag:s0] =	ssyncadd.s32 @!p0 s1  }
0x5c: {  	[bflag:$0x3] =	sbarrier.arrive $0xFFFF  }
0x5d: {  	_ =	shalt  }

// kernel: kernel.19.cloned.1.call-start
scs
__scs_entry_jumppad:
0x0: {  	(pc) =	sbr.rel $0x88, $3  }
0x1: {  	(tag) =	ssettag $0x0;
	lr =	simm.s32 $0x1  }
0x2: {  	[smem:$0x3F94] =	sst lr;
	_ =	strace $0xD0000000  }
0x3: {  	_ = 	snop  }
0x4: {  	_ = 	snop  }
0x5: {  	_ = 	snop  }
0x6: {  	_ = 	snop  }
0x7: {  	_ = 	snop  }
__scs_overlays_trampoline_lowered:
0x8: {  	[smem:$0x3FA3] =	sst s0  }
0x9: {  	[smem:$0x3FA4] =	sst s1  }
0xa: {  	[smem:$0x3FA5] =	sst s2  }
0xb: {  	[smem:$0x3FA6] =	sst s3  }
0xc: {  	[smem:$0x3FA7] =	sst s4  }
0xd: {  	[smem:$0x3FA8] =	sst s5  }
0xe: {  	[smem:$0x3FA9] =	sst s6  }
0xf: {  	[smem:$0x3FAA] =	sst s7  }
0x10: {  	[smem:$0x3FAB] =	sst s8  }
0x11: {  	[smem:$0x3FAC] =	sst s9;
	s0 =	simm.s32 @!p0 $0x0  }
0x12: {  	s1 =	sld [smem:$0x3F92];
	s0 =	simm.s32 @p0 $0x1  }
0x13: {  	[smem:$0x3FAD] =	sst s0;
	s0 =	simm.s32 @!p1 $0x0  }
0x14: {  	s2 =	sld [smem:$0x3F91];
	s0 =	simm.s32 @p1 $0x1  }
0x15: {  	[smem:$0x3FAE] =	sst s0;
	s0 =	simm.s32 @!p2 $0x0  }
0x16: {  	s3 =	sld [smem:$0x3FDB];
	s0 =	simm.s32 @p2 $0x1  }
0x17: {  	s4 =	simm.s32 $0x1BF5;
	[smem:$0x3FB0] =	sst s0  }
0x18: {  	s0 =	sld [smem:$0x3F93];
	_ =	swait.ge [sflag:s4], $0x0  }
0x19: {  	s7 =	sld [smem:$0x3F94]  }
0x1a: {  	s8 =	sadd.s32 $0xFFFFE003, lr  }
0x1b: {  	s9 =	sadd.s32 $0xFFFFFEF7, lr;
	s5 =	simm.s32 $0xFFFFFFFF;
	p2 =	slt.u32 s8, $0xFFFFF086  }
0x1c: {  	p1 =	slt.u32 s9, $0xF7A;
	s5 =	simm.s32 @!p2 $0x0  }
0x1d: {  	s5 =	simm.s32 @p1 $0x1;
	p0 =	seq.s32 s7, s2  }
0x1e: {  	s7 =	smul.u32 @!p0 $0xF7A, s2;
	p2 =	seq.s32 @!p0 s5, $0x0  }
0x1f: {  	s9 =	smul.u32 $0xF7A, s1;
	s8 =	simm.s32 @!p0 $0x1BF5;
	p2 =	por !p2, p0  }
0x20: {  	[sflag:s8] =	ssyncset.s32 @!p0 $0xFFFFF086;
	s6 =	sadd.s32 @!p0 s3, s7;
	s7 =	simm.s32 @!p0 $0x108  }
0x21: {  	s3 =	sadd.s32 s3, s9;
	s6 =	sadd.s32 @!p0 $0x88, s6;
	s7 =	simm.s32 @p2 $0x1082  }
0x22: {  	[simem:s7], [sflag:s8] =	dma.local @!p0 [hbm:s6], $0xF7A  }
0x23: {  	s9 =	sor.u32 $0xD0000000, s2;
	s6 =	simm.s32 $0x108;
	_ =	swait.ge @!p0 [sflag:s8], $0x0  }
0x24: {  	s3 =	sadd.s32 $0x88, s3;
	s6 =	simm.s32 @!p1 $0x1082;
	[sflag:s4] =	ssyncset.s32 $0xFFFFF086  }
0x25: {  	[simem:s6], [sflag:s4] =	dma.local [hbm:s3], $0xF7A  }
0x26: {  	[smem:$0x3F94] =	sst s1;
	(tag) =	ssettag s2;
	_ =	strace s9  }
0x27: {  	s1 =	sld [smem:$0x3FA4]  }
0x28: {  	s2 =	sld [smem:$0x3FA5]  }
0x29: {  	s4 =	sld [smem:$0x3FA7]  }
0x2a: {  	p0 =	seq.s32 s5, $0x0;
	s5 =	sld [smem:$0x3FA8]  }
0x2b: {  	s6 =	sld [smem:$0x3FA9]  }
0x2c: {  	s7 =	sld [smem:$0x3FAA]  }
0x2d: {  	s3 =	simm.s32 $0x108;
	s8 =	sld [smem:$0x3FAB]  }
0x2e: {  	s3 =	simm.s32 @!p0 $0x1082;
	s9 =	sld [smem:$0x3FAC]  }
0x2f: {  	lr =	sadd.s32 s0, s3;
	s0 =	sld [smem:$0x3FA3]  }
0x30: {  	s3 =	sld [smem:$0x3FA6]  }
0x31: {  	[smem:$0x3FAF] =	sst s10  }
0x32: {  	s10 =	sld [smem:$0x3FAD];
	_ =	sdelay $0x3  }
0x33: {  	p0 =	seq.s32 s10, $0x1;
	s10 =	sld [smem:$0x3FAF];
	_ =	sdelay $0x3  }
0x34: {  	[smem:$0x3FAF] =	sst s10  }
0x35: {  	s10 =	sld [smem:$0x3FAE];
	_ =	sdelay $0x3  }
0x36: {  	p1 =	seq.s32 s10, $0x1;
	s10 =	sld [smem:$0x3FAF];
	_ =	sdelay $0x3  }
0x37: {  	[smem:$0x3FAF] =	sst s10  }
0x38: {  	s10 =	sld [smem:$0x3FB0]  }
0x39: {  	_ = 	snop;
	(pc) =	sbr.ind lr, $3  }
0x3a: {  	_ = 	snop  }
0x3b: {  	_ = 	snop  }
0x3c: {  	p2 =	seq.s32 s10, $0x1;
	s10 =	sld [smem:$0x3FAF]  }
0x3d: {  	_ =	shalt  }
0x3e: {  	_ =	shalt  }
0x3f: {  	_ =	shalt  }
0x40: {  	_ =	shalt  }
0x41: {  	_ =	shalt  }
0x42: {  	_ =	shalt  }
0x43: {  	_ =	shalt  }
0x44: {  	_ =	shalt  }
0x45: {  	_ =	shalt  }
0x46: {  	_ =	shalt  }
0x47: {  	_ =	shalt  }
0x48: {  	_ =	shalt  }
0x49: {  	_ =	shalt  }
0x4a: {  	_ =	shalt  }
0x4b: {  	_ =	shalt  }
0x4c: {  	_ =	shalt  }
0x4d: {  	_ =	shalt  }
0x4e: {  	_ =	shalt  }
0x4f: {  	_ =	shalt  }
0x50: {  	_ =	shalt  }
0x51: {  	_ =	shalt  }
0x52: {  	_ =	shalt  }
0x53: {  	_ =	shalt  }
0x54: {  	_ =	shalt  }
0x55: {  	_ =	shalt  }
0x56: {  	_ =	shalt  }
0x57: {  	_ =	shalt  }
0x58: {  	_ =	shalt  }
0x59: {  	_ =	shalt  }
0x5a: {  	_ =	shalt  }
0x5b: {  	_ =	shalt  }
0x5c: {  	_ =	shalt  }
0x5d: {  	_ =	shalt  }
0x5e: {  	_ =	shalt  }
0x5f: {  	_ =	shalt  }
0x60: {  	_ =	shalt  }
0x61: {  	_ =	shalt  }
0x62: {  	_ =	shalt  }
0x63: {  	_ =	shalt  }
0x64: {  	_ =	shalt  }
0x65: {  	_ =	shalt  }
0x66: {  	_ =	shalt  }
0x67: {  	_ =	shalt  }
0x68: {  	_ =	shalt  }
0x69: {  	_ =	shalt  }
0x6a: {  	_ =	shalt  }
0x6b: {  	_ =	shalt  }
0x6c: {  	_ =	shalt  }
0x6d: {  	_ =	shalt  }
0x6e: {  	_ =	shalt  }
0x6f: {  	_ =	shalt  }
0x70: {  	_ =	shalt  }
0x71: {  	_ =	shalt  }
0x72: {  	_ =	shalt  }
0x73: {  	_ =	shalt  }
0x74: {  	_ =	shalt  }
0x75: {  	_ =	shalt  }
0x76: {  	_ =	shalt  }
0x77: {  	_ =	shalt  }
0x78: {  	_ =	shalt  }
0x79: {  	_ =	shalt  }
0x7a: {  	_ =	shalt  }
0x7b: {  	_ =	shalt  }
0x7c: {  	_ =	shalt  }
0x7d: {  	_ =	shalt  }
0x7e: {  	_ =	shalt  }
0x7f: {  	_ =	shalt  }
0x80: {  	_ =	shalt  }
0x81: {  	_ =	shalt  }
0x82: {  	_ =	shalt  }
0x83: {  	_ =	shalt  }
0x84: {  	_ =	shalt  }
0x85: {  	_ =	shalt  }
0x86: {  	_ =	shalt  }
0x87: {  	_ =	shalt  }
.Lfunc_end0:
.L_simem_size_0:
called_computation.3_lowered:
.L_overlay_start_0:
0x88: {  	s2 =	sld [smem:$0x3FD9]  }
0x89: {  	s3 =	sld [smem:$0x3FFE];
	_ =	sdelay $0x1  }
0x8a: {  	s1 =	srdreg.scid  }
0x8b: {  	s0 =	sand.u32 $0x1, s1  }
0x8c: {  	s16 =	sshll.u32 s0, $0xA;
	s2 =	sadd.s32 s3, s2  }
0x8d: {  	s2 =	sadd.s32 s2, s16  }
0x8e: {  	[smem:$0x3FBB] =	sst s2  }
0x8f: {  	_ = 	snop  }
0x90: {  	(tm) =	ssettm $0x1  }
0x91: {  	s17 =	sld [smem:$0x3FFB];
	_ =	sdelay $0x3  }
0x92: {  	_ =	strace s17  }
0x93: {  	s2 =	sld [smem:$0x3FFC];
	_ =	sdelay $0x3  }
0x94: {  	_ =	strace s2  }
0x95: {  	s2 =	sld [smem:$0x3FFD];
	_ =	sdelay $0x3  }
0x96: {  	_ =	strace s2  }
0x97: {  	_ =	strace $0x8FFFFFFF  }
0x98: {  	s18 =	sld [smem:$0x3FDB];
	_ =	sdelay $0x1  }
0x99: {  	s19 =	simm.s32 $_scs_section_size  }
0x9a: {  	s4 =	simm.s32 $_size__tile_overlayer_lowered;
	s5 =	simm.s32 $_tile_overlayer_lowered  }
0x9b: {  	s22 =	simm.s32 $0x1BFF;
	s21 =	sshll.u32 s5, $0x1;
	s2 =	sadd.s32 s19, s18  }
0x9c: {  	s6 =	simm.s32 $0x0;
	s20 =	sshll.u32 s4, $0x1;
	s4 =	sadd.s32 s21, s2  }
0x9d: {  	[timem:s6], [sflag:s22] =	dma.local [hbm:s4], s20  }
0x9e: {  	_ =	swait.ge [sflag:s22], s20  }
0x9f: {  	s3 =	ssub.s32 $0x0, s20;
	[sflag:s22] =	ssyncset.done $0x0  }
0xa0: {  	[sflag:s22] =	ssyncadd.s32 s3;
	_ =	sdelay $0x1  }
0xa1: {  	s23 =	simm.s32 $0x1B8B  }
0xa2: {  	_ =	swait.ge [sflag:s23], $0x1  }
0xa3: {  	[sflag:s23] =	ssyncset.done $0x0  }
0xa4: {  	s25 =	simm.s32 $0x1B8E;
	s24 =	sld [smem:$0x3FFE];
	[sflag:s23] =	ssyncadd.s32 $0xFFFFFFFF  }
0xa5: {  	s26 =	simm.s32 $execute0_lowered;
	[smem:$0x3FD2] =	sst s25  }
0xa6: {  	s4 =	sshll.u32 s26, $0x1;
	_ =	strace $0x8000004F;
	[dreg:$0x1] =	wrdreg $0xFFFFFFFF  }
0xa7: {  	s28 =	simm.s32 $_size_execute0_lowered;
	s2 =	sadd.s32 s2, s4;
	[dreg:$0x0] =	wrdreg $0x0  }
0xa8: {  	s4 =	sshll.u32 s28, $0x1;
	[dreg:$0x2] =	wrdreg s2  }
0xa9: {  	[dreg:$0x3] =	wrdreg s4  }
0xaa: {  	[dreg:$0x4] =	wrdreg $0xC0  }
0xab: {  	_ =	task [dreg:s6], $0x5FFFF  }
0xac: {  	[dreg:$0x1] =	wrdreg $0xFFFFFFFF  }
0xad: {  	[dreg:$0x0] =	wrdreg $0x60  }
0xae: {  	[dreg:$0x2] =	wrdreg s24  }
0xaf: {  	[dreg:$0x3] =	wrdreg $0xC3000  }
0xb0: {  	[dreg:$0x4] =	wrdreg $0x9  }
0xb1: {  	_ =	task.clear_ibuf [dreg:s6], $0x5FFFF;
	_ =	strace $0x9000004F  }
0xb2: {  	s29 =	simm.s32 $0x9;
	_ =	strace $0x80000051  }
0xb3: {  	_ =	swait.ge [sflag:s29], $0x1  }
0xb4: {  	[sflag:s29] =	ssyncadd.s32 $0xFFFFFFFF  }
0xb5: {  	_ =	strace $0x90000051  }
0xb6: {  	_ =	sfence  }
0xb7: {  	s30 =	sld [smem:$0x0];
	_ =	sdelay $0x2  }
0xb8: {  	s31 =	sshll.u32 s1, $0xD;
	s1 =	sshrl.u32 s1, $0x2  }
0xb9: {  	s3 =	sand.u32 $0x4000, s31;
	s1 =	sadd.s32 s1, s30  }
0xba: {  	s0 =	sor.u32 s3, s0;
	s1 =	sshll.u32 s1, $0x11  }
0xbb: {  	s0 =	sor.u32 s1, s0  }
0xbc: {  	s0 =	sadd.s32 $0x8F2B, s0  }
0xbd: {  	[sflag:s0] =	ssyncadd.remote.s32 $0x1  }
0xbe: {  	_ =	sfence.sel $0xFFFF  }
0xbf: {  	[dreg:$0x0] =	wrdreg $0xFFFFFFFF;
	(pc) =	sbr.abs _section_cstart, $3  }
0xc0: {  	[dreg:$0x1] =	wrdreg $0xFFFFFFFF  }
0xc1: {  	_ =	task.clear_ibuf [dreg:s6], $0x2FFFF;
	_ =	strace $0x9FFFFFFF  }
0xc2: {  	(tm) =	ssettm $0x7FFFFFFF  }
0xc3: {  	_ =	shalt  }
tec
execute0_lowered:
.L_overlay_start_1:
0x0: {  	(tag) =	ssettag $0x1  }
0x1: {  	s6 =	rddreg [dreg:$0x0]  }
0x2: {  	s1 =	rddreg [dreg:$0x1];
	s2 =	srdreg.scid  }
0x3: {  	s0 =	rddreg [dreg:$0x2];
	s3 =	simm.s32 $0x0;
	s15 =	simm.s32 $0x100  }
0x4: {  	s16 =	simm.s32 $0x80;
	s17 =	simm.s32 $0x300;
	s5 =	sand.u32 $0x1, s2  }
0x5: {  	s18 =	simm.s32 $0x1;
	s2 =	stileid.u32;
	s7 =	smul.u32 $0x2780, s5  }
0x6: {  	s19 =	simm.s32 $0x3;
	s20 =	simm.s32 $0x2;
	s8 =	smul.u32 $0x278, s2  }
0x7: {  	s21 =	simm.s32 $0x0;
	[smem:$0x7FF] =	sst s3;
	s9 =	smul.u32 $0x4F000, s2  }
0x8: {  	s4 =	sadd.s32 $0x35600, s6;
	_ =	strace $0x80000050;
	s28 =	smul.u32 $0x9E000, s5  }
0x9: {  	s10 =	ssub.s32 $0x2, s5;
	s11 =	smul.u32 $0x9E00, s2;
	s5 =	sadd.s32 $0xDE00, s6  }
0xa: {  	s30 =	sshll.u32 s2, $0x6;
	s29 =	sshrl.u32 s10, $0x1;
	s7 =	sadd.s32 s8, s7  }
0xb: {  	s13 =	ssub.s32 s10, s29;
	s9 =	sshrl.u32 s9, $0x2;
	s7 =	sshll.u32 s7, $0x4  }
0xc: {  	s8 =	sor.u32 $0x1C04, s30;
	s12 =	sadd.s32 s7, s6;
	s6 =	sadd.s32 s11, s28  }
0xd: {  	s14 =	sadd.s32 s9, s1;
	s7 =	sadd.s32 s4, s7;
	s31 =	sshrl.u32 s6, $0x3  }
0xe: {  	s11 =	sadd.s32 $0x84600, s12;
	s12 =	smax.u32 s13, $0x1;
	s9 =	sadd.s32 s5, s31  }
0xf: {  	s13 =	sshrl.u32 s14, $0x3;
	s14 =	simm.s32 $0x4;
	s10 =	sadd.s32 $0x20, s9  }
.LBB2_1:
0x10: {  	[spmem:s13], [sflag:s8] =	dma.local [hbm:s7], $0x2780  }
0x11: {  	s23 =	smul.u32 $0xAB, s3  }
0x12: {  	s22 =	simm.s32 $0x1;
	s25 =	simm.s32 $0x2;
	p0 =	por $0x1, $0x1  }
0x13: {  	_ =	swait.ge [sflag:s14], $0x2780;
	s24 =	sand.u32 $0xFF, s22;
	s26 =	sand.u32 $0xFF, s25  }
0x14: {  	s25 =	smin.u32 s25, $0x9D;
	s29 =	simm.s32 @!p0 $0x2;
	[sflag:s14] =	ssyncset.done $0x0  }
0x15: {  	s23 =	sshrl.u32 s23, $0x9;
	s24 =	smul.u32 $0xAB, s24;
	[sflag:s14] =	ssyncadd.s32 $0xFFFFD880  }
0x16: {  	[tilespmem:s3], [sflag:$0x4] =	stream.linear.gather [hbm4b:s9+s3], $0x100, $0x38;
	[tilespmem:$0x1FF00] =	vst v63  }
0x17: {  	s26 =	smul.u32 $0xAB, s26;
	s25 =	sshll.u32 s25, $0x8;
	_ =	swait.ge [sflag:s14], $0x100  }
0x18: {  	s23 =	sand.u32 $0x7F, s23;
	s25 =	sadd.s32 s6, s25;
	[sflag:s14] =	ssyncset.done $0x0  }
0x19: {  	s23 =	smul.u32 $0x3, s23;
	s24 =	sshrl.u32 s24, $0x9;
	[sflag:s14] =	ssyncadd.s32 $0xFFFFFF00  }
0x1a: {  	s26 =	sshrl.u32 s26, $0x9;
	s24 =	smul.u32 $0x3, s24;
	[bflag:$0x0] =	sbarrier.arrive $0xFFFF  }
0x1b: {  	[tilespmem:s15], [sflag:$0x3] =	stream.linear.gather [hbm4b:s10+s3], $0x100, $0x38;
	[tilespmem:$0x1FF00] =	vst v63  }
0x1c: {  	s25 =	sshrl.u32 s25, $0x3;
	s26 =	smul.u32 $0x3, s26;
	s23 =	ssub.s32 $0x0, s23  }
0x1d: {  	[tilespmem:s17], [sflag:$0x1] =	stream.indirect.gather [hbm4b:s4+s16], $0x80, s3, s16, $0xb8;
	[tilespmem:$0x1FF00] =	vst v63  }
0x1e: {  	s25 =	sadd.s32 s5, s25;
	s23 =	sand.u32 $0xFF, s23;
	_ =	swait.ge [sflag:s18], $0x4000  }
0x1f: {  	s28 =	sshll.u32 s23, $0xE;
	s23 =	sshll.u32 s23, $0x8;
	[sflag:s18] =	ssyncset.done $0x0  }
0x20: {  	s28 =	sor.u32 $0x300, s28;
	s23 =	sor.u32 $0x80, s23;
	[sflag:s18] =	ssyncadd.s32 $0xFFFFC000  }
0x21: {  	[spmem:s1] =	stream.indirect.scatter.add.f32 [tilespmem:s28], [sflag:$0x2], $0x80, s23, s16, $0xb8;
	[tilespmem:$0x1FF00] =	vst v63  }
0x22: {  	s24 =	ssub.s32 $0x1, s24;
	s30 =	ssub.s32 $0x2, s26;
	_ =	swait.ge @!p0 [sflag:s29], $0x4000  }
0x23: {  	s24 =	sand.u32 $0xFF, s24;
	s23 =	sand.u32 $0xFF, s30;
	[sflag:s29] =	ssyncset.done @!p0 $0x0  }
0x24: {  	s31 =	sshll.u32 s24, $0xE;
	s23 =	sshll.u32 s23, $0x8;
	[sflag:s29] =	ssyncadd.s32 @!p0 $0xFFFFC000  }
0x25: {  	[tilespmem:s23], [sflag:$0x3] =	stream.linear.gather [hbm4b:s25+s3], $0x100, $0x38;
	[tilespmem:$0x1FF00] =	vst v63  }
0x26: {  	s24 =	sshll.u32 s24, $0x8;
	s23 =	sor.u32 $0x300, s31  }
.LBB2_2:
0x27: {  	_ =	swait.ge [sflag:s19], $0x100;
	s25 =	smov.u32 s22  }
0x28: {  	s22 =	sadd.s32 $0x1, s22;
	[sflag:s19] =	ssyncset.done $0x0  }
0x29: {  	s26 =	smul.u32 $0xAB, s25;
	s28 =	sand.u32 $0xFF, s22;
	[sflag:s19] =	ssyncadd.s32 $0xFFFFFF00  }
0x2a: {  	[tilespmem:s23], [sflag:$0x1] =	stream.indirect.gather [hbm4b:s4+s16], $0x80, s24, s16, $0xb8;
	[tilespmem:$0x1FF00] =	vst v63  }
0x2b: {  	p0 =	sne.s32 s22, $0x9E;
	s23 =	sshrl.u32 s26, $0x9;
	s24 =	smul.u32 $0xAB, s28  }
0x2c: {  	p1 =	seq.s32 s25, $0x0;
	s23 =	sand.u32 $0x7F, s23  }
0x2d: {  	s26 =	sadd.s32 $0x2, s25;
	s23 =	smul.u32 $0x3, s23;
	s24 =	sshrl.u32 s24, $0x9  }
0x2e: {  	s28 =	sand.u32 $0xFF, s26;
	s29 =	smin.u32 s26, $0x9D;
	s24 =	smul.u32 $0x3, s24  }
0x2f: {  	s23 =	ssub.s32 s25, s23;
	s25 =	smul.u32 $0xAB, s28;
	s28 =	sshll.u32 s29, $0x8  }
0x30: {  	s23 =	sand.u32 $0xFF, s23;
	s28 =	sadd.s32 s6, s28;
	_ =	swait.ge [sflag:s18], $0x4000  }
0x31: {  	s25 =	sshrl.u32 s25, $0x9;
	s29 =	sshll.u32 s23, $0xE;
	s23 =	sshll.u32 s23, $0x8  }
0x32: {  	s25 =	smul.u32 $0x3, s25;
	s29 =	sor.u32 $0x300, s29;
	s23 =	sor.u32 $0x80, s23  }
0x33: {  	s30 =	simm.s32 @!p1 $0x2;
	s24 =	ssub.s32 s22, s24;
	[sflag:s18] =	ssyncset.done $0x0  }
0x34: {  	s25 =	ssub.s32 s26, s25;
	s26 =	sshrl.u32 s28, $0x3;
	[sflag:s18] =	ssyncadd.s32 $0xFFFFC000  }
0x35: {  	s24 =	sand.u32 $0xFF, s24;
	s25 =	sand.u32 $0xFF, s25  }
0x36: {  	[spmem:s1] =	stream.indirect.scatter.add.f32 [tilespmem:s29], [sflag:$0x2], $0x80, s23, s16, $0xb8;
	[tilespmem:$0x1FF00] =	vst v63  }
.Ltmp0:
0x37: {  	_ = 	snop;
	(pc) =	sbr.rel @p0 .LBB2_2-.Ltmp0, $4  }
0x38: {  	s23 =	sshll.u32 s24, $0xE;
	_ =	swait.ge @!p1 [sflag:s30], $0x4000  }
0x39: {  	s26 =	sadd.s32 s5, s26;
	s25 =	sshll.u32 s25, $0x8;
	[sflag:s30] =	ssyncset.done @!p1 $0x0  }
0x3a: {  	s24 =	sshll.u32 s24, $0x8;
	s23 =	sor.u32 $0x300, s23;
	[sflag:s30] =	ssyncadd.s32 @!p1 $0xFFFFC000  }
0x3b: {  	[tilespmem:s25], [sflag:$0x3] =	stream.linear.gather [hbm4b:s26+s3], $0x100, $0x38;
	[tilespmem:$0x1FF00] =	vst v63  }
0x3c: {  	_ =	swait.ge [sflag:s19], $0x100  }
0x3d: {  	[sflag:s19] =	ssyncset.done $0x0  }
0x3e: {  	[sflag:s19] =	ssyncadd.s32 $0xFFFFFF00  }
0x3f: {  	[tilespmem:s23], [sflag:$0x1] =	stream.indirect.gather [hbm4b:s4+s16], $0x80, s24, s16, $0xb8;
	[tilespmem:$0x1FF00] =	vst v63  }
0x40: {  	_ =	swait.ge [sflag:s18], $0x4000  }
0x41: {  	[sflag:s18] =	ssyncset.done $0x0  }
0x42: {  	[sflag:s18] =	ssyncadd.s32 $0xFFFFC000  }
0x43: {  	_ =	swait.ge [sflag:s20], $0x4000  }
0x44: {  	[sflag:s20] =	ssyncset.done $0x0  }
0x45: {  	[sflag:s20] =	ssyncadd.s32 $0xFFFFC000  }
0x46: {  	_ =	swait.ge [sflag:s19], $0x100  }
0x47: {  	s21 =	sadd.s32 $0x1, s21;
	[sflag:s19] =	ssyncset.done $0x0  }
0x48: {  	p0 =	sne.s32 s21, s12;
	[sflag:s19] =	ssyncadd.s32 $0xFFFFFF00  }
.Ltmp1:
0x49: {  	[bflag:$0x0] =	sbarrier.arrive $0xFFFF;
	(pc) =	sbr.rel @p0 .LBB2_1-.Ltmp1, $4  }
0x4a: {  	[hbm:s11], [sflag:s8] =	dma.local [spmem:s13], $0x2780  }
0x4b: {  	_ =	swait.ge [sflag:s14], $0x2780  }
0x4c: {  	[sflag:s14] =	ssyncset.done $0x0  }
0x4d: {  	[sflag:s14] =	ssyncadd.s32 $0xFFFFD880  }
0x4e: {  	_ =	sfence.sel $0x180000  }
0x4f: {  	[bflag:$0x0] =	sbarrier.arrive $0xFFFF  }
0x50: {  	p0 =	sne.s32 s2, $0x0;
	_ =	strace $0x90000050  }
0x51: {  	s0 =	sadd.s32 @!p0 $0x100000, s0;
	[bflag:$0x2] =	sbarrier.arrive $0xFFFF  }
0x52: {  	[sflag:s0] =	ssyncadd.tile.s32 @!p0 $0x1;
	_ =	shalt  }
.Lfunc_end2:
_tile_overlayer_lowered:
.L_overlay_start_2:
0x53: {  	(tag) =	ssettag $0x2  }
0x54: {  	s0 =	rddreg [dreg:$0x0];
	s2 =	stileid.u32  }
0x55: {  	s1 =	rddreg [dreg:$0x1];
	p0 =	sne.s32 s2, $0x0  }
0x56: {  	s3 =	rddreg [dreg:$0x2];
	[bflag:$0x3] =	sbarrier.arrive $0xFFFF;
	s2 =	simm.s32 @!p0 $0x1C04  }
0x57: {  	[timem:s3], [sflag:s2] =	dma.local @!p0 [hbm:s0], s1  }
0x58: {  	s0 =	simm.s32 @!p0 $0x4  }
0x59: {  	_ =	swait.ge @!p0 [sflag:s0], s1  }
0x5a: {  	s1 =	ssub.s32 @!p0 $0x0, s1;
	[sflag:s0] =	ssyncset.done @!p0 $0x0  }
0x5b: {  	[sflag:s0] =	ssyncadd.s32 @!p0 s1  }
0x5c: {  	[bflag:$0x3] =	sbarrier.arrive $0xFFFF  }
0x5d: {  	_ =	shalt  }

</sc_bundles>
